<compile_context>
chip_gen: v7x
topology: tpu7x:2x2x1
jax: 0.10.2.dev20260603
libtpu: 0.0.44.dev20260713+nightly
codegen_flags: <defaults>
</compile_context>

<pallas_src>
import functools

import jax
import jax.numpy as jnp
from jax import lax
from jax.experimental import pallas as pl
from jax.experimental.pallas import tpu as pltpu
from jax.experimental.pallas import tpu_sc as plsc

KEEP = 0.1
L = 16


def _au(v):
    return lax.bitcast_convert_type(v, jnp.int32) & jnp.int32(0x7FFFFFFF)


def _hist_clear(hist, nbins):
    zeros = jnp.zeros((L,), jnp.int32)

    @plsc.parallel_loop(0, nbins // L, unroll=4)
    def _(j):
        hist[pl.ds(j * L, L)] = zeros


def _hist_pass(xv, hist, lo, hi, shift, bmask, prefix_shift, prefix):
    ones = jnp.full((L,), 1, jnp.int32)

    @plsc.parallel_loop(lo // L, hi // L, unroll=8)
    def _(i):
        au = _au(xv[pl.ds(i * L, L)])
        b = (au >> shift) & jnp.int32(bmask)
        if prefix_shift >= 32:
            m = jnp.full((L,), True, jnp.bool_)
        else:
            m = (au >> prefix_shift) == prefix
        plsc.addupdate_scatter(hist, [b], ones, mask=m)


def _hist_select(hist, nbins, r):
    iota = lax.iota(jnp.int32, L)
    zeros = jnp.zeros((L,), jnp.int32)
    init = (jnp.int32(0), jnp.int32(0), jnp.int32(0))

    @plsc.parallel_loop(0, nbins // L, unroll=2, carry=init)
    def carry_out(j, carry):
        cum_in, b_sel, above_sel = carry
        start = nbins - (j + 1) * L
        h = hist[pl.ds(start, L)]
        hr = lax.rev(h, (0,))
        cum = jax.lax.cumsum(hr, axis=0) + cum_in
        prev = cum - hr
        is_b = jnp.logical_and(cum >= r, prev < r)
        binv = jnp.int32(nbins - 1) - (jnp.int32(j * L) + iota)
        b_sel = b_sel + jnp.sum(jnp.where(is_b, binv, 0))
        above_sel = above_sel + jnp.sum(jnp.where(is_b, prev, 0))
        cum_out = cum_in + jnp.sum(h)
        return cum_out, b_sel, above_sel

    _, b_sel, above_sel = carry_out
    return b_sel, above_sel


def _select_threshold(xv, hist, n, k):
    r = jnp.int32(k)
    b1, above = _hist_select(hist, 1024, r)
    r = r - above
    _hist_clear(hist, 2048)
    _hist_pass(xv, hist, 0, n, 10, 0x7FF, 21, b1)
    b2, above = _hist_select(hist, 2048, r)
    r = r - above
    p12 = (b1 << 11) | b2
    _hist_clear(hist, 1024)
    _hist_pass(xv, hist, 0, n, 0, 0x3FF, 10, p12)
    b3, _ = _hist_select(hist, 1024, r)
    return (p12 << 10) | b3


def _mask_pass(xv, t, lo, hi):
    @plsc.parallel_loop(lo // L, hi // L, unroll=8)
    def _(i):
        v = xv[pl.ds(i * L, L)]
        xv[pl.ds(i * L, L)] = jnp.where(_au(v) >= t, v, jnp.float32(0.0))


def _make_sc_kernel(B, N, k, rows_per_w):
    mesh = plsc.VectorSubcoreMesh(core_axis_name="c", subcore_axis_name="s")
    H = N // 2

    @functools.partial(
        pl.kernel,
        mesh=mesh,
        out_type=jax.ShapeDtypeStruct((B, N), jnp.float32),
        scratch_types=[
            pltpu.VMEM((N,), jnp.float32),
            pltpu.VMEM((N,), jnp.float32),
            pltpu.VMEM((2048,), jnp.int32),
            pltpu.SemaphoreType.DMA,
            pltpu.SemaphoreType.DMA,
            pltpu.SemaphoreType.DMA,
            pltpu.SemaphoreType.DMA,
            pltpu.SemaphoreType.DMA,
        ],
        compiler_params=pltpu.CompilerParams(needs_layout_passes=False),
    )
    def sc_k(x_hbm, out_hbm, xv0, xv1, hist, sa, sb, si1, so0, so1):
        nc = 2
        wid = lax.axis_index("s") * nc + lax.axis_index("c")
        r0 = wid * rows_per_w
        r1 = r0 + 1

        inA = pltpu.async_copy(x_hbm.at[r0, pl.ds(0, H)], xv0.at[pl.ds(0, H)], sa)
        inB = pltpu.async_copy(x_hbm.at[r0, pl.ds(H, H)], xv0.at[pl.ds(H, H)], sb)
        in1 = pltpu.async_copy(x_hbm.at[r1], xv1, si1)

        _hist_clear(hist, 1024)
        inA.wait()
        _hist_pass(xv0, hist, 0, H, 21, 0x3FF, 32, 0)
        inB.wait()
        _hist_pass(xv0, hist, H, N, 21, 0x3FF, 32, 0)
        t0 = _select_threshold(xv0, hist, N, k)
        _mask_pass(xv0, t0, 0, N)
        out0 = pltpu.async_copy(xv0, out_hbm.at[r0], so0)

        in1.wait()
        _hist_clear(hist, 1024)
        _hist_pass(xv1, hist, 0, N, 21, 0x3FF, 32, 0)
        t1 = _select_threshold(xv1, hist, N, k)
        _mask_pass(xv1, t1, 0, H)
        outA = pltpu.async_copy(xv1.at[pl.ds(0, H)], out_hbm.at[r1, pl.ds(0, H)], so1)
        _mask_pass(xv1, t1, H, N)
        outB = pltpu.async_copy(xv1.at[pl.ds(H, H)], out_hbm.at[r1, pl.ds(H, H)], sa)

        out0.wait()
        outA.wait()
        outB.wait()

    return sc_k


def kernel(x):
    B, N = x.shape
    k = max(1, int(N * KEEP))
    return _make_sc_kernel(B, N, k, B // 32)(x)

# --- scband reference (transcript-rebuilt; emitter-appended) ---
"""Pipeline reference for scband-select-re-lu-64905545777512 (READ-ONLY COPY).

The authoritative reference and input builder live on the scoring server;
editing this copy changes nothing except your own understanding.
"""

import jax, jax.numpy as jnp
import numpy as np

KEEP_PERCENT = 0.1

def setup_inputs(seed: int = 0) -> dict:
    key = jax.random.key(seed)
    x = jax.random.normal(key, (64, 32768), dtype=jnp.float32)
    return {"x": x}

def reference(x):
    # SelectReLU with use_relu=False: pass-through ReLU skipped, then SelectionLayer
    # SelectionLayer(keep_percent=0.1): keep top 10% of units per example by
    # magnitude, zero out the rest (meProp-style activation selection).
    B, N = x.shape
    k = max(1, int(N * KEEP_PERCENT))
    _, idx = jax.lax.top_k(jnp.abs(x), k)
    rows = jnp.arange(B)[:, None]
    mask = jnp.zeros((B, N), dtype=x.dtype).at[rows, idx].set(1.0)
    return x * mask

if __name__ == "__main__":
    import jax
    _d = setup_inputs()
    print(jax.jit(kernel)(*tuple(_d.values())))

</pallas_src>

<mosaic_0001>
#map = affine_map<(d0, d1) -> (0, 0)>
module attributes {stable_mosaic.version = 14 : i64} {
  func.func @sc_k(%arg0: i32, %arg1: i32, %arg2: memref<64x32768xf32, #tpu.memory_space<hbm>>, %arg3: memref<64x32768xf32, #tpu.memory_space<hbm>>, %arg4: memref<32768xf32, #tpu.memory_space<vmem>>, %arg5: memref<32768xf32, #tpu.memory_space<vmem>>, %arg6: memref<2048xi32, #tpu.memory_space<vmem>>, %arg7: memref<!tpu.dma_semaphore, #tpu.memory_space<semaphore_mem>>, %arg8: memref<!tpu.dma_semaphore, #tpu.memory_space<semaphore_mem>>, %arg9: memref<!tpu.dma_semaphore, #tpu.memory_space<semaphore_mem>>, %arg10: memref<!tpu.dma_semaphore, #tpu.memory_space<semaphore_mem>>, %arg11: memref<!tpu.dma_semaphore, #tpu.memory_space<semaphore_mem>>) attributes {dimension_semantics = [#tpu.dimension_semantics<core_parallel>, #tpu.dimension_semantics<subcore_parallel>], iteration_bounds = array<i64: 2, 16>, scalar_prefetch = 0 : i64, scratch_operands = 8 : i64, tpu.core_type = #tpu.core_type<sc_vector_subcore>, window_params = [{transform_indices = #map}, {transform_indices = #map}]} {
    %mul3A = arith.constant 2 : i32
    %mul3A_0 = arith.muli %arg1, %mul3A : i32
    %add3A = arith.addi %mul3A_0, %arg0 : i32
    %mul3A_1 = arith.constant 2 : i32
    %mul3A_2 = arith.muli %add3A, %mul3A_1 : i32
    %add3A_3 = arith.constant 1 : i32
    %add3A_4 = arith.addi %mul3A_2, %add3A_3 : i32
    %dma_start3A = arith.constant 0 : i32
    %dma_start3A_5 = tpu.memref_slice %arg4[%dma_start3A] : memref<32768xf32, #tpu.memory_space<vmem>> -> memref<16384xf32, #tpu.memory_space<vmem>>
    %dma_start3A_6 = arith.constant 0 : i32
    %dma_start3A_7 = tpu.memref_slice %arg2[%mul3A_2, %dma_start3A_6] : memref<64x32768xf32, #tpu.memory_space<hbm>> -> memref<1x16384xf32, #tpu.memory_space<hbm>>
    %dma_start3A_8 = tpu.memref_squeeze %dma_start3A_7 : memref<1x16384xf32, #tpu.memory_space<hbm>> -> memref<16384xf32, #tpu.memory_space<hbm>>
    %dma_start3A_9 = arith.constant 0 : i32
    %dma_start3A_10 = tpu.memref_slice %arg4[%dma_start3A_9] : memref<32768xf32, #tpu.memory_space<vmem>> -> memref<16384xf32, #tpu.memory_space<vmem>>
    %dma_start3A_11 = arith.constant 0 : i32
    %dma_start3A_12 = tpu.memref_slice %arg2[%mul3A_2, %dma_start3A_11] : memref<64x32768xf32, #tpu.memory_space<hbm>> -> memref<1x16384xf32, #tpu.memory_space<hbm>>
    %dma_start3A_13 = tpu.memref_squeeze %dma_start3A_12 : memref<1x16384xf32, #tpu.memory_space<hbm>> -> memref<16384xf32, #tpu.memory_space<hbm>>
    tpu.enqueue_dma source(%dma_start3A_13 : memref<16384xf32, #tpu.memory_space<hbm>>) target(%dma_start3A_10 : memref<16384xf32, #tpu.memory_space<vmem>>) target_semaphore(%arg7 : memref<!tpu.dma_semaphore, #tpu.memory_space<semaphore_mem>>)
    %dma_start3A_14 = arith.constant 16384 : i32
    %dma_start3A_15 = tpu.memref_slice %arg4[%dma_start3A_14] : memref<32768xf32, #tpu.memory_space<vmem>> -> memref<16384xf32, #tpu.memory_space<vmem>>
    %dma_start3A_16 = arith.constant 16384 : i32
    %dma_start3A_17 = tpu.memref_slice %arg2[%mul3A_2, %dma_start3A_16] : memref<64x32768xf32, #tpu.memory_space<hbm>> -> memref<1x16384xf32, #tpu.memory_space<hbm>>
    %dma_start3A_18 = tpu.memref_squeeze %dma_start3A_17 : memref<1x16384xf32, #tpu.memory_space<hbm>> -> memref<16384xf32, #tpu.memory_space<hbm>>
    %dma_start3A_19 = arith.constant 16384 : i32
    %dma_start3A_20 = tpu.memref_slice %arg4[%dma_start3A_19] : memref<32768xf32, #tpu.memory_space<vmem>> -> memref<16384xf32, #tpu.memory_space<vmem>>
    %dma_start3A_21 = arith.constant 16384 : i32
    %dma_start3A_22 = tpu.memref_slice %arg2[%mul3A_2, %dma_start3A_21] : memref<64x32768xf32, #tpu.memory_space<hbm>> -> memref<1x16384xf32, #tpu.memory_space<hbm>>
    %dma_start3A_23 = tpu.memref_squeeze %dma_start3A_22 : memref<1x16384xf32, #tpu.memory_space<hbm>> -> memref<16384xf32, #tpu.memory_space<hbm>>
    tpu.enqueue_dma source(%dma_start3A_23 : memref<16384xf32, #tpu.memory_space<hbm>>) target(%dma_start3A_20 : memref<16384xf32, #tpu.memory_space<vmem>>) target_semaphore(%arg8 : memref<!tpu.dma_semaphore, #tpu.memory_space<semaphore_mem>>)
    %dma_start3A_24 = arith.constant 0 : i32
    %dma_start3A_25 = tpu.memref_slice %arg2[%add3A_4, %dma_start3A_24] : memref<64x32768xf32, #tpu.memory_space<hbm>> -> memref<1x32768xf32, #tpu.memory_space<hbm>>
    %dma_start3A_26 = tpu.memref_squeeze %dma_start3A_25 : memref<1x32768xf32, #tpu.memory_space<hbm>> -> memref<32768xf32, #tpu.memory_space<hbm>>
    %dma_start3A_27 = arith.constant 0 : i32
    %dma_start3A_28 = tpu.memref_slice %arg2[%add3A_4, %dma_start3A_27] : memref<64x32768xf32, #tpu.memory_space<hbm>> -> memref<1x32768xf32, #tpu.memory_space<hbm>>
    %dma_start3A_29 = tpu.memref_squeeze %dma_start3A_28 : memref<1x32768xf32, #tpu.memory_space<hbm>> -> memref<32768xf32, #tpu.memory_space<hbm>>
    tpu.enqueue_dma source(%dma_start3A_29 : memref<32768xf32, #tpu.memory_space<hbm>>) target(%arg5 : memref<32768xf32, #tpu.memory_space<vmem>>) target_semaphore(%arg9 : memref<!tpu.dma_semaphore, #tpu.memory_space<semaphore_mem>>)
    %broadcast_in_dim3A = arith.constant 0 : i32
    %broadcast_in_dim3A_30 = vector.broadcast %broadcast_in_dim3A : i32 to vector<16xi32>
    %parallel_loop3A = arith.constant 0 : i32
    %parallel_loop3A_31 = arith.constant 64 : i32
    %parallel_loop3A_32 = arith.constant 1 : i32
    scf.for %parallel_loop3A_255 = %parallel_loop3A to %parallel_loop3A_31 step %parallel_loop3A_32  : i32 {
      %parallel_loop3A_256 = arith.constant 16 : i32
      %parallel_loop3A_257 = arith.muli %parallel_loop3A_255, %parallel_loop3A_256 : i32
      %parallel_loop3A_258 = arith.index_cast %parallel_loop3A_257 : i32 to index
      %parallel_loop3A_259 = tpu.vector_load %arg6[%parallel_loop3A_258] {strides = array<i32>} : memref<2048xi32, #tpu.memory_space<vmem>>, vector<16xi32>,
      tpu.vector_store %arg6[%parallel_loop3A_258], %broadcast_in_dim3A_30 {strides = array<i32>} : memref<2048xi32, #tpu.memory_space<vmem>>, vector<16xi32>,
    } {sc.loop_unroll_factor = 4 : i64, sc.parallel_access}
    %dma_wait3A = arith.constant 0 : i32
    %dma_wait3A_33 = tpu.memref_slice %arg4[%dma_wait3A] : memref<32768xf32, #tpu.memory_space<vmem>> -> memref<16384xf32, #tpu.memory_space<vmem>>
    %dma_wait3A_34 = arith.constant 0 : i32
    %dma_wait3A_35 = tpu.memref_slice %arg2[%mul3A_2, %dma_wait3A_34] : memref<64x32768xf32, #tpu.memory_space<hbm>> -> memref<1x16384xf32, #tpu.memory_space<hbm>>
    %dma_wait3A_36 = tpu.memref_squeeze %dma_wait3A_35 : memref<1x16384xf32, #tpu.memory_space<hbm>> -> memref<16384xf32, #tpu.memory_space<hbm>>
    %dma_wait3A_37 = arith.constant 0 : i32
    %dma_wait3A_38 = tpu.memref_slice %arg4[%dma_wait3A_37] : memref<32768xf32, #tpu.memory_space<vmem>> -> memref<16384xf32, #tpu.memory_space<vmem>>
    %dma_wait3A_39 = arith.constant 0 : i32
    %dma_wait3A_40 = tpu.memref_slice %arg2[%mul3A_2, %dma_wait3A_39] : memref<64x32768xf32, #tpu.memory_space<hbm>> -> memref<1x16384xf32, #tpu.memory_space<hbm>>
    %dma_wait3A_41 = tpu.memref_squeeze %dma_wait3A_40 : memref<1x16384xf32, #tpu.memory_space<hbm>> -> memref<16384xf32, #tpu.memory_space<hbm>>
    tpu.wait_dma2 semaphore(%arg7 : memref<!tpu.dma_semaphore, #tpu.memory_space<semaphore_mem>>) src(%dma_wait3A_41 : memref<16384xf32, #tpu.memory_space<hbm>>) dst(%dma_wait3A_38 : memref<16384xf32, #tpu.memory_space<vmem>>)
    %broadcast_in_dim3A_42 = arith.constant 1 : i32
    %broadcast_in_dim3A_43 = vector.broadcast %broadcast_in_dim3A_42 : i32 to vector<16xi32>
    %parallel_loop3A_44 = arith.constant 0 : i32
    %parallel_loop3A_45 = arith.constant 1024 : i32
    %parallel_loop3A_46 = arith.constant 1 : i32
    scf.for %parallel_loop3A_255 = %parallel_loop3A_44 to %parallel_loop3A_45 step %parallel_loop3A_46  : i32 {
      %parallel_loop3A_256 = arith.constant 16 : i32
      %parallel_loop3A_257 = arith.muli %parallel_loop3A_255, %parallel_loop3A_256 : i32
      %parallel_loop3A_258 = arith.index_cast %parallel_loop3A_257 : i32 to index
      %parallel_loop3A_259 = tpu.vector_load %arg4[%parallel_loop3A_258] {strides = array<i32>} : memref<32768xf32, #tpu.memory_space<vmem>>, vector<16xf32>,
      %parallel_loop3A_260 = tpu.bitcast %parallel_loop3A_259 : vector<16xf32> -> vector<16xi32>
      %parallel_loop3A_261 = arith.constant 2147483647 : i32
      %parallel_loop3A_262 = vector.broadcast %parallel_loop3A_261 : i32 to vector<16xi32>
      %parallel_loop3A_263 = arith.andi %parallel_loop3A_260, %parallel_loop3A_262 : vector<16xi32>
      %parallel_loop3A_264 = arith.constant 21 : i32
      %parallel_loop3A_265 = vector.broadcast %parallel_loop3A_264 : i32 to vector<16xi32>
      %parallel_loop3A_266 = arith.shrsi %parallel_loop3A_263, %parallel_loop3A_265 : vector<16xi32>
      %parallel_loop3A_267 = arith.constant 1023 : i32
      %parallel_loop3A_268 = vector.broadcast %parallel_loop3A_267 : i32 to vector<16xi32>
      %parallel_loop3A_269 = arith.andi %parallel_loop3A_266, %parallel_loop3A_268 : vector<16xi32>
      %parallel_loop3A_270 = arith.constant true
      %parallel_loop3A_271 = vector.broadcast %parallel_loop3A_270 : i1 to vector<16xi1>
      tpu.vector_store_idx %arg6[%parallel_loop3A_269], %broadcast_in_dim3A_43 masked %parallel_loop3A_271 {add = true} : memref<2048xi32, #tpu.memory_space<vmem>>[vector<16xi32>], vector<16xi32>, vector<16xi1>
    } {sc.loop_unroll_factor = 8 : i64, sc.parallel_access}
    %dma_wait3A_47 = arith.constant 16384 : i32
    %dma_wait3A_48 = tpu.memref_slice %arg4[%dma_wait3A_47] : memref<32768xf32, #tpu.memory_space<vmem>> -> memref<16384xf32, #tpu.memory_space<vmem>>
    %dma_wait3A_49 = arith.constant 16384 : i32
    %dma_wait3A_50 = tpu.memref_slice %arg2[%mul3A_2, %dma_wait3A_49] : memref<64x32768xf32, #tpu.memory_space<hbm>> -> memref<1x16384xf32, #tpu.memory_space<hbm>>
    %dma_wait3A_51 = tpu.memref_squeeze %dma_wait3A_50 : memref<1x16384xf32, #tpu.memory_space<hbm>> -> memref<16384xf32, #tpu.memory_space<hbm>>
    %dma_wait3A_52 = arith.constant 16384 : i32
    %dma_wait3A_53 = tpu.memref_slice %arg4[%dma_wait3A_52] : memref<32768xf32, #tpu.memory_space<vmem>> -> memref<16384xf32, #tpu.memory_space<vmem>>
    %dma_wait3A_54 = arith.constant 16384 : i32
    %dma_wait3A_55 = tpu.memref_slice %arg2[%mul3A_2, %dma_wait3A_54] : memref<64x32768xf32, #tpu.memory_space<hbm>> -> memref<1x16384xf32, #tpu.memory_space<hbm>>
    %dma_wait3A_56 = tpu.memref_squeeze %dma_wait3A_55 : memref<1x16384xf32, #tpu.memory_space<hbm>> -> memref<16384xf32, #tpu.memory_space<hbm>>
    tpu.wait_dma2 semaphore(%arg8 : memref<!tpu.dma_semaphore, #tpu.memory_space<semaphore_mem>>) src(%dma_wait3A_56 : memref<16384xf32, #tpu.memory_space<hbm>>) dst(%dma_wait3A_53 : memref<16384xf32, #tpu.memory_space<vmem>>)
    %broadcast_in_dim3A_57 = arith.constant 1 : i32
    %broadcast_in_dim3A_58 = vector.broadcast %broadcast_in_dim3A_57 : i32 to vector<16xi32>
    %parallel_loop3A_59 = arith.constant 1024 : i32
    %parallel_loop3A_60 = arith.constant 2048 : i32
    %parallel_loop3A_61 = arith.constant 1 : i32
    scf.for %parallel_loop3A_255 = %parallel_loop3A_59 to %parallel_loop3A_60 step %parallel_loop3A_61  : i32 {
      %parallel_loop3A_256 = arith.constant 16 : i32
      %parallel_loop3A_257 = arith.muli %parallel_loop3A_255, %parallel_loop3A_256 : i32
      %parallel_loop3A_258 = arith.index_cast %parallel_loop3A_257 : i32 to index
      %parallel_loop3A_259 = tpu.vector_load %arg4[%parallel_loop3A_258] {strides = array<i32>} : memref<32768xf32, #tpu.memory_space<vmem>>, vector<16xf32>,
      %parallel_loop3A_260 = tpu.bitcast %parallel_loop3A_259 : vector<16xf32> -> vector<16xi32>
      %parallel_loop3A_261 = arith.constant 2147483647 : i32
      %parallel_loop3A_262 = vector.broadcast %parallel_loop3A_261 : i32 to vector<16xi32>
      %parallel_loop3A_263 = arith.andi %parallel_loop3A_260, %parallel_loop3A_262 : vector<16xi32>
      %parallel_loop3A_264 = arith.constant 21 : i32
      %parallel_loop3A_265 = vector.broadcast %parallel_loop3A_264 : i32 to vector<16xi32>
      %parallel_loop3A_266 = arith.shrsi %parallel_loop3A_263, %parallel_loop3A_265 : vector<16xi32>
      %parallel_loop3A_267 = arith.constant 1023 : i32
      %parallel_loop3A_268 = vector.broadcast %parallel_loop3A_267 : i32 to vector<16xi32>
      %parallel_loop3A_269 = arith.andi %parallel_loop3A_266, %parallel_loop3A_268 : vector<16xi32>
      %parallel_loop3A_270 = arith.constant true
      %parallel_loop3A_271 = vector.broadcast %parallel_loop3A_270 : i1 to vector<16xi1>
      tpu.vector_store_idx %arg6[%parallel_loop3A_269], %broadcast_in_dim3A_58 masked %parallel_loop3A_271 {add = true} : memref<2048xi32, #tpu.memory_space<vmem>>[vector<16xi32>], vector<16xi32>, vector<16xi1>
    } {sc.loop_unroll_factor = 8 : i64, sc.parallel_access}
    %iota3A = tpu.iota {dimensions = array<i32: 0>} : vector<16xi32>
    %broadcast_in_dim3A_62 = arith.constant 0 : i32
    %broadcast_in_dim3A_63 = vector.broadcast %broadcast_in_dim3A_62 : i32 to vector<16xi32>
    %parallel_loop3A_64 = arith.constant 0 : i32
    %parallel_loop3A_65 = arith.constant 64 : i32
    %parallel_loop3A_66 = arith.constant 1 : i32
    %parallel_loop3A_67 = arith.constant 3276 : i32
    %parallel_loop3A_68 = arith.constant 0 : i32
    %parallel_loop3A_69 = arith.constant 0 : i32
    %parallel_loop3A_70 = arith.constant 0 : i32
    %parallel_loop3A_71:3 = scf.for %parallel_loop3A_255 = %parallel_loop3A_64 to %parallel_loop3A_65 step %parallel_loop3A_66 iter_args(%parallel_loop3A_256 = %parallel_loop3A_68, %parallel_loop3A_257 = %parallel_loop3A_69, %parallel_loop3A_258 = %parallel_loop3A_70) -> (i32, i32, i32)  : i32 {
      %parallel_loop3A_259 = arith.constant 1 : i32
      %parallel_loop3A_260 = arith.addi %parallel_loop3A_255, %parallel_loop3A_259 : i32
      %parallel_loop3A_261 = arith.constant 16 : i32
      %parallel_loop3A_262 = arith.muli %parallel_loop3A_260, %parallel_loop3A_261 : i32
      %parallel_loop3A_263 = arith.constant 1024 : i32
      %parallel_loop3A_264 = arith.subi %parallel_loop3A_263, %parallel_loop3A_262 : i32
      %parallel_loop3A_265 = arith.index_cast %parallel_loop3A_264 : i32 to index
      %parallel_loop3A_266 = tpu.vector_load %arg6[%parallel_loop3A_265] {strides = array<i32>} : memref<2048xi32, #tpu.memory_space<vmem>>, vector<16xi32>,
      %parallel_loop3A_267 = arith.constant 15 : i32
      %parallel_loop3A_268 = vector.broadcast %parallel_loop3A_267 : i32 to vector<16xi32>
      %parallel_loop3A_269 = tpu.iota {dimensions = array<i32: 0>} : vector<16xi32>
      %parallel_loop3A_270 = arith.subi %parallel_loop3A_268, %parallel_loop3A_269 : vector<16xi32>
      %parallel_loop3A_271 = tpu.dynamic_gather %parallel_loop3A_266[%parallel_loop3A_270] in [0] : vector<16xi32>, vector<16xi32> -> vector<16xi32>
      %parallel_loop3A_272 = arith.constant true
      %parallel_loop3A_273 = vector.broadcast %parallel_loop3A_272 : i1 to vector<16xi1>
      %parallel_loop3A_274 = tpu.scan <sum>, %parallel_loop3A_271 masked %parallel_loop3A_273 : vector<16xi32>, vector<16xi1> -> vector<16xi32>
      %parallel_loop3A_275 = vector.broadcast %parallel_loop3A_256 : i32 to vector<16xi32>
      %parallel_loop3A_276 = arith.addi %parallel_loop3A_274, %parallel_loop3A_275 : vector<16xi32>
      %parallel_loop3A_277 = arith.subi %parallel_loop3A_276, %parallel_loop3A_271 : vector<16xi32>
      %parallel_loop3A_278 = vector.broadcast %parallel_loop3A_67 : i32 to vector<16xi32>
      %parallel_loop3A_279 = arith.cmpi sge, %parallel_loop3A_276, %parallel_loop3A_278 : vector<16xi32>
      %parallel_loop3A_280 = vector.broadcast %parallel_loop3A_67 : i32 to vector<16xi32>
      %parallel_loop3A_281 = arith.cmpi slt, %parallel_loop3A_277, %parallel_loop3A_280 : vector<16xi32>
      %parallel_loop3A_282 = arith.andi %parallel_loop3A_279, %parallel_loop3A_281 : vector<16xi1>
      %parallel_loop3A_283 = arith.constant 16 : i32
      %parallel_loop3A_284 = arith.muli %parallel_loop3A_255, %parallel_loop3A_283 : i32
      %parallel_loop3A_285 = vector.broadcast %parallel_loop3A_284 : i32 to vector<16xi32>
      %parallel_loop3A_286 = arith.addi %parallel_loop3A_285, %iota3A : vector<16xi32>
      %parallel_loop3A_287 = arith.constant 1023 : i32
      %parallel_loop3A_288 = vector.broadcast %parallel_loop3A_287 : i32 to vector<16xi32>
      %parallel_loop3A_289 = arith.subi %parallel_loop3A_288, %parallel_loop3A_286 : vector<16xi32>
      %parallel_loop3A_290 = arith.constant 0 : i32
      %parallel_loop3A_291 = vector.broadcast %parallel_loop3A_290 : i32 to vector<16xi32>
      %parallel_loop3A_292 = arith.select %parallel_loop3A_282, %parallel_loop3A_289, %parallel_loop3A_291 : vector<16xi1>, vector<16xi32>
      %parallel_loop3A_293 = arith.constant true
      %parallel_loop3A_294 = vector.broadcast %parallel_loop3A_293 : i1 to vector<16xi1>
      %parallel_loop3A_295 = tpu.scan <sum>, %parallel_loop3A_292 masked %parallel_loop3A_294 : vector<16xi32>, vector<16xi1> -> vector<16xi32>
      %parallel_loop3A_296 = vector.extract %parallel_loop3A_295[15] : i32 from vector<16xi32>
      %parallel_loop3A_297 = arith.addi %parallel_loop3A_257, %parallel_loop3A_296 : i32
      %parallel_loop3A_298 = arith.constant 0 : i32
      %parallel_loop3A_299 = vector.broadcast %parallel_loop3A_298 : i32 to vector<16xi32>
      %parallel_loop3A_300 = arith.select %parallel_loop3A_282, %parallel_loop3A_277, %parallel_loop3A_299 : vector<16xi1>, vector<16xi32>
      %parallel_loop3A_301 = arith.constant true
      %parallel_loop3A_302 = vector.broadcast %parallel_loop3A_301 : i1 to vector<16xi1>
      %parallel_loop3A_303 = tpu.scan <sum>, %parallel_loop3A_300 masked %parallel_loop3A_302 : vector<16xi32>, vector<16xi1> -> vector<16xi32>
      %parallel_loop3A_304 = vector.extract %parallel_loop3A_303[15] : i32 from vector<16xi32>
      %parallel_loop3A_305 = arith.addi %parallel_loop3A_258, %parallel_loop3A_304 : i32
      %parallel_loop3A_306 = arith.constant true
      %parallel_loop3A_307 = vector.broadcast %parallel_loop3A_306 : i1 to vector<16xi1>
      %parallel_loop3A_308 = tpu.scan <sum>, %parallel_loop3A_266 masked %parallel_loop3A_307 : vector<16xi32>, vector<16xi1> -> vector<16xi32>
      %parallel_loop3A_309 = vector.extract %parallel_loop3A_308[15] : i32 from vector<16xi32>
      %parallel_loop3A_310 = arith.addi %parallel_loop3A_256, %parallel_loop3A_309 : i32
      scf.yield %parallel_loop3A_310, %parallel_loop3A_297, %parallel_loop3A_305 : i32, i32, i32
    } {sc.loop_unroll_factor = 2 : i64, sc.parallel_access}
    %sub3A = arith.constant 3276 : i32
    %sub3A_72 = arith.subi %sub3A, %parallel_loop3A_71#2 : i32
    %broadcast_in_dim3A_73 = arith.constant 0 : i32
    %broadcast_in_dim3A_74 = vector.broadcast %broadcast_in_dim3A_73 : i32 to vector<16xi32>
    %parallel_loop3A_75 = arith.constant 0 : i32
    %parallel_loop3A_76 = arith.constant 128 : i32
    %parallel_loop3A_77 = arith.constant 1 : i32
    scf.for %parallel_loop3A_255 = %parallel_loop3A_75 to %parallel_loop3A_76 step %parallel_loop3A_77  : i32 {
      %parallel_loop3A_256 = arith.constant 16 : i32
      %parallel_loop3A_257 = arith.muli %parallel_loop3A_255, %parallel_loop3A_256 : i32
      %parallel_loop3A_258 = arith.index_cast %parallel_loop3A_257 : i32 to index
      %parallel_loop3A_259 = tpu.vector_load %arg6[%parallel_loop3A_258] {strides = array<i32>} : memref<2048xi32, #tpu.memory_space<vmem>>, vector<16xi32>,
      tpu.vector_store %arg6[%parallel_loop3A_258], %broadcast_in_dim3A_74 {strides = array<i32>} : memref<2048xi32, #tpu.memory_space<vmem>>, vector<16xi32>,
    } {sc.loop_unroll_factor = 4 : i64, sc.parallel_access}
    %broadcast_in_dim3A_78 = arith.constant 1 : i32
    %broadcast_in_dim3A_79 = vector.broadcast %broadcast_in_dim3A_78 : i32 to vector<16xi32>
    %parallel_loop3A_80 = arith.constant 0 : i32
    %parallel_loop3A_81 = arith.constant 2048 : i32
    %parallel_loop3A_82 = arith.constant 1 : i32
    scf.for %parallel_loop3A_255 = %parallel_loop3A_80 to %parallel_loop3A_81 step %parallel_loop3A_82  : i32 {
      %parallel_loop3A_256 = arith.constant 16 : i32
      %parallel_loop3A_257 = arith.muli %parallel_loop3A_255, %parallel_loop3A_256 : i32
      %parallel_loop3A_258 = arith.index_cast %parallel_loop3A_257 : i32 to index
      %parallel_loop3A_259 = tpu.vector_load %arg4[%parallel_loop3A_258] {strides = array<i32>} : memref<32768xf32, #tpu.memory_space<vmem>>, vector<16xf32>,
      %parallel_loop3A_260 = tpu.bitcast %parallel_loop3A_259 : vector<16xf32> -> vector<16xi32>
      %parallel_loop3A_261 = arith.constant 2147483647 : i32
      %parallel_loop3A_262 = vector.broadcast %parallel_loop3A_261 : i32 to vector<16xi32>
      %parallel_loop3A_263 = arith.andi %parallel_loop3A_260, %parallel_loop3A_262 : vector<16xi32>
      %parallel_loop3A_264 = arith.constant 10 : i32
      %parallel_loop3A_265 = vector.broadcast %parallel_loop3A_264 : i32 to vector<16xi32>
      %parallel_loop3A_266 = arith.shrsi %parallel_loop3A_263, %parallel_loop3A_265 : vector<16xi32>
      %parallel_loop3A_267 = arith.constant 2047 : i32
      %parallel_loop3A_268 = vector.broadcast %parallel_loop3A_267 : i32 to vector<16xi32>
      %parallel_loop3A_269 = arith.andi %parallel_loop3A_266, %parallel_loop3A_268 : vector<16xi32>
      %parallel_loop3A_270 = arith.constant 21 : i32
      %parallel_loop3A_271 = vector.broadcast %parallel_loop3A_270 : i32 to vector<16xi32>
      %parallel_loop3A_272 = arith.shrsi %parallel_loop3A_263, %parallel_loop3A_271 : vector<16xi32>
      %parallel_loop3A_273 = vector.broadcast %parallel_loop3A_71#1 : i32 to vector<16xi32>
      %parallel_loop3A_274 = arith.cmpi eq, %parallel_loop3A_272, %parallel_loop3A_273 : vector<16xi32>
      tpu.vector_store_idx %arg6[%parallel_loop3A_269], %broadcast_in_dim3A_79 masked %parallel_loop3A_274 {add = true} : memref<2048xi32, #tpu.memory_space<vmem>>[vector<16xi32>], vector<16xi32>, vector<16xi1>
    } {sc.loop_unroll_factor = 8 : i64, sc.parallel_access}
    %iota3A_83 = tpu.iota {dimensions = array<i32: 0>} : vector<16xi32>
    %broadcast_in_dim3A_84 = arith.constant 0 : i32
    %broadcast_in_dim3A_85 = vector.broadcast %broadcast_in_dim3A_84 : i32 to vector<16xi32>
    %parallel_loop3A_86 = arith.constant 0 : i32
    %parallel_loop3A_87 = arith.constant 128 : i32
    %parallel_loop3A_88 = arith.constant 1 : i32
    %parallel_loop3A_89 = arith.constant 0 : i32
    %parallel_loop3A_90 = arith.constant 0 : i32
    %parallel_loop3A_91 = arith.constant 0 : i32
    %parallel_loop3A_92:3 = scf.for %parallel_loop3A_255 = %parallel_loop3A_86 to %parallel_loop3A_87 step %parallel_loop3A_88 iter_args(%parallel_loop3A_256 = %parallel_loop3A_89, %parallel_loop3A_257 = %parallel_loop3A_90, %parallel_loop3A_258 = %parallel_loop3A_91) -> (i32, i32, i32)  : i32 {
      %parallel_loop3A_259 = arith.constant 1 : i32
      %parallel_loop3A_260 = arith.addi %parallel_loop3A_255, %parallel_loop3A_259 : i32
      %parallel_loop3A_261 = arith.constant 16 : i32
      %parallel_loop3A_262 = arith.muli %parallel_loop3A_260, %parallel_loop3A_261 : i32
      %parallel_loop3A_263 = arith.constant 2048 : i32
      %parallel_loop3A_264 = arith.subi %parallel_loop3A_263, %parallel_loop3A_262 : i32
      %parallel_loop3A_265 = arith.index_cast %parallel_loop3A_264 : i32 to index
      %parallel_loop3A_266 = tpu.vector_load %arg6[%parallel_loop3A_265] {strides = array<i32>} : memref<2048xi32, #tpu.memory_space<vmem>>, vector<16xi32>,
      %parallel_loop3A_267 = arith.constant 15 : i32
      %parallel_loop3A_268 = vector.broadcast %parallel_loop3A_267 : i32 to vector<16xi32>
      %parallel_loop3A_269 = tpu.iota {dimensions = array<i32: 0>} : vector<16xi32>
      %parallel_loop3A_270 = arith.subi %parallel_loop3A_268, %parallel_loop3A_269 : vector<16xi32>
      %parallel_loop3A_271 = tpu.dynamic_gather %parallel_loop3A_266[%parallel_loop3A_270] in [0] : vector<16xi32>, vector<16xi32> -> vector<16xi32>
      %parallel_loop3A_272 = arith.constant true
      %parallel_loop3A_273 = vector.broadcast %parallel_loop3A_272 : i1 to vector<16xi1>
      %parallel_loop3A_274 = tpu.scan <sum>, %parallel_loop3A_271 masked %parallel_loop3A_273 : vector<16xi32>, vector<16xi1> -> vector<16xi32>
      %parallel_loop3A_275 = vector.broadcast %parallel_loop3A_256 : i32 to vector<16xi32>
      %parallel_loop3A_276 = arith.addi %parallel_loop3A_274, %parallel_loop3A_275 : vector<16xi32>
      %parallel_loop3A_277 = arith.subi %parallel_loop3A_276, %parallel_loop3A_271 : vector<16xi32>
      %parallel_loop3A_278 = vector.broadcast %sub3A_72 : i32 to vector<16xi32>
      %parallel_loop3A_279 = arith.cmpi sge, %parallel_loop3A_276, %parallel_loop3A_278 : vector<16xi32>
      %parallel_loop3A_280 = vector.broadcast %sub3A_72 : i32 to vector<16xi32>
      %parallel_loop3A_281 = arith.cmpi slt, %parallel_loop3A_277, %parallel_loop3A_280 : vector<16xi32>
      %parallel_loop3A_282 = arith.andi %parallel_loop3A_279, %parallel_loop3A_281 : vector<16xi1>
      %parallel_loop3A_283 = arith.constant 16 : i32
      %parallel_loop3A_284 = arith.muli %parallel_loop3A_255, %parallel_loop3A_283 : i32
      %parallel_loop3A_285 = vector.broadcast %parallel_loop3A_284 : i32 to vector<16xi32>
      %parallel_loop3A_286 = arith.addi %parallel_loop3A_285, %iota3A_83 : vector<16xi32>
      %parallel_loop3A_287 = arith.constant 2047 : i32
      %parallel_loop3A_288 = vector.broadcast %parallel_loop3A_287 : i32 to vector<16xi32>
      %parallel_loop3A_289 = arith.subi %parallel_loop3A_288, %parallel_loop3A_286 : vector<16xi32>
      %parallel_loop3A_290 = arith.constant 0 : i32
      %parallel_loop3A_291 = vector.broadcast %parallel_loop3A_290 : i32 to vector<16xi32>
      %parallel_loop3A_292 = arith.select %parallel_loop3A_282, %parallel_loop3A_289, %parallel_loop3A_291 : vector<16xi1>, vector<16xi32>
      %parallel_loop3A_293 = arith.constant true
      %parallel_loop3A_294 = vector.broadcast %parallel_loop3A_293 : i1 to vector<16xi1>
      %parallel_loop3A_295 = tpu.scan <sum>, %parallel_loop3A_292 masked %parallel_loop3A_294 : vector<16xi32>, vector<16xi1> -> vector<16xi32>
      %parallel_loop3A_296 = vector.extract %parallel_loop3A_295[15] : i32 from vector<16xi32>
      %parallel_loop3A_297 = arith.addi %parallel_loop3A_257, %parallel_loop3A_296 : i32
      %parallel_loop3A_298 = arith.constant 0 : i32
      %parallel_loop3A_299 = vector.broadcast %parallel_loop3A_298 : i32 to vector<16xi32>
      %parallel_loop3A_300 = arith.select %parallel_loop3A_282, %parallel_loop3A_277, %parallel_loop3A_299 : vector<16xi1>, vector<16xi32>
      %parallel_loop3A_301 = arith.constant true
      %parallel_loop3A_302 = vector.broadcast %parallel_loop3A_301 : i1 to vector<16xi1>
      %parallel_loop3A_303 = tpu.scan <sum>, %parallel_loop3A_300 masked %parallel_loop3A_302 : vector<16xi32>, vector<16xi1> -> vector<16xi32>
      %parallel_loop3A_304 = vector.extract %parallel_loop3A_303[15] : i32 from vector<16xi32>
      %parallel_loop3A_305 = arith.addi %parallel_loop3A_258, %parallel_loop3A_304 : i32
      %parallel_loop3A_306 = arith.constant true
      %parallel_loop3A_307 = vector.broadcast %parallel_loop3A_306 : i1 to vector<16xi1>
      %parallel_loop3A_308 = tpu.scan <sum>, %parallel_loop3A_266 masked %parallel_loop3A_307 : vector<16xi32>, vector<16xi1> -> vector<16xi32>
      %parallel_loop3A_309 = vector.extract %parallel_loop3A_308[15] : i32 from vector<16xi32>
      %parallel_loop3A_310 = arith.addi %parallel_loop3A_256, %parallel_loop3A_309 : i32
      scf.yield %parallel_loop3A_310, %parallel_loop3A_297, %parallel_loop3A_305 : i32, i32, i32
    } {sc.loop_unroll_factor = 2 : i64, sc.parallel_access}
    %sub3A_93 = arith.subi %sub3A_72, %parallel_loop3A_92#2 : i32
    %shift_left3A = arith.constant 11 : i32
    %shift_left3A_94 = arith.shli %parallel_loop3A_71#1, %shift_left3A : i32
    %or3A = arith.ori %shift_left3A_94, %parallel_loop3A_92#1 : i32
    %broadcast_in_dim3A_95 = arith.constant 0 : i32
    %broadcast_in_dim3A_96 = vector.broadcast %broadcast_in_dim3A_95 : i32 to vector<16xi32>
    %parallel_loop3A_97 = arith.constant 0 : i32
    %parallel_loop3A_98 = arith.constant 64 : i32
    %parallel_loop3A_99 = arith.constant 1 : i32
    scf.for %parallel_loop3A_255 = %parallel_loop3A_97 to %parallel_loop3A_98 step %parallel_loop3A_99  : i32 {
      %parallel_loop3A_256 = arith.constant 16 : i32
      %parallel_loop3A_257 = arith.muli %parallel_loop3A_255, %parallel_loop3A_256 : i32
      %parallel_loop3A_258 = arith.index_cast %parallel_loop3A_257 : i32 to index
      %parallel_loop3A_259 = tpu.vector_load %arg6[%parallel_loop3A_258] {strides = array<i32>} : memref<2048xi32, #tpu.memory_space<vmem>>, vector<16xi32>,
      tpu.vector_store %arg6[%parallel_loop3A_258], %broadcast_in_dim3A_96 {strides = array<i32>} : memref<2048xi32, #tpu.memory_space<vmem>>, vector<16xi32>,
    } {sc.loop_unroll_factor = 4 : i64, sc.parallel_access}
    %broadcast_in_dim3A_100 = arith.constant 1 : i32
    %broadcast_in_dim3A_101 = vector.broadcast %broadcast_in_dim3A_100 : i32 to vector<16xi32>
    %parallel_loop3A_102 = arith.constant 0 : i32
    %parallel_loop3A_103 = arith.constant 2048 : i32
    %parallel_loop3A_104 = arith.constant 1 : i32
    scf.for %parallel_loop3A_255 = %parallel_loop3A_102 to %parallel_loop3A_103 step %parallel_loop3A_104  : i32 {
      %parallel_loop3A_256 = arith.constant 16 : i32
      %parallel_loop3A_257 = arith.muli %parallel_loop3A_255, %parallel_loop3A_256 : i32
      %parallel_loop3A_258 = arith.index_cast %parallel_loop3A_257 : i32 to index
      %parallel_loop3A_259 = tpu.vector_load %arg4[%parallel_loop3A_258] {strides = array<i32>} : memref<32768xf32, #tpu.memory_space<vmem>>, vector<16xf32>,
      %parallel_loop3A_260 = tpu.bitcast %parallel_loop3A_259 : vector<16xf32> -> vector<16xi32>
      %parallel_loop3A_261 = arith.constant 2147483647 : i32
      %parallel_loop3A_262 = vector.broadcast %parallel_loop3A_261 : i32 to vector<16xi32>
      %parallel_loop3A_263 = arith.andi %parallel_loop3A_260, %parallel_loop3A_262 : vector<16xi32>
      %parallel_loop3A_264 = arith.constant 0 : i32
      %parallel_loop3A_265 = vector.broadcast %parallel_loop3A_264 : i32 to vector<16xi32>
      %parallel_loop3A_266 = arith.shrsi %parallel_loop3A_263, %parallel_loop3A_265 : vector<16xi32>
      %parallel_loop3A_267 = arith.constant 1023 : i32
      %parallel_loop3A_268 = vector.broadcast %parallel_loop3A_267 : i32 to vector<16xi32>
      %parallel_loop3A_269 = arith.andi %parallel_loop3A_266, %parallel_loop3A_268 : vector<16xi32>
      %parallel_loop3A_270 = arith.constant 10 : i32
      %parallel_loop3A_271 = vector.broadcast %parallel_loop3A_270 : i32 to vector<16xi32>
      %parallel_loop3A_272 = arith.shrsi %parallel_loop3A_263, %parallel_loop3A_271 : vector<16xi32>
      %parallel_loop3A_273 = vector.broadcast %or3A : i32 to vector<16xi32>
      %parallel_loop3A_274 = arith.cmpi eq, %parallel_loop3A_272, %parallel_loop3A_273 : vector<16xi32>
      tpu.vector_store_idx %arg6[%parallel_loop3A_269], %broadcast_in_dim3A_101 masked %parallel_loop3A_274 {add = true} : memref<2048xi32, #tpu.memory_space<vmem>>[vector<16xi32>], vector<16xi32>, vector<16xi1>
    } {sc.loop_unroll_factor = 8 : i64, sc.parallel_access}
    %iota3A_105 = tpu.iota {dimensions = array<i32: 0>} : vector<16xi32>
    %broadcast_in_dim3A_106 = arith.constant 0 : i32
    %broadcast_in_dim3A_107 = vector.broadcast %broadcast_in_dim3A_106 : i32 to vector<16xi32>
    %parallel_loop3A_108 = arith.constant 0 : i32
    %parallel_loop3A_109 = arith.constant 64 : i32
    %parallel_loop3A_110 = arith.constant 1 : i32
    %parallel_loop3A_111 = arith.constant 0 : i32
    %parallel_loop3A_112 = arith.constant 0 : i32
    %parallel_loop3A_113 = arith.constant 0 : i32
    %parallel_loop3A_114:3 = scf.for %parallel_loop3A_255 = %parallel_loop3A_108 to %parallel_loop3A_109 step %parallel_loop3A_110 iter_args(%parallel_loop3A_256 = %parallel_loop3A_111, %parallel_loop3A_257 = %parallel_loop3A_112, %parallel_loop3A_258 = %parallel_loop3A_113) -> (i32, i32, i32)  : i32 {
      %parallel_loop3A_259 = arith.constant 1 : i32
      %parallel_loop3A_260 = arith.addi %parallel_loop3A_255, %parallel_loop3A_259 : i32
      %parallel_loop3A_261 = arith.constant 16 : i32
      %parallel_loop3A_262 = arith.muli %parallel_loop3A_260, %parallel_loop3A_261 : i32
      %parallel_loop3A_263 = arith.constant 1024 : i32
      %parallel_loop3A_264 = arith.subi %parallel_loop3A_263, %parallel_loop3A_262 : i32
      %parallel_loop3A_265 = arith.index_cast %parallel_loop3A_264 : i32 to index
      %parallel_loop3A_266 = tpu.vector_load %arg6[%parallel_loop3A_265] {strides = array<i32>} : memref<2048xi32, #tpu.memory_space<vmem>>, vector<16xi32>,
      %parallel_loop3A_267 = arith.constant 15 : i32
      %parallel_loop3A_268 = vector.broadcast %parallel_loop3A_267 : i32 to vector<16xi32>
      %parallel_loop3A_269 = tpu.iota {dimensions = array<i32: 0>} : vector<16xi32>
      %parallel_loop3A_270 = arith.subi %parallel_loop3A_268, %parallel_loop3A_269 : vector<16xi32>
      %parallel_loop3A_271 = tpu.dynamic_gather %parallel_loop3A_266[%parallel_loop3A_270] in [0] : vector<16xi32>, vector<16xi32> -> vector<16xi32>
      %parallel_loop3A_272 = arith.constant true
      %parallel_loop3A_273 = vector.broadcast %parallel_loop3A_272 : i1 to vector<16xi1>
      %parallel_loop3A_274 = tpu.scan <sum>, %parallel_loop3A_271 masked %parallel_loop3A_273 : vector<16xi32>, vector<16xi1> -> vector<16xi32>
      %parallel_loop3A_275 = vector.broadcast %parallel_loop3A_256 : i32 to vector<16xi32>
      %parallel_loop3A_276 = arith.addi %parallel_loop3A_274, %parallel_loop3A_275 : vector<16xi32>
      %parallel_loop3A_277 = arith.subi %parallel_loop3A_276, %parallel_loop3A_271 : vector<16xi32>
      %parallel_loop3A_278 = vector.broadcast %sub3A_93 : i32 to vector<16xi32>
      %parallel_loop3A_279 = arith.cmpi sge, %parallel_loop3A_276, %parallel_loop3A_278 : vector<16xi32>
      %parallel_loop3A_280 = vector.broadcast %sub3A_93 : i32 to vector<16xi32>
      %parallel_loop3A_281 = arith.cmpi slt, %parallel_loop3A_277, %parallel_loop3A_280 : vector<16xi32>
      %parallel_loop3A_282 = arith.andi %parallel_loop3A_279, %parallel_loop3A_281 : vector<16xi1>
      %parallel_loop3A_283 = arith.constant 16 : i32
      %parallel_loop3A_284 = arith.muli %parallel_loop3A_255, %parallel_loop3A_283 : i32
      %parallel_loop3A_285 = vector.broadcast %parallel_loop3A_284 : i32 to vector<16xi32>
      %parallel_loop3A_286 = arith.addi %parallel_loop3A_285, %iota3A_105 : vector<16xi32>
      %parallel_loop3A_287 = arith.constant 1023 : i32
      %parallel_loop3A_288 = vector.broadcast %parallel_loop3A_287 : i32 to vector<16xi32>
      %parallel_loop3A_289 = arith.subi %parallel_loop3A_288, %parallel_loop3A_286 : vector<16xi32>
      %parallel_loop3A_290 = arith.constant 0 : i32
      %parallel_loop3A_291 = vector.broadcast %parallel_loop3A_290 : i32 to vector<16xi32>
      %parallel_loop3A_292 = arith.select %parallel_loop3A_282, %parallel_loop3A_289, %parallel_loop3A_291 : vector<16xi1>, vector<16xi32>
      %parallel_loop3A_293 = arith.constant true
      %parallel_loop3A_294 = vector.broadcast %parallel_loop3A_293 : i1 to vector<16xi1>
      %parallel_loop3A_295 = tpu.scan <sum>, %parallel_loop3A_292 masked %parallel_loop3A_294 : vector<16xi32>, vector<16xi1> -> vector<16xi32>
      %parallel_loop3A_296 = vector.extract %parallel_loop3A_295[15] : i32 from vector<16xi32>
      %parallel_loop3A_297 = arith.addi %parallel_loop3A_257, %parallel_loop3A_296 : i32
      %parallel_loop3A_298 = arith.constant 0 : i32
      %parallel_loop3A_299 = vector.broadcast %parallel_loop3A_298 : i32 to vector<16xi32>
      %parallel_loop3A_300 = arith.select %parallel_loop3A_282, %parallel_loop3A_277, %parallel_loop3A_299 : vector<16xi1>, vector<16xi32>
      %parallel_loop3A_301 = arith.constant true
      %parallel_loop3A_302 = vector.broadcast %parallel_loop3A_301 : i1 to vector<16xi1>
      %parallel_loop3A_303 = tpu.scan <sum>, %parallel_loop3A_300 masked %parallel_loop3A_302 : vector<16xi32>, vector<16xi1> -> vector<16xi32>
      %parallel_loop3A_304 = vector.extract %parallel_loop3A_303[15] : i32 from vector<16xi32>
      %parallel_loop3A_305 = arith.addi %parallel_loop3A_258, %parallel_loop3A_304 : i32
      %parallel_loop3A_306 = arith.constant true
      %parallel_loop3A_307 = vector.broadcast %parallel_loop3A_306 : i1 to vector<16xi1>
      %parallel_loop3A_308 = tpu.scan <sum>, %parallel_loop3A_266 masked %parallel_loop3A_307 : vector<16xi32>, vector<16xi1> -> vector<16xi32>
      %parallel_loop3A_309 = vector.extract %parallel_loop3A_308[15] : i32 from vector<16xi32>
      %parallel_loop3A_310 = arith.addi %parallel_loop3A_256, %parallel_loop3A_309 : i32
      scf.yield %parallel_loop3A_310, %parallel_loop3A_297, %parallel_loop3A_305 : i32, i32, i32
    } {sc.loop_unroll_factor = 2 : i64, sc.parallel_access}
    %shift_left3A_115 = arith.constant 10 : i32
    %shift_left3A_116 = arith.shli %or3A, %shift_left3A_115 : i32
    %or3A_117 = arith.ori %shift_left3A_116, %parallel_loop3A_114#1 : i32
    %parallel_loop3A_118 = arith.constant 0 : i32
    %parallel_loop3A_119 = arith.constant 2048 : i32
    %parallel_loop3A_120 = arith.constant 1 : i32
    scf.for %parallel_loop3A_255 = %parallel_loop3A_118 to %parallel_loop3A_119 step %parallel_loop3A_120  : i32 {
      %parallel_loop3A_256 = arith.constant 16 : i32
      %parallel_loop3A_257 = arith.muli %parallel_loop3A_255, %parallel_loop3A_256 : i32
      %parallel_loop3A_258 = arith.index_cast %parallel_loop3A_257 : i32 to index
      %parallel_loop3A_259 = tpu.vector_load %arg4[%parallel_loop3A_258] {strides = array<i32>} : memref<32768xf32, #tpu.memory_space<vmem>>, vector<16xf32>,
      %parallel_loop3A_260 = tpu.bitcast %parallel_loop3A_259 : vector<16xf32> -> vector<16xi32>
      %parallel_loop3A_261 = arith.constant 2147483647 : i32
      %parallel_loop3A_262 = vector.broadcast %parallel_loop3A_261 : i32 to vector<16xi32>
      %parallel_loop3A_263 = arith.andi %parallel_loop3A_260, %parallel_loop3A_262 : vector<16xi32>
      %parallel_loop3A_264 = vector.broadcast %or3A_117 : i32 to vector<16xi32>
      %parallel_loop3A_265 = arith.cmpi sge, %parallel_loop3A_263, %parallel_loop3A_264 : vector<16xi32>
      %parallel_loop3A_266 = arith.constant 0.000000e+00 : f32
      %parallel_loop3A_267 = vector.broadcast %parallel_loop3A_266 : f32 to vector<16xf32>
      %parallel_loop3A_268 = arith.select %parallel_loop3A_265, %parallel_loop3A_259, %parallel_loop3A_267 : vector<16xi1>, vector<16xf32>
      %parallel_loop3A_269 = arith.constant 16 : i32
      %parallel_loop3A_270 = arith.muli %parallel_loop3A_255, %parallel_loop3A_269 : i32
      %parallel_loop3A_271 = arith.index_cast %parallel_loop3A_270 : i32 to index
      %parallel_loop3A_272 = tpu.vector_load %arg4[%parallel_loop3A_271] {strides = array<i32>} : memref<32768xf32, #tpu.memory_space<vmem>>, vector<16xf32>,
      tpu.vector_store %arg4[%parallel_loop3A_271], %parallel_loop3A_268 {strides = array<i32>} : memref<32768xf32, #tpu.memory_space<vmem>>, vector<16xf32>,
    } {sc.loop_unroll_factor = 8 : i64, sc.parallel_access}
    %dma_start3A_121 = arith.constant 0 : i32
    %dma_start3A_122 = tpu.memref_slice %arg3[%mul3A_2, %dma_start3A_121] : memref<64x32768xf32, #tpu.memory_space<hbm>> -> memref<1x32768xf32, #tpu.memory_space<hbm>>
    %dma_start3A_123 = tpu.memref_squeeze %dma_start3A_122 : memref<1x32768xf32, #tpu.memory_space<hbm>> -> memref<32768xf32, #tpu.memory_space<hbm>>
    %dma_start3A_124 = arith.constant 0 : i32
    %dma_start3A_125 = tpu.memref_slice %arg3[%mul3A_2, %dma_start3A_124] : memref<64x32768xf32, #tpu.memory_space<hbm>> -> memref<1x32768xf32, #tpu.memory_space<hbm>>
    %dma_start3A_126 = tpu.memref_squeeze %dma_start3A_125 : memref<1x32768xf32, #tpu.memory_space<hbm>> -> memref<32768xf32, #tpu.memory_space<hbm>>
    tpu.enqueue_dma source(%arg4 : memref<32768xf32, #tpu.memory_space<vmem>>) target(%dma_start3A_126 : memref<32768xf32, #tpu.memory_space<hbm>>) target_semaphore(%arg10 : memref<!tpu.dma_semaphore, #tpu.memory_space<semaphore_mem>>)
    %dma_wait3A_127 = arith.constant 0 : i32
    %dma_wait3A_128 = tpu.memref_slice %arg2[%add3A_4, %dma_wait3A_127] : memref<64x32768xf32, #tpu.memory_space<hbm>> -> memref<1x32768xf32, #tpu.memory_space<hbm>>
    %dma_wait3A_129 = tpu.memref_squeeze %dma_wait3A_128 : memref<1x32768xf32, #tpu.memory_space<hbm>> -> memref<32768xf32, #tpu.memory_space<hbm>>
    %dma_wait3A_130 = arith.constant 0 : i32
    %dma_wait3A_131 = tpu.memref_slice %arg2[%add3A_4, %dma_wait3A_130] : memref<64x32768xf32, #tpu.memory_space<hbm>> -> memref<1x32768xf32, #tpu.memory_space<hbm>>
    %dma_wait3A_132 = tpu.memref_squeeze %dma_wait3A_131 : memref<1x32768xf32, #tpu.memory_space<hbm>> -> memref<32768xf32, #tpu.memory_space<hbm>>
    tpu.wait_dma2 semaphore(%arg9 : memref<!tpu.dma_semaphore, #tpu.memory_space<semaphore_mem>>) src(%dma_wait3A_132 : memref<32768xf32, #tpu.memory_space<hbm>>) dst(%arg5 : memref<32768xf32, #tpu.memory_space<vmem>>)
    %broadcast_in_dim3A_133 = arith.constant 0 : i32
    %broadcast_in_dim3A_134 = vector.broadcast %broadcast_in_dim3A_133 : i32 to vector<16xi32>
    %parallel_loop3A_135 = arith.constant 0 : i32
    %parallel_loop3A_136 = arith.constant 64 : i32
    %parallel_loop3A_137 = arith.constant 1 : i32
    scf.for %parallel_loop3A_255 = %parallel_loop3A_135 to %parallel_loop3A_136 step %parallel_loop3A_137  : i32 {
      %parallel_loop3A_256 = arith.constant 16 : i32
      %parallel_loop3A_257 = arith.muli %parallel_loop3A_255, %parallel_loop3A_256 : i32
      %parallel_loop3A_258 = arith.index_cast %parallel_loop3A_257 : i32 to index
      %parallel_loop3A_259 = tpu.vector_load %arg6[%parallel_loop3A_258] {strides = array<i32>} : memref<2048xi32, #tpu.memory_space<vmem>>, vector<16xi32>,
      tpu.vector_store %arg6[%parallel_loop3A_258], %broadcast_in_dim3A_134 {strides = array<i32>} : memref<2048xi32, #tpu.memory_space<vmem>>, vector<16xi32>,
    } {sc.loop_unroll_factor = 4 : i64, sc.parallel_access}
    %broadcast_in_dim3A_138 = arith.constant 1 : i32
    %broadcast_in_dim3A_139 = vector.broadcast %broadcast_in_dim3A_138 : i32 to vector<16xi32>
    %parallel_loop3A_140 = arith.constant 0 : i32
    %parallel_loop3A_141 = arith.constant 2048 : i32
    %parallel_loop3A_142 = arith.constant 1 : i32
    scf.for %parallel_loop3A_255 = %parallel_loop3A_140 to %parallel_loop3A_141 step %parallel_loop3A_142  : i32 {
      %parallel_loop3A_256 = arith.constant 16 : i32
      %parallel_loop3A_257 = arith.muli %parallel_loop3A_255, %parallel_loop3A_256 : i32
      %parallel_loop3A_258 = arith.index_cast %parallel_loop3A_257 : i32 to index
      %parallel_loop3A_259 = tpu.vector_load %arg5[%parallel_loop3A_258] {strides = array<i32>} : memref<32768xf32, #tpu.memory_space<vmem>>, vector<16xf32>,
      %parallel_loop3A_260 = tpu.bitcast %parallel_loop3A_259 : vector<16xf32> -> vector<16xi32>
      %parallel_loop3A_261 = arith.constant 2147483647 : i32
      %parallel_loop3A_262 = vector.broadcast %parallel_loop3A_261 : i32 to vector<16xi32>
      %parallel_loop3A_263 = arith.andi %parallel_loop3A_260, %parallel_loop3A_262 : vector<16xi32>
      %parallel_loop3A_264 = arith.constant 21 : i32
      %parallel_loop3A_265 = vector.broadcast %parallel_loop3A_264 : i32 to vector<16xi32>
      %parallel_loop3A_266 = arith.shrsi %parallel_loop3A_263, %parallel_loop3A_265 : vector<16xi32>
      %parallel_loop3A_267 = arith.constant 1023 : i32
      %parallel_loop3A_268 = vector.broadcast %parallel_loop3A_267 : i32 to vector<16xi32>
      %parallel_loop3A_269 = arith.andi %parallel_loop3A_266, %parallel_loop3A_268 : vector<16xi32>
      %parallel_loop3A_270 = arith.constant true
      %parallel_loop3A_271 = vector.broadcast %parallel_loop3A_270 : i1 to vector<16xi1>
      tpu.vector_store_idx %arg6[%parallel_loop3A_269], %broadcast_in_dim3A_139 masked %parallel_loop3A_271 {add = true} : memref<2048xi32, #tpu.memory_space<vmem>>[vector<16xi32>], vector<16xi32>, vector<16xi1>
    } {sc.loop_unroll_factor = 8 : i64, sc.parallel_access}
    %iota3A_143 = tpu.iota {dimensions = array<i32: 0>} : vector<16xi32>
    %broadcast_in_dim3A_144 = arith.constant 0 : i32
    %broadcast_in_dim3A_145 = vector.broadcast %broadcast_in_dim3A_144 : i32 to vector<16xi32>
    %parallel_loop3A_146 = arith.constant 0 : i32
    %parallel_loop3A_147 = arith.constant 64 : i32
    %parallel_loop3A_148 = arith.constant 1 : i32
    %parallel_loop3A_149 = arith.constant 3276 : i32
    %parallel_loop3A_150 = arith.constant 0 : i32
    %parallel_loop3A_151 = arith.constant 0 : i32
    %parallel_loop3A_152 = arith.constant 0 : i32
    %parallel_loop3A_153:3 = scf.for %parallel_loop3A_255 = %parallel_loop3A_146 to %parallel_loop3A_147 step %parallel_loop3A_148 iter_args(%parallel_loop3A_256 = %parallel_loop3A_150, %parallel_loop3A_257 = %parallel_loop3A_151, %parallel_loop3A_258 = %parallel_loop3A_152) -> (i32, i32, i32)  : i32 {
      %parallel_loop3A_259 = arith.constant 1 : i32
      %parallel_loop3A_260 = arith.addi %parallel_loop3A_255, %parallel_loop3A_259 : i32
      %parallel_loop3A_261 = arith.constant 16 : i32
      %parallel_loop3A_262 = arith.muli %parallel_loop3A_260, %parallel_loop3A_261 : i32
      %parallel_loop3A_263 = arith.constant 1024 : i32
      %parallel_loop3A_264 = arith.subi %parallel_loop3A_263, %parallel_loop3A_262 : i32
      %parallel_loop3A_265 = arith.index_cast %parallel_loop3A_264 : i32 to index
      %parallel_loop3A_266 = tpu.vector_load %arg6[%parallel_loop3A_265] {strides = array<i32>} : memref<2048xi32, #tpu.memory_space<vmem>>, vector<16xi32>,
      %parallel_loop3A_267 = arith.constant 15 : i32
      %parallel_loop3A_268 = vector.broadcast %parallel_loop3A_267 : i32 to vector<16xi32>
      %parallel_loop3A_269 = tpu.iota {dimensions = array<i32: 0>} : vector<16xi32>
      %parallel_loop3A_270 = arith.subi %parallel_loop3A_268, %parallel_loop3A_269 : vector<16xi32>
      %parallel_loop3A_271 = tpu.dynamic_gather %parallel_loop3A_266[%parallel_loop3A_270] in [0] : vector<16xi32>, vector<16xi32> -> vector<16xi32>
      %parallel_loop3A_272 = arith.constant true
      %parallel_loop3A_273 = vector.broadcast %parallel_loop3A_272 : i1 to vector<16xi1>
      %parallel_loop3A_274 = tpu.scan <sum>, %parallel_loop3A_271 masked %parallel_loop3A_273 : vector<16xi32>, vector<16xi1> -> vector<16xi32>
      %parallel_loop3A_275 = vector.broadcast %parallel_loop3A_256 : i32 to vector<16xi32>
      %parallel_loop3A_276 = arith.addi %parallel_loop3A_274, %parallel_loop3A_275 : vector<16xi32>
      %parallel_loop3A_277 = arith.subi %parallel_loop3A_276, %parallel_loop3A_271 : vector<16xi32>
      %parallel_loop3A_278 = vector.broadcast %parallel_loop3A_149 : i32 to vector<16xi32>
      %parallel_loop3A_279 = arith.cmpi sge, %parallel_loop3A_276, %parallel_loop3A_278 : vector<16xi32>
      %parallel_loop3A_280 = vector.broadcast %parallel_loop3A_149 : i32 to vector<16xi32>
      %parallel_loop3A_281 = arith.cmpi slt, %parallel_loop3A_277, %parallel_loop3A_280 : vector<16xi32>
      %parallel_loop3A_282 = arith.andi %parallel_loop3A_279, %parallel_loop3A_281 : vector<16xi1>
      %parallel_loop3A_283 = arith.constant 16 : i32
      %parallel_loop3A_284 = arith.muli %parallel_loop3A_255, %parallel_loop3A_283 : i32
      %parallel_loop3A_285 = vector.broadcast %parallel_loop3A_284 : i32 to vector<16xi32>
      %parallel_loop3A_286 = arith.addi %parallel_loop3A_285, %iota3A_143 : vector<16xi32>
      %parallel_loop3A_287 = arith.constant 1023 : i32
      %parallel_loop3A_288 = vector.broadcast %parallel_loop3A_287 : i32 to vector<16xi32>
      %parallel_loop3A_289 = arith.subi %parallel_loop3A_288, %parallel_loop3A_286 : vector<16xi32>
      %parallel_loop3A_290 = arith.constant 0 : i32
      %parallel_loop3A_291 = vector.broadcast %parallel_loop3A_290 : i32 to vector<16xi32>
      %parallel_loop3A_292 = arith.select %parallel_loop3A_282, %parallel_loop3A_289, %parallel_loop3A_291 : vector<16xi1>, vector<16xi32>
      %parallel_loop3A_293 = arith.constant true
      %parallel_loop3A_294 = vector.broadcast %parallel_loop3A_293 : i1 to vector<16xi1>
      %parallel_loop3A_295 = tpu.scan <sum>, %parallel_loop3A_292 masked %parallel_loop3A_294 : vector<16xi32>, vector<16xi1> -> vector<16xi32>
      %parallel_loop3A_296 = vector.extract %parallel_loop3A_295[15] : i32 from vector<16xi32>
      %parallel_loop3A_297 = arith.addi %parallel_loop3A_257, %parallel_loop3A_296 : i32
      %parallel_loop3A_298 = arith.constant 0 : i32
      %parallel_loop3A_299 = vector.broadcast %parallel_loop3A_298 : i32 to vector<16xi32>
      %parallel_loop3A_300 = arith.select %parallel_loop3A_282, %parallel_loop3A_277, %parallel_loop3A_299 : vector<16xi1>, vector<16xi32>
      %parallel_loop3A_301 = arith.constant true
      %parallel_loop3A_302 = vector.broadcast %parallel_loop3A_301 : i1 to vector<16xi1>
      %parallel_loop3A_303 = tpu.scan <sum>, %parallel_loop3A_300 masked %parallel_loop3A_302 : vector<16xi32>, vector<16xi1> -> vector<16xi32>
      %parallel_loop3A_304 = vector.extract %parallel_loop3A_303[15] : i32 from vector<16xi32>
      %parallel_loop3A_305 = arith.addi %parallel_loop3A_258, %parallel_loop3A_304 : i32
      %parallel_loop3A_306 = arith.constant true
      %parallel_loop3A_307 = vector.broadcast %parallel_loop3A_306 : i1 to vector<16xi1>
      %parallel_loop3A_308 = tpu.scan <sum>, %parallel_loop3A_266 masked %parallel_loop3A_307 : vector<16xi32>, vector<16xi1> -> vector<16xi32>
      %parallel_loop3A_309 = vector.extract %parallel_loop3A_308[15] : i32 from vector<16xi32>
      %parallel_loop3A_310 = arith.addi %parallel_loop3A_256, %parallel_loop3A_309 : i32
      scf.yield %parallel_loop3A_310, %parallel_loop3A_297, %parallel_loop3A_305 : i32, i32, i32
    } {sc.loop_unroll_factor = 2 : i64, sc.parallel_access}
    %sub3A_154 = arith.constant 3276 : i32
    %sub3A_155 = arith.subi %sub3A_154, %parallel_loop3A_153#2 : i32
    %broadcast_in_dim3A_156 = arith.constant 0 : i32
    %broadcast_in_dim3A_157 = vector.broadcast %broadcast_in_dim3A_156 : i32 to vector<16xi32>
    %parallel_loop3A_158 = arith.constant 0 : i32
    %parallel_loop3A_159 = arith.constant 128 : i32
    %parallel_loop3A_160 = arith.constant 1 : i32
    scf.for %parallel_loop3A_255 = %parallel_loop3A_158 to %parallel_loop3A_159 step %parallel_loop3A_160  : i32 {
      %parallel_loop3A_256 = arith.constant 16 : i32
      %parallel_loop3A_257 = arith.muli %parallel_loop3A_255, %parallel_loop3A_256 : i32
      %parallel_loop3A_258 = arith.index_cast %parallel_loop3A_257 : i32 to index
      %parallel_loop3A_259 = tpu.vector_load %arg6[%parallel_loop3A_258] {strides = array<i32>} : memref<2048xi32, #tpu.memory_space<vmem>>, vector<16xi32>,
      tpu.vector_store %arg6[%parallel_loop3A_258], %broadcast_in_dim3A_157 {strides = array<i32>} : memref<2048xi32, #tpu.memory_space<vmem>>, vector<16xi32>,
    } {sc.loop_unroll_factor = 4 : i64, sc.parallel_access}
    %broadcast_in_dim3A_161 = arith.constant 1 : i32
    %broadcast_in_dim3A_162 = vector.broadcast %broadcast_in_dim3A_161 : i32 to vector<16xi32>
    %parallel_loop3A_163 = arith.constant 0 : i32
    %parallel_loop3A_164 = arith.constant 2048 : i32
    %parallel_loop3A_165 = arith.constant 1 : i32
    scf.for %parallel_loop3A_255 = %parallel_loop3A_163 to %parallel_loop3A_164 step %parallel_loop3A_165  : i32 {
      %parallel_loop3A_256 = arith.constant 16 : i32
      %parallel_loop3A_257 = arith.muli %parallel_loop3A_255, %parallel_loop3A_256 : i32
      %parallel_loop3A_258 = arith.index_cast %parallel_loop3A_257 : i32 to index
      %parallel_loop3A_259 = tpu.vector_load %arg5[%parallel_loop3A_258] {strides = array<i32>} : memref<32768xf32, #tpu.memory_space<vmem>>, vector<16xf32>,
      %parallel_loop3A_260 = tpu.bitcast %parallel_loop3A_259 : vector<16xf32> -> vector<16xi32>
      %parallel_loop3A_261 = arith.constant 2147483647 : i32
      %parallel_loop3A_262 = vector.broadcast %parallel_loop3A_261 : i32 to vector<16xi32>
      %parallel_loop3A_263 = arith.andi %parallel_loop3A_260, %parallel_loop3A_262 : vector<16xi32>
      %parallel_loop3A_264 = arith.constant 10 : i32
      %parallel_loop3A_265 = vector.broadcast %parallel_loop3A_264 : i32 to vector<16xi32>
      %parallel_loop3A_266 = arith.shrsi %parallel_loop3A_263, %parallel_loop3A_265 : vector<16xi32>
      %parallel_loop3A_267 = arith.constant 2047 : i32
      %parallel_loop3A_268 = vector.broadcast %parallel_loop3A_267 : i32 to vector<16xi32>
      %parallel_loop3A_269 = arith.andi %parallel_loop3A_266, %parallel_loop3A_268 : vector<16xi32>
      %parallel_loop3A_270 = arith.constant 21 : i32
      %parallel_loop3A_271 = vector.broadcast %parallel_loop3A_270 : i32 to vector<16xi32>
      %parallel_loop3A_272 = arith.shrsi %parallel_loop3A_263, %parallel_loop3A_271 : vector<16xi32>
      %parallel_loop3A_273 = vector.broadcast %parallel_loop3A_153#1 : i32 to vector<16xi32>
      %parallel_loop3A_274 = arith.cmpi eq, %parallel_loop3A_272, %parallel_loop3A_273 : vector<16xi32>
      tpu.vector_store_idx %arg6[%parallel_loop3A_269], %broadcast_in_dim3A_162 masked %parallel_loop3A_274 {add = true} : memref<2048xi32, #tpu.memory_space<vmem>>[vector<16xi32>], vector<16xi32>, vector<16xi1>
    } {sc.loop_unroll_factor = 8 : i64, sc.parallel_access}
    %iota3A_166 = tpu.iota {dimensions = array<i32: 0>} : vector<16xi32>
    %broadcast_in_dim3A_167 = arith.constant 0 : i32
    %broadcast_in_dim3A_168 = vector.broadcast %broadcast_in_dim3A_167 : i32 to vector<16xi32>
    %parallel_loop3A_169 = arith.constant 0 : i32
    %parallel_loop3A_170 = arith.constant 128 : i32
    %parallel_loop3A_171 = arith.constant 1 : i32
    %parallel_loop3A_172 = arith.constant 0 : i32
    %parallel_loop3A_173 = arith.constant 0 : i32
    %parallel_loop3A_174 = arith.constant 0 : i32
    %parallel_loop3A_175:3 = scf.for %parallel_loop3A_255 = %parallel_loop3A_169 to %parallel_loop3A_170 step %parallel_loop3A_171 iter_args(%parallel_loop3A_256 = %parallel_loop3A_172, %parallel_loop3A_257 = %parallel_loop3A_173, %parallel_loop3A_258 = %parallel_loop3A_174) -> (i32, i32, i32)  : i32 {
      %parallel_loop3A_259 = arith.constant 1 : i32
      %parallel_loop3A_260 = arith.addi %parallel_loop3A_255, %parallel_loop3A_259 : i32
      %parallel_loop3A_261 = arith.constant 16 : i32
      %parallel_loop3A_262 = arith.muli %parallel_loop3A_260, %parallel_loop3A_261 : i32
      %parallel_loop3A_263 = arith.constant 2048 : i32
      %parallel_loop3A_264 = arith.subi %parallel_loop3A_263, %parallel_loop3A_262 : i32
      %parallel_loop3A_265 = arith.index_cast %parallel_loop3A_264 : i32 to index
      %parallel_loop3A_266 = tpu.vector_load %arg6[%parallel_loop3A_265] {strides = array<i32>} : memref<2048xi32, #tpu.memory_space<vmem>>, vector<16xi32>,
      %parallel_loop3A_267 = arith.constant 15 : i32
      %parallel_loop3A_268 = vector.broadcast %parallel_loop3A_267 : i32 to vector<16xi32>
      %parallel_loop3A_269 = tpu.iota {dimensions = array<i32: 0>} : vector<16xi32>
      %parallel_loop3A_270 = arith.subi %parallel_loop3A_268, %parallel_loop3A_269 : vector<16xi32>
      %parallel_loop3A_271 = tpu.dynamic_gather %parallel_loop3A_266[%parallel_loop3A_270] in [0] : vector<16xi32>, vector<16xi32> -> vector<16xi32>
      %parallel_loop3A_272 = arith.constant true
      %parallel_loop3A_273 = vector.broadcast %parallel_loop3A_272 : i1 to vector<16xi1>
      %parallel_loop3A_274 = tpu.scan <sum>, %parallel_loop3A_271 masked %parallel_loop3A_273 : vector<16xi32>, vector<16xi1> -> vector<16xi32>
      %parallel_loop3A_275 = vector.broadcast %parallel_loop3A_256 : i32 to vector<16xi32>
      %parallel_loop3A_276 = arith.addi %parallel_loop3A_274, %parallel_loop3A_275 : vector<16xi32>
      %parallel_loop3A_277 = arith.subi %parallel_loop3A_276, %parallel_loop3A_271 : vector<16xi32>
      %parallel_loop3A_278 = vector.broadcast %sub3A_155 : i32 to vector<16xi32>
      %parallel_loop3A_279 = arith.cmpi sge, %parallel_loop3A_276, %parallel_loop3A_278 : vector<16xi32>
      %parallel_loop3A_280 = vector.broadcast %sub3A_155 : i32 to vector<16xi32>
      %parallel_loop3A_281 = arith.cmpi slt, %parallel_loop3A_277, %parallel_loop3A_280 : vector<16xi32>
      %parallel_loop3A_282 = arith.andi %parallel_loop3A_279, %parallel_loop3A_281 : vector<16xi1>
      %parallel_loop3A_283 = arith.constant 16 : i32
      %parallel_loop3A_284 = arith.muli %parallel_loop3A_255, %parallel_loop3A_283 : i32
      %parallel_loop3A_285 = vector.broadcast %parallel_loop3A_284 : i32 to vector<16xi32>
      %parallel_loop3A_286 = arith.addi %parallel_loop3A_285, %iota3A_166 : vector<16xi32>
      %parallel_loop3A_287 = arith.constant 2047 : i32
      %parallel_loop3A_288 = vector.broadcast %parallel_loop3A_287 : i32 to vector<16xi32>
      %parallel_loop3A_289 = arith.subi %parallel_loop3A_288, %parallel_loop3A_286 : vector<16xi32>
      %parallel_loop3A_290 = arith.constant 0 : i32
      %parallel_loop3A_291 = vector.broadcast %parallel_loop3A_290 : i32 to vector<16xi32>
      %parallel_loop3A_292 = arith.select %parallel_loop3A_282, %parallel_loop3A_289, %parallel_loop3A_291 : vector<16xi1>, vector<16xi32>
      %parallel_loop3A_293 = arith.constant true
      %parallel_loop3A_294 = vector.broadcast %parallel_loop3A_293 : i1 to vector<16xi1>
      %parallel_loop3A_295 = tpu.scan <sum>, %parallel_loop3A_292 masked %parallel_loop3A_294 : vector<16xi32>, vector<16xi1> -> vector<16xi32>
      %parallel_loop3A_296 = vector.extract %parallel_loop3A_295[15] : i32 from vector<16xi32>
      %parallel_loop3A_297 = arith.addi %parallel_loop3A_257, %parallel_loop3A_296 : i32
      %parallel_loop3A_298 = arith.constant 0 : i32
      %parallel_loop3A_299 = vector.broadcast %parallel_loop3A_298 : i32 to vector<16xi32>
      %parallel_loop3A_300 = arith.select %parallel_loop3A_282, %parallel_loop3A_277, %parallel_loop3A_299 : vector<16xi1>, vector<16xi32>
      %parallel_loop3A_301 = arith.constant true
      %parallel_loop3A_302 = vector.broadcast %parallel_loop3A_301 : i1 to vector<16xi1>
      %parallel_loop3A_303 = tpu.scan <sum>, %parallel_loop3A_300 masked %parallel_loop3A_302 : vector<16xi32>, vector<16xi1> -> vector<16xi32>
      %parallel_loop3A_304 = vector.extract %parallel_loop3A_303[15] : i32 from vector<16xi32>
      %parallel_loop3A_305 = arith.addi %parallel_loop3A_258, %parallel_loop3A_304 : i32
      %parallel_loop3A_306 = arith.constant true
      %parallel_loop3A_307 = vector.broadcast %parallel_loop3A_306 : i1 to vector<16xi1>
      %parallel_loop3A_308 = tpu.scan <sum>, %parallel_loop3A_266 masked %parallel_loop3A_307 : vector<16xi32>, vector<16xi1> -> vector<16xi32>
      %parallel_loop3A_309 = vector.extract %parallel_loop3A_308[15] : i32 from vector<16xi32>
      %parallel_loop3A_310 = arith.addi %parallel_loop3A_256, %parallel_loop3A_309 : i32
      scf.yield %parallel_loop3A_310, %parallel_loop3A_297, %parallel_loop3A_305 : i32, i32, i32
    } {sc.loop_unroll_factor = 2 : i64, sc.parallel_access}
    %sub3A_176 = arith.subi %sub3A_155, %parallel_loop3A_175#2 : i32
    %shift_left3A_177 = arith.constant 11 : i32
    %shift_left3A_178 = arith.shli %parallel_loop3A_153#1, %shift_left3A_177 : i32
    %or3A_179 = arith.ori %shift_left3A_178, %parallel_loop3A_175#1 : i32
    %broadcast_in_dim3A_180 = arith.constant 0 : i32
    %broadcast_in_dim3A_181 = vector.broadcast %broadcast_in_dim3A_180 : i32 to vector<16xi32>
    %parallel_loop3A_182 = arith.constant 0 : i32
    %parallel_loop3A_183 = arith.constant 64 : i32
    %parallel_loop3A_184 = arith.constant 1 : i32
    scf.for %parallel_loop3A_255 = %parallel_loop3A_182 to %parallel_loop3A_183 step %parallel_loop3A_184  : i32 {
      %parallel_loop3A_256 = arith.constant 16 : i32
      %parallel_loop3A_257 = arith.muli %parallel_loop3A_255, %parallel_loop3A_256 : i32
      %parallel_loop3A_258 = arith.index_cast %parallel_loop3A_257 : i32 to index
      %parallel_loop3A_259 = tpu.vector_load %arg6[%parallel_loop3A_258] {strides = array<i32>} : memref<2048xi32, #tpu.memory_space<vmem>>, vector<16xi32>,
      tpu.vector_store %arg6[%parallel_loop3A_258], %broadcast_in_dim3A_181 {strides = array<i32>} : memref<2048xi32, #tpu.memory_space<vmem>>, vector<16xi32>,
    } {sc.loop_unroll_factor = 4 : i64, sc.parallel_access}
    %broadcast_in_dim3A_185 = arith.constant 1 : i32
    %broadcast_in_dim3A_186 = vector.broadcast %broadcast_in_dim3A_185 : i32 to vector<16xi32>
    %parallel_loop3A_187 = arith.constant 0 : i32
    %parallel_loop3A_188 = arith.constant 2048 : i32
    %parallel_loop3A_189 = arith.constant 1 : i32
    scf.for %parallel_loop3A_255 = %parallel_loop3A_187 to %parallel_loop3A_188 step %parallel_loop3A_189  : i32 {
      %parallel_loop3A_256 = arith.constant 16 : i32
      %parallel_loop3A_257 = arith.muli %parallel_loop3A_255, %parallel_loop3A_256 : i32
      %parallel_loop3A_258 = arith.index_cast %parallel_loop3A_257 : i32 to index
      %parallel_loop3A_259 = tpu.vector_load %arg5[%parallel_loop3A_258] {strides = array<i32>} : memref<32768xf32, #tpu.memory_space<vmem>>, vector<16xf32>,
      %parallel_loop3A_260 = tpu.bitcast %parallel_loop3A_259 : vector<16xf32> -> vector<16xi32>
      %parallel_loop3A_261 = arith.constant 2147483647 : i32
      %parallel_loop3A_262 = vector.broadcast %parallel_loop3A_261 : i32 to vector<16xi32>
      %parallel_loop3A_263 = arith.andi %parallel_loop3A_260, %parallel_loop3A_262 : vector<16xi32>
      %parallel_loop3A_264 = arith.constant 0 : i32
      %parallel_loop3A_265 = vector.broadcast %parallel_loop3A_264 : i32 to vector<16xi32>
      %parallel_loop3A_266 = arith.shrsi %parallel_loop3A_263, %parallel_loop3A_265 : vector<16xi32>
      %parallel_loop3A_267 = arith.constant 1023 : i32
      %parallel_loop3A_268 = vector.broadcast %parallel_loop3A_267 : i32 to vector<16xi32>
      %parallel_loop3A_269 = arith.andi %parallel_loop3A_266, %parallel_loop3A_268 : vector<16xi32>
      %parallel_loop3A_270 = arith.constant 10 : i32
      %parallel_loop3A_271 = vector.broadcast %parallel_loop3A_270 : i32 to vector<16xi32>
      %parallel_loop3A_272 = arith.shrsi %parallel_loop3A_263, %parallel_loop3A_271 : vector<16xi32>
      %parallel_loop3A_273 = vector.broadcast %or3A_179 : i32 to vector<16xi32>
      %parallel_loop3A_274 = arith.cmpi eq, %parallel_loop3A_272, %parallel_loop3A_273 : vector<16xi32>
      tpu.vector_store_idx %arg6[%parallel_loop3A_269], %broadcast_in_dim3A_186 masked %parallel_loop3A_274 {add = true} : memref<2048xi32, #tpu.memory_space<vmem>>[vector<16xi32>], vector<16xi32>, vector<16xi1>
    } {sc.loop_unroll_factor = 8 : i64, sc.parallel_access}
    %iota3A_190 = tpu.iota {dimensions = array<i32: 0>} : vector<16xi32>
    %broadcast_in_dim3A_191 = arith.constant 0 : i32
    %broadcast_in_dim3A_192 = vector.broadcast %broadcast_in_dim3A_191 : i32 to vector<16xi32>
    %parallel_loop3A_193 = arith.constant 0 : i32
    %parallel_loop3A_194 = arith.constant 64 : i32
    %parallel_loop3A_195 = arith.constant 1 : i32
    %parallel_loop3A_196 = arith.constant 0 : i32
    %parallel_loop3A_197 = arith.constant 0 : i32
    %parallel_loop3A_198 = arith.constant 0 : i32
    %parallel_loop3A_199:3 = scf.for %parallel_loop3A_255 = %parallel_loop3A_193 to %parallel_loop3A_194 step %parallel_loop3A_195 iter_args(%parallel_loop3A_256 = %parallel_loop3A_196, %parallel_loop3A_257 = %parallel_loop3A_197, %parallel_loop3A_258 = %parallel_loop3A_198) -> (i32, i32, i32)  : i32 {
      %parallel_loop3A_259 = arith.constant 1 : i32
      %parallel_loop3A_260 = arith.addi %parallel_loop3A_255, %parallel_loop3A_259 : i32
      %parallel_loop3A_261 = arith.constant 16 : i32
      %parallel_loop3A_262 = arith.muli %parallel_loop3A_260, %parallel_loop3A_261 : i32
      %parallel_loop3A_263 = arith.constant 1024 : i32
      %parallel_loop3A_264 = arith.subi %parallel_loop3A_263, %parallel_loop3A_262 : i32
      %parallel_loop3A_265 = arith.index_cast %parallel_loop3A_264 : i32 to index
      %parallel_loop3A_266 = tpu.vector_load %arg6[%parallel_loop3A_265] {strides = array<i32>} : memref<2048xi32, #tpu.memory_space<vmem>>, vector<16xi32>,
      %parallel_loop3A_267 = arith.constant 15 : i32
      %parallel_loop3A_268 = vector.broadcast %parallel_loop3A_267 : i32 to vector<16xi32>
      %parallel_loop3A_269 = tpu.iota {dimensions = array<i32: 0>} : vector<16xi32>
      %parallel_loop3A_270 = arith.subi %parallel_loop3A_268, %parallel_loop3A_269 : vector<16xi32>
      %parallel_loop3A_271 = tpu.dynamic_gather %parallel_loop3A_266[%parallel_loop3A_270] in [0] : vector<16xi32>, vector<16xi32> -> vector<16xi32>
      %parallel_loop3A_272 = arith.constant true
      %parallel_loop3A_273 = vector.broadcast %parallel_loop3A_272 : i1 to vector<16xi1>
      %parallel_loop3A_274 = tpu.scan <sum>, %parallel_loop3A_271 masked %parallel_loop3A_273 : vector<16xi32>, vector<16xi1> -> vector<16xi32>
      %parallel_loop3A_275 = vector.broadcast %parallel_loop3A_256 : i32 to vector<16xi32>
      %parallel_loop3A_276 = arith.addi %parallel_loop3A_274, %parallel_loop3A_275 : vector<16xi32>
      %parallel_loop3A_277 = arith.subi %parallel_loop3A_276, %parallel_loop3A_271 : vector<16xi32>
      %parallel_loop3A_278 = vector.broadcast %sub3A_176 : i32 to vector<16xi32>
      %parallel_loop3A_279 = arith.cmpi sge, %parallel_loop3A_276, %parallel_loop3A_278 : vector<16xi32>
      %parallel_loop3A_280 = vector.broadcast %sub3A_176 : i32 to vector<16xi32>
      %parallel_loop3A_281 = arith.cmpi slt, %parallel_loop3A_277, %parallel_loop3A_280 : vector<16xi32>
      %parallel_loop3A_282 = arith.andi %parallel_loop3A_279, %parallel_loop3A_281 : vector<16xi1>
      %parallel_loop3A_283 = arith.constant 16 : i32
      %parallel_loop3A_284 = arith.muli %parallel_loop3A_255, %parallel_loop3A_283 : i32
      %parallel_loop3A_285 = vector.broadcast %parallel_loop3A_284 : i32 to vector<16xi32>
      %parallel_loop3A_286 = arith.addi %parallel_loop3A_285, %iota3A_190 : vector<16xi32>
      %parallel_loop3A_287 = arith.constant 1023 : i32
      %parallel_loop3A_288 = vector.broadcast %parallel_loop3A_287 : i32 to vector<16xi32>
      %parallel_loop3A_289 = arith.subi %parallel_loop3A_288, %parallel_loop3A_286 : vector<16xi32>
      %parallel_loop3A_290 = arith.constant 0 : i32
      %parallel_loop3A_291 = vector.broadcast %parallel_loop3A_290 : i32 to vector<16xi32>
      %parallel_loop3A_292 = arith.select %parallel_loop3A_282, %parallel_loop3A_289, %parallel_loop3A_291 : vector<16xi1>, vector<16xi32>
      %parallel_loop3A_293 = arith.constant true
      %parallel_loop3A_294 = vector.broadcast %parallel_loop3A_293 : i1 to vector<16xi1>
      %parallel_loop3A_295 = tpu.scan <sum>, %parallel_loop3A_292 masked %parallel_loop3A_294 : vector<16xi32>, vector<16xi1> -> vector<16xi32>
      %parallel_loop3A_296 = vector.extract %parallel_loop3A_295[15] : i32 from vector<16xi32>
      %parallel_loop3A_297 = arith.addi %parallel_loop3A_257, %parallel_loop3A_296 : i32
      %parallel_loop3A_298 = arith.constant 0 : i32
      %parallel_loop3A_299 = vector.broadcast %parallel_loop3A_298 : i32 to vector<16xi32>
      %parallel_loop3A_300 = arith.select %parallel_loop3A_282, %parallel_loop3A_277, %parallel_loop3A_299 : vector<16xi1>, vector<16xi32>
      %parallel_loop3A_301 = arith.constant true
      %parallel_loop3A_302 = vector.broadcast %parallel_loop3A_301 : i1 to vector<16xi1>
      %parallel_loop3A_303 = tpu.scan <sum>, %parallel_loop3A_300 masked %parallel_loop3A_302 : vector<16xi32>, vector<16xi1> -> vector<16xi32>
      %parallel_loop3A_304 = vector.extract %parallel_loop3A_303[15] : i32 from vector<16xi32>
      %parallel_loop3A_305 = arith.addi %parallel_loop3A_258, %parallel_loop3A_304 : i32
      %parallel_loop3A_306 = arith.constant true
      %parallel_loop3A_307 = vector.broadcast %parallel_loop3A_306 : i1 to vector<16xi1>
      %parallel_loop3A_308 = tpu.scan <sum>, %parallel_loop3A_266 masked %parallel_loop3A_307 : vector<16xi32>, vector<16xi1> -> vector<16xi32>
      %parallel_loop3A_309 = vector.extract %parallel_loop3A_308[15] : i32 from vector<16xi32>
      %parallel_loop3A_310 = arith.addi %parallel_loop3A_256, %parallel_loop3A_309 : i32
      scf.yield %parallel_loop3A_310, %parallel_loop3A_297, %parallel_loop3A_305 : i32, i32, i32
    } {sc.loop_unroll_factor = 2 : i64, sc.parallel_access}
    %shift_left3A_200 = arith.constant 10 : i32
    %shift_left3A_201 = arith.shli %or3A_179, %shift_left3A_200 : i32
    %or3A_202 = arith.ori %shift_left3A_201, %parallel_loop3A_199#1 : i32
    %parallel_loop3A_203 = arith.constant 0 : i32
    %parallel_loop3A_204 = arith.constant 1024 : i32
    %parallel_loop3A_205 = arith.constant 1 : i32
    scf.for %parallel_loop3A_255 = %parallel_loop3A_203 to %parallel_loop3A_204 step %parallel_loop3A_205  : i32 {
      %parallel_loop3A_256 = arith.constant 16 : i32
      %parallel_loop3A_257 = arith.muli %parallel_loop3A_255, %parallel_loop3A_256 : i32
      %parallel_loop3A_258 = arith.index_cast %parallel_loop3A_257 : i32 to index
      %parallel_loop3A_259 = tpu.vector_load %arg5[%parallel_loop3A_258] {strides = array<i32>} : memref<32768xf32, #tpu.memory_space<vmem>>, vector<16xf32>,
      %parallel_loop3A_260 = tpu.bitcast %parallel_loop3A_259 : vector<16xf32> -> vector<16xi32>
      %parallel_loop3A_261 = arith.constant 2147483647 : i32
      %parallel_loop3A_262 = vector.broadcast %parallel_loop3A_261 : i32 to vector<16xi32>
      %parallel_loop3A_263 = arith.andi %parallel_loop3A_260, %parallel_loop3A_262 : vector<16xi32>
      %parallel_loop3A_264 = vector.broadcast %or3A_202 : i32 to vector<16xi32>
      %parallel_loop3A_265 = arith.cmpi sge, %parallel_loop3A_263, %parallel_loop3A_264 : vector<16xi32>
      %parallel_loop3A_266 = arith.constant 0.000000e+00 : f32
      %parallel_loop3A_267 = vector.broadcast %parallel_loop3A_266 : f32 to vector<16xf32>
      %parallel_loop3A_268 = arith.select %parallel_loop3A_265, %parallel_loop3A_259, %parallel_loop3A_267 : vector<16xi1>, vector<16xf32>
      %parallel_loop3A_269 = arith.constant 16 : i32
      %parallel_loop3A_270 = arith.muli %parallel_loop3A_255, %parallel_loop3A_269 : i32
      %parallel_loop3A_271 = arith.index_cast %parallel_loop3A_270 : i32 to index
      %parallel_loop3A_272 = tpu.vector_load %arg5[%parallel_loop3A_271] {strides = array<i32>} : memref<32768xf32, #tpu.memory_space<vmem>>, vector<16xf32>,
      tpu.vector_store %arg5[%parallel_loop3A_271], %parallel_loop3A_268 {strides = array<i32>} : memref<32768xf32, #tpu.memory_space<vmem>>, vector<16xf32>,
    } {sc.loop_unroll_factor = 8 : i64, sc.parallel_access}
    %dma_start3A_206 = arith.constant 0 : i32
    %dma_start3A_207 = tpu.memref_slice %arg5[%dma_start3A_206] : memref<32768xf32, #tpu.memory_space<vmem>> -> memref<16384xf32, #tpu.memory_space<vmem>>
    %dma_start3A_208 = arith.constant 0 : i32
    %dma_start3A_209 = tpu.memref_slice %arg3[%add3A_4, %dma_start3A_208] : memref<64x32768xf32, #tpu.memory_space<hbm>> -> memref<1x16384xf32, #tpu.memory_space<hbm>>
    %dma_start3A_210 = tpu.memref_squeeze %dma_start3A_209 : memref<1x16384xf32, #tpu.memory_space<hbm>> -> memref<16384xf32, #tpu.memory_space<hbm>>
    %dma_start3A_211 = arith.constant 0 : i32
    %dma_start3A_212 = tpu.memref_slice %arg3[%add3A_4, %dma_start3A_211] : memref<64x32768xf32, #tpu.memory_space<hbm>> -> memref<1x16384xf32, #tpu.memory_space<hbm>>
    %dma_start3A_213 = tpu.memref_squeeze %dma_start3A_212 : memref<1x16384xf32, #tpu.memory_space<hbm>> -> memref<16384xf32, #tpu.memory_space<hbm>>
    %dma_start3A_214 = arith.constant 0 : i32
    %dma_start3A_215 = tpu.memref_slice %arg5[%dma_start3A_214] : memref<32768xf32, #tpu.memory_space<vmem>> -> memref<16384xf32, #tpu.memory_space<vmem>>
    tpu.enqueue_dma source(%dma_start3A_215 : memref<16384xf32, #tpu.memory_space<vmem>>) target(%dma_start3A_213 : memref<16384xf32, #tpu.memory_space<hbm>>) target_semaphore(%arg11 : memref<!tpu.dma_semaphore, #tpu.memory_space<semaphore_mem>>)
    %parallel_loop3A_216 = arith.constant 1024 : i32
    %parallel_loop3A_217 = arith.constant 2048 : i32
    %parallel_loop3A_218 = arith.constant 1 : i32
    scf.for %parallel_loop3A_255 = %parallel_loop3A_216 to %parallel_loop3A_217 step %parallel_loop3A_218  : i32 {
      %parallel_loop3A_256 = arith.constant 16 : i32
      %parallel_loop3A_257 = arith.muli %parallel_loop3A_255, %parallel_loop3A_256 : i32
      %parallel_loop3A_258 = arith.index_cast %parallel_loop3A_257 : i32 to index
      %parallel_loop3A_259 = tpu.vector_load %arg5[%parallel_loop3A_258] {strides = array<i32>} : memref<32768xf32, #tpu.memory_space<vmem>>, vector<16xf32>,
      %parallel_loop3A_260 = tpu.bitcast %parallel_loop3A_259 : vector<16xf32> -> vector<16xi32>
      %parallel_loop3A_261 = arith.constant 2147483647 : i32
      %parallel_loop3A_262 = vector.broadcast %parallel_loop3A_261 : i32 to vector<16xi32>
      %parallel_loop3A_263 = arith.andi %parallel_loop3A_260, %parallel_loop3A_262 : vector<16xi32>
      %parallel_loop3A_264 = vector.broadcast %or3A_202 : i32 to vector<16xi32>
      %parallel_loop3A_265 = arith.cmpi sge, %parallel_loop3A_263, %parallel_loop3A_264 : vector<16xi32>
      %parallel_loop3A_266 = arith.constant 0.000000e+00 : f32
      %parallel_loop3A_267 = vector.broadcast %parallel_loop3A_266 : f32 to vector<16xf32>
      %parallel_loop3A_268 = arith.select %parallel_loop3A_265, %parallel_loop3A_259, %parallel_loop3A_267 : vector<16xi1>, vector<16xf32>
      %parallel_loop3A_269 = arith.constant 16 : i32
      %parallel_loop3A_270 = arith.muli %parallel_loop3A_255, %parallel_loop3A_269 : i32
      %parallel_loop3A_271 = arith.index_cast %parallel_loop3A_270 : i32 to index
      %parallel_loop3A_272 = tpu.vector_load %arg5[%parallel_loop3A_271] {strides = array<i32>} : memref<32768xf32, #tpu.memory_space<vmem>>, vector<16xf32>,
      tpu.vector_store %arg5[%parallel_loop3A_271], %parallel_loop3A_268 {strides = array<i32>} : memref<32768xf32, #tpu.memory_space<vmem>>, vector<16xf32>,
    } {sc.loop_unroll_factor = 8 : i64, sc.parallel_access}
    %dma_start3A_219 = arith.constant 16384 : i32
    %dma_start3A_220 = tpu.memref_slice %arg5[%dma_start3A_219] : memref<32768xf32, #tpu.memory_space<vmem>> -> memref<16384xf32, #tpu.memory_space<vmem>>
    %dma_start3A_221 = arith.constant 16384 : i32
    %dma_start3A_222 = tpu.memref_slice %arg3[%add3A_4, %dma_start3A_221] : memref<64x32768xf32, #tpu.memory_space<hbm>> -> memref<1x16384xf32, #tpu.memory_space<hbm>>
    %dma_start3A_223 = tpu.memref_squeeze %dma_start3A_222 : memref<1x16384xf32, #tpu.memory_space<hbm>> -> memref<16384xf32, #tpu.memory_space<hbm>>
    %dma_start3A_224 = arith.constant 16384 : i32
    %dma_start3A_225 = tpu.memref_slice %arg3[%add3A_4, %dma_start3A_224] : memref<64x32768xf32, #tpu.memory_space<hbm>> -> memref<1x16384xf32, #tpu.memory_space<hbm>>
    %dma_start3A_226 = tpu.memref_squeeze %dma_start3A_225 : memref<1x16384xf32, #tpu.memory_space<hbm>> -> memref<16384xf32, #tpu.memory_space<hbm>>
    %dma_start3A_227 = arith.constant 16384 : i32
    %dma_start3A_228 = tpu.memref_slice %arg5[%dma_start3A_227] : memref<32768xf32, #tpu.memory_space<vmem>> -> memref<16384xf32, #tpu.memory_space<vmem>>
    tpu.enqueue_dma source(%dma_start3A_228 : memref<16384xf32, #tpu.memory_space<vmem>>) target(%dma_start3A_226 : memref<16384xf32, #tpu.memory_space<hbm>>) target_semaphore(%arg7 : memref<!tpu.dma_semaphore, #tpu.memory_space<semaphore_mem>>)
    %dma_wait3A_229 = arith.constant 0 : i32
    %dma_wait3A_230 = tpu.memref_slice %arg3[%mul3A_2, %dma_wait3A_229] : memref<64x32768xf32, #tpu.memory_space<hbm>> -> memref<1x32768xf32, #tpu.memory_space<hbm>>
    %dma_wait3A_231 = tpu.memref_squeeze %dma_wait3A_230 : memref<1x32768xf32, #tpu.memory_space<hbm>> -> memref<32768xf32, #tpu.memory_space<hbm>>
    %dma_wait3A_232 = arith.constant 0 : i32
    %dma_wait3A_233 = tpu.memref_slice %arg3[%mul3A_2, %dma_wait3A_232] : memref<64x32768xf32, #tpu.memory_space<hbm>> -> memref<1x32768xf32, #tpu.memory_space<hbm>>
    %dma_wait3A_234 = tpu.memref_squeeze %dma_wait3A_233 : memref<1x32768xf32, #tpu.memory_space<hbm>> -> memref<32768xf32, #tpu.memory_space<hbm>>
    tpu.wait_dma2 semaphore(%arg10 : memref<!tpu.dma_semaphore, #tpu.memory_space<semaphore_mem>>) src(%arg4 : memref<32768xf32, #tpu.memory_space<vmem>>) dst(%dma_wait3A_234 : memref<32768xf32, #tpu.memory_space<hbm>>)
    %dma_wait3A_235 = arith.constant 0 : i32
    %dma_wait3A_236 = tpu.memref_slice %arg5[%dma_wait3A_235] : memref<32768xf32, #tpu.memory_space<vmem>> -> memref<16384xf32, #tpu.memory_space<vmem>>
    %dma_wait3A_237 = arith.constant 0 : i32
    %dma_wait3A_238 = tpu.memref_slice %arg3[%add3A_4, %dma_wait3A_237] : memref<64x32768xf32, #tpu.memory_space<hbm>> -> memref<1x16384xf32, #tpu.memory_space<hbm>>
    %dma_wait3A_239 = tpu.memref_squeeze %dma_wait3A_238 : memref<1x16384xf32, #tpu.memory_space<hbm>> -> memref<16384xf32, #tpu.memory_space<hbm>>
    %dma_wait3A_240 = arith.constant 0 : i32
    %dma_wait3A_241 = tpu.memref_slice %arg3[%add3A_4, %dma_wait3A_240] : memref<64x32768xf32, #tpu.memory_space<hbm>> -> memref<1x16384xf32, #tpu.memory_space<hbm>>
    %dma_wait3A_242 = tpu.memref_squeeze %dma_wait3A_241 : memref<1x16384xf32, #tpu.memory_space<hbm>> -> memref<16384xf32, #tpu.memory_space<hbm>>
    %dma_wait3A_243 = arith.constant 0 : i32
    %dma_wait3A_244 = tpu.memref_slice %arg5[%dma_wait3A_243] : memref<32768xf32, #tpu.memory_space<vmem>> -> memref<16384xf32, #tpu.memory_space<vmem>>
    tpu.wait_dma2 semaphore(%arg11 : memref<!tpu.dma_semaphore, #tpu.memory_space<semaphore_mem>>) src(%dma_wait3A_244 : memref<16384xf32, #tpu.memory_space<vmem>>) dst(%dma_wait3A_242 : memref<16384xf32, #tpu.memory_space<hbm>>)
    %dma_wait3A_245 = arith.constant 16384 : i32
    %dma_wait3A_246 = tpu.memref_slice %arg5[%dma_wait3A_245] : memref<32768xf32, #tpu.memory_space<vmem>> -> memref<16384xf32, #tpu.memory_space<vmem>>
    %dma_wait3A_247 = arith.constant 16384 : i32
    %dma_wait3A_248 = tpu.memref_slice %arg3[%add3A_4, %dma_wait3A_247] : memref<64x32768xf32, #tpu.memory_space<hbm>> -> memref<1x16384xf32, #tpu.memory_space<hbm>>
    %dma_wait3A_249 = tpu.memref_squeeze %dma_wait3A_248 : memref<1x16384xf32, #tpu.memory_space<hbm>> -> memref<16384xf32, #tpu.memory_space<hbm>>
    %dma_wait3A_250 = arith.constant 16384 : i32
    %dma_wait3A_251 = tpu.memref_slice %arg3[%add3A_4, %dma_wait3A_250] : memref<64x32768xf32, #tpu.memory_space<hbm>> -> memref<1x16384xf32, #tpu.memory_space<hbm>>
    %dma_wait3A_252 = tpu.memref_squeeze %dma_wait3A_251 : memref<1x16384xf32, #tpu.memory_space<hbm>> -> memref<16384xf32, #tpu.memory_space<hbm>>
    %dma_wait3A_253 = arith.constant 16384 : i32
    %dma_wait3A_254 = tpu.memref_slice %arg5[%dma_wait3A_253] : memref<32768xf32, #tpu.memory_space<vmem>> -> memref<16384xf32, #tpu.memory_space<vmem>>
    tpu.wait_dma2 semaphore(%arg7 : memref<!tpu.dma_semaphore, #tpu.memory_space<semaphore_mem>>) src(%dma_wait3A_254 : memref<16384xf32, #tpu.memory_space<vmem>>) dst(%dma_wait3A_252 : memref<16384xf32, #tpu.memory_space<hbm>>)
    return
  }
}

</mosaic_0001>

<sc_bundles>
// kernel: kernel.3.cloned.1.call-start
scs
__scs_entry_jumppad:
0x0: {  	(pc) =	sbr.rel $0x88, $3  }
0x1: {  	(tag) =	ssettag $0x0;
	lr =	simm.s32 $0x1  }
0x2: {  	[smem:$0x3FA0] =	sst lr;
	_ =	strace $0xD0000000  }
0x3: {  	_ = 	snop  }
0x4: {  	_ = 	snop  }
0x5: {  	_ = 	snop  }
0x6: {  	_ = 	snop  }
0x7: {  	_ = 	snop  }
__scs_overlays_trampoline_lowered:
0x8: {  	[smem:$0x3FAF] =	sst s0  }
0x9: {  	[smem:$0x3FB0] =	sst s1  }
0xa: {  	[smem:$0x3FB1] =	sst s2  }
0xb: {  	[smem:$0x3FB2] =	sst s3  }
0xc: {  	[smem:$0x3FB3] =	sst s4  }
0xd: {  	[smem:$0x3FB4] =	sst s5  }
0xe: {  	[smem:$0x3FB5] =	sst s6  }
0xf: {  	[smem:$0x3FB6] =	sst s7  }
0x10: {  	[smem:$0x3FB7] =	sst s8  }
0x11: {  	[smem:$0x3FB8] =	sst s9;
	s0 =	simm.s32 @!p0 $0x0  }
0x12: {  	s1 =	sld [smem:$0x3F9E];
	s0 =	simm.s32 @p0 $0x1  }
0x13: {  	[smem:$0x3FB9] =	sst s0;
	s0 =	simm.s32 @!p1 $0x0  }
0x14: {  	s2 =	sld [smem:$0x3F9D];
	s0 =	simm.s32 @p1 $0x1  }
0x15: {  	[smem:$0x3FBA] =	sst s0;
	s0 =	simm.s32 @!p2 $0x0  }
0x16: {  	s3 =	sld [smem:$0x3FDB];
	s0 =	simm.s32 @p2 $0x1  }
0x17: {  	s4 =	simm.s32 $0x1BF5;
	[smem:$0x3FBC] =	sst s0  }
0x18: {  	s0 =	sld [smem:$0x3F9F];
	_ =	swait.ge [sflag:s4], $0x0  }
0x19: {  	s7 =	sld [smem:$0x3FA0]  }
0x1a: {  	s8 =	sadd.s32 $0xFFFFE003, lr  }
0x1b: {  	s9 =	sadd.s32 $0xFFFFFEF7, lr;
	s5 =	simm.s32 $0xFFFFFFFF;
	p2 =	slt.u32 s8, $0xFFFFF086  }
0x1c: {  	p1 =	slt.u32 s9, $0xF7A;
	s5 =	simm.s32 @!p2 $0x0  }
0x1d: {  	s5 =	simm.s32 @p1 $0x1;
	p0 =	seq.s32 s7, s2  }
0x1e: {  	s7 =	smul.u32 @!p0 $0xF7A, s2;
	p2 =	seq.s32 @!p0 s5, $0x0  }
0x1f: {  	s9 =	smul.u32 $0xF7A, s1;
	s8 =	simm.s32 @!p0 $0x1BF5;
	p2 =	por !p2, p0  }
0x20: {  	[sflag:s8] =	ssyncset.s32 @!p0 $0xFFFFF086;
	s6 =	sadd.s32 @!p0 s3, s7;
	s7 =	simm.s32 @!p0 $0x108  }
0x21: {  	s3 =	sadd.s32 s3, s9;
	s6 =	sadd.s32 @!p0 $0x88, s6;
	s7 =	simm.s32 @p2 $0x1082  }
0x22: {  	[simem:s7], [sflag:s8] =	dma.local @!p0 [hbm:s6], $0xF7A  }
0x23: {  	s9 =	sor.u32 $0xD0000000, s2;
	s6 =	simm.s32 $0x108;
	_ =	swait.ge @!p0 [sflag:s8], $0x0  }
0x24: {  	s3 =	sadd.s32 $0x88, s3;
	s6 =	simm.s32 @!p1 $0x1082;
	[sflag:s4] =	ssyncset.s32 $0xFFFFF086  }
0x25: {  	[simem:s6], [sflag:s4] =	dma.local [hbm:s3], $0xF7A  }
0x26: {  	[smem:$0x3FA0] =	sst s1;
	(tag) =	ssettag s2;
	_ =	strace s9  }
0x27: {  	s1 =	sld [smem:$0x3FB0]  }
0x28: {  	s2 =	sld [smem:$0x3FB1]  }
0x29: {  	s4 =	sld [smem:$0x3FB3]  }
0x2a: {  	p0 =	seq.s32 s5, $0x0;
	s5 =	sld [smem:$0x3FB4]  }
0x2b: {  	s6 =	sld [smem:$0x3FB5]  }
0x2c: {  	s7 =	sld [smem:$0x3FB6]  }
0x2d: {  	s3 =	simm.s32 $0x108;
	s8 =	sld [smem:$0x3FB7]  }
0x2e: {  	s3 =	simm.s32 @!p0 $0x1082;
	s9 =	sld [smem:$0x3FB8]  }
0x2f: {  	lr =	sadd.s32 s0, s3;
	s0 =	sld [smem:$0x3FAF]  }
0x30: {  	s3 =	sld [smem:$0x3FB2]  }
0x31: {  	[smem:$0x3FBB] =	sst s10  }
0x32: {  	s10 =	sld [smem:$0x3FB9];
	_ =	sdelay $0x3  }
0x33: {  	p0 =	seq.s32 s10, $0x1;
	s10 =	sld [smem:$0x3FBB];
	_ =	sdelay $0x3  }
0x34: {  	[smem:$0x3FBB] =	sst s10  }
0x35: {  	s10 =	sld [smem:$0x3FBA];
	_ =	sdelay $0x3  }
0x36: {  	p1 =	seq.s32 s10, $0x1;
	s10 =	sld [smem:$0x3FBB];
	_ =	sdelay $0x3  }
0x37: {  	[smem:$0x3FBB] =	sst s10  }
0x38: {  	s10 =	sld [smem:$0x3FBC]  }
0x39: {  	_ = 	snop;
	(pc) =	sbr.ind lr, $3  }
0x3a: {  	_ = 	snop  }
0x3b: {  	_ = 	snop  }
0x3c: {  	p2 =	seq.s32 s10, $0x1;
	s10 =	sld [smem:$0x3FBB]  }
0x3d: {  	_ =	shalt  }
0x3e: {  	_ =	shalt  }
0x3f: {  	_ =	shalt  }
0x40: {  	_ =	shalt  }
0x41: {  	_ =	shalt  }
0x42: {  	_ =	shalt  }
0x43: {  	_ =	shalt  }
0x44: {  	_ =	shalt  }
0x45: {  	_ =	shalt  }
0x46: {  	_ =	shalt  }
0x47: {  	_ =	shalt  }
0x48: {  	_ =	shalt  }
0x49: {  	_ =	shalt  }
0x4a: {  	_ =	shalt  }
0x4b: {  	_ =	shalt  }
0x4c: {  	_ =	shalt  }
0x4d: {  	_ =	shalt  }
0x4e: {  	_ =	shalt  }
0x4f: {  	_ =	shalt  }
0x50: {  	_ =	shalt  }
0x51: {  	_ =	shalt  }
0x52: {  	_ =	shalt  }
0x53: {  	_ =	shalt  }
0x54: {  	_ =	shalt  }
0x55: {  	_ =	shalt  }
0x56: {  	_ =	shalt  }
0x57: {  	_ =	shalt  }
0x58: {  	_ =	shalt  }
0x59: {  	_ =	shalt  }
0x5a: {  	_ =	shalt  }
0x5b: {  	_ =	shalt  }
0x5c: {  	_ =	shalt  }
0x5d: {  	_ =	shalt  }
0x5e: {  	_ =	shalt  }
0x5f: {  	_ =	shalt  }
0x60: {  	_ =	shalt  }
0x61: {  	_ =	shalt  }
0x62: {  	_ =	shalt  }
0x63: {  	_ =	shalt  }
0x64: {  	_ =	shalt  }
0x65: {  	_ =	shalt  }
0x66: {  	_ =	shalt  }
0x67: {  	_ =	shalt  }
0x68: {  	_ =	shalt  }
0x69: {  	_ =	shalt  }
0x6a: {  	_ =	shalt  }
0x6b: {  	_ =	shalt  }
0x6c: {  	_ =	shalt  }
0x6d: {  	_ =	shalt  }
0x6e: {  	_ =	shalt  }
0x6f: {  	_ =	shalt  }
0x70: {  	_ =	shalt  }
0x71: {  	_ =	shalt  }
0x72: {  	_ =	shalt  }
0x73: {  	_ =	shalt  }
0x74: {  	_ =	shalt  }
0x75: {  	_ =	shalt  }
0x76: {  	_ =	shalt  }
0x77: {  	_ =	shalt  }
0x78: {  	_ =	shalt  }
0x79: {  	_ =	shalt  }
0x7a: {  	_ =	shalt  }
0x7b: {  	_ =	shalt  }
0x7c: {  	_ =	shalt  }
0x7d: {  	_ =	shalt  }
0x7e: {  	_ =	shalt  }
0x7f: {  	_ =	shalt  }
0x80: {  	_ =	shalt  }
0x81: {  	_ =	shalt  }
0x82: {  	_ =	shalt  }
0x83: {  	_ =	shalt  }
0x84: {  	_ =	shalt  }
0x85: {  	_ =	shalt  }
0x86: {  	_ =	shalt  }
0x87: {  	_ =	shalt  }
.Lfunc_end0:
.L_simem_size_0:
called_computation_lowered:
.L_overlay_start_0:
0x88: {  	s2 =	sld [smem:$0x3FD9]  }
0x89: {  	s3 =	sld [smem:$0x3FFE];
	_ =	sdelay $0x1  }
0x8a: {  	s1 =	srdreg.scid  }
0x8b: {  	s0 =	sand.u32 $0x1, s1  }
0x8c: {  	s18 =	sshll.u32 s0, $0xA;
	s2 =	sadd.s32 s3, s2  }
0x8d: {  	s2 =	sadd.s32 s2, s18  }
0x8e: {  	[smem:$0x3FC7] =	sst s2  }
0x8f: {  	_ = 	snop  }
0x90: {  	s2 =	sld [smem:$0x3FC9]  }
0x91: {  	s19 =	sld [smem:$0x3FD0];
	(tm) =	ssettm $0x1  }
0x92: {  	s4 =	sld [smem:$0x3FFB];
	_ =	sdelay $0x3  }
0x93: {  	_ =	strace s4  }
0x94: {  	s4 =	sld [smem:$0x3FFC];
	_ =	sdelay $0x3  }
0x95: {  	_ =	strace s4  }
0x96: {  	s4 =	sld [smem:$0x3FFD];
	_ =	sdelay $0x3  }
0x97: {  	_ =	strace s4  }
0x98: {  	_ =	strace $0x8FFFFFFF  }
0x99: {  	s20 =	sld [smem:$0x3FDB];
	_ =	sdelay $0x1  }
0x9a: {  	s5 =	simm.s32 $_scs_section_size  }
0x9b: {  	s6 =	simm.s32 $_size__tile_overlayer_lowered;
	s7 =	simm.s32 $_tile_overlayer_lowered  }
0x9c: {  	s23 =	simm.s32 $0x1BFF;
	s22 =	sshll.u32 s7, $0x1;
	s4 =	sadd.s32 s5, s20  }
0x9d: {  	s8 =	simm.s32 $0x0;
	s21 =	sshll.u32 s6, $0x1;
	s6 =	sadd.s32 s22, s4  }
0x9e: {  	[timem:s8], [sflag:s23] =	dma.local [hbm:s6], s21  }
0x9f: {  	_ =	swait.ge [sflag:s23], s21  }
0xa0: {  	s5 =	ssub.s32 $0x0, s21;
	[sflag:s23] =	ssyncset.done $0x0  }
0xa1: {  	[sflag:s23] =	ssyncadd.s32 s5;
	_ =	sdelay $0x1  }
0xa2: {  	s24 =	simm.s32 $0x1B8B  }
0xa3: {  	_ =	swait.ge [sflag:s24], $0x1  }
0xa4: {  	[sflag:s24] =	ssyncset.done $0x0  }
0xa5: {  	s25 =	simm.s32 $0x1B8E;
	[sflag:s24] =	ssyncadd.s32 $0xFFFFFFFF  }
0xa6: {  	s26 =	simm.s32 $execute0_lowered;
	[smem:$0x3FD2] =	sst s25  }
0xa7: {  	s5 =	sshll.u32 s26, $0x1;
	_ =	strace $0x80000046;
	[dreg:$0x1] =	wrdreg $0xFFFFFFFF  }
0xa8: {  	s28 =	simm.s32 $_size_execute0_lowered;
	s4 =	sadd.s32 s4, s5;
	[dreg:$0x0] =	wrdreg $0x0  }
0xa9: {  	s5 =	sshll.u32 s28, $0x1;
	[dreg:$0x2] =	wrdreg s4  }
0xaa: {  	[dreg:$0x3] =	wrdreg s5  }
0xab: {  	[dreg:$0x4] =	wrdreg $0xC0  }
0xac: {  	_ =	task [dreg:s8], $0x5FFFF  }
0xad: {  	[dreg:$0x1] =	wrdreg $0xFFFFFFFF  }
0xae: {  	[dreg:$0x0] =	wrdreg $0x60  }
0xaf: {  	[dreg:$0x2] =	wrdreg s2  }
0xb0: {  	[dreg:$0x3] =	wrdreg s19  }
0xb1: {  	[dreg:$0x4] =	wrdreg $0x9  }
0xb2: {  	_ =	task.clear_ibuf [dreg:s8], $0x5FFFF;
	_ =	strace $0x90000046  }
0xb3: {  	s29 =	simm.s32 $0x9;
	_ =	strace $0x80000048  }
0xb4: {  	_ =	swait.ge [sflag:s29], $0x1  }
0xb5: {  	[sflag:s29] =	ssyncadd.s32 $0xFFFFFFFF  }
0xb6: {  	_ =	strace $0x90000048  }
0xb7: {  	_ =	sfence  }
0xb8: {  	s30 =	sld [smem:$0x0];
	_ =	sdelay $0x2  }
0xb9: {  	s31 =	sshll.u32 s1, $0xD;
	s1 =	sshrl.u32 s1, $0x2  }
0xba: {  	s3 =	sand.u32 $0x4000, s31;
	s1 =	sadd.s32 s1, s30  }
0xbb: {  	s0 =	sor.u32 s3, s0;
	s1 =	sshll.u32 s1, $0x11  }
0xbc: {  	s0 =	sor.u32 s1, s0  }
0xbd: {  	s0 =	sadd.s32 $0x8F2B, s0  }
0xbe: {  	[sflag:s0] =	ssyncadd.remote.s32 $0x1  }
0xbf: {  	_ =	sfence.sel $0xFFFF  }
0xc0: {  	[dreg:$0x0] =	wrdreg $0xFFFFFFFF;
	(pc) =	sbr.abs _section_cstart, $3  }
0xc1: {  	[dreg:$0x1] =	wrdreg $0xFFFFFFFF  }
0xc2: {  	_ =	task.clear_ibuf [dreg:s8], $0x2FFFF;
	_ =	strace $0x9FFFFFFF  }
0xc3: {  	(tm) =	ssettm $0x7FFFFFFF  }
tec
execute0_lowered:
.L_overlay_start_1:
0x0: {  	(tag) =	ssettag $0x1  }
0x1: {  	s0 =	rddreg [dreg:$0x0]  }
0x2: {  	s1 =	rddreg [dreg:$0x1]  }
0x3: {  	s4 =	simm.s32 $0x0;
	s3 =	srdreg.scid;
	s2 =	stileid.u32  }
0x4: {  	s10 =	simm.s32 $0x80;
	s11 =	simm.s32 $0x400;
	s14 =	simm.s32 $0x1  }
0x5: {  	s15 =	simm.s32 $0x10000;
	s16 =	simm.s32 $0x2;
	s17 =	simm.s32 $0x3  }
0x6: {  	s19 =	simm.s32 $0x4;
	s20 =	simm.s32 $0x5;
	s21 =	simm.s32 $0x0  }
0x7: {  	[smem:$0x7FF] =	sst s4;
	s3 =	sand.u32 $0x1, s3;
	s29 =	sshll.u32 s2, $0x6  }
0x8: {  	s6 =	sshll.u32 s2, $0xE;
	s5 =	sshll.u32 s3, $0x5;
	s4 =	sand.u32 $0x40, s29  }
0x9: {  	s3 =	ssub.s32 $0x2, s3;
	s6 =	sand.u32 $0x38000, s6;
	s4 =	sor.u32 s5, s4  }
0xa: {  	s2 =	simm.s32 $0x8000;
	s30 =	sshrl.u32 s3, $0x1;
	s7 =	sor.u32 s6, s4  }
0xb: {  	v0 =	vlaneseq.u32;
	_ =	strace $0x80000047;
	s9 =	ssub.s32 s3, s30;
	s3 =	sadd.s32 s0, s7  }
0xc: {  	v4 =	vmul.u32 $0xFFFFFFFF, v0;
	s6 =	sor.u32 $0x10, s7;
	s7 =	sadd.s32 s1, s7;
	s31 =	sadd.s32 $0x4000, s3  }
0xd: {  	v1 =	vimm.s32 $0x1;
	v0 =	vimm.s32 $0x0;
	s0 =	sadd.s32 s0, s6;
	s6 =	sadd.s32 s1, s6;
	[dreg:$0x3] =	wrdreg s31  }
0xe: {  	v2 =	vadd.s32 $0xF, v4;
	v3 =	vadd.s32 $0x3FF, v4;
	v4 =	vadd.s32 $0x7FF, v4;
	s9 =	smax.u32 s9, $0x1;
	[dreg:$0x4] =	wrdreg s0;
	s8 =	sadd.s32 $0x4000, s6  }
.LBB2_1:
0xf: {  	s0 =	simm.s32 $0x0  }
0x10: {  	[tilespmem:s0], [sflag:$0x1] =	stream.strided.gather [hbm4b:s3+s10], $0x4000, s11, s10, $0x38;
	[tilespmem:$0x10800] =	vst v63  }
0x11: {  	s30 =	rddreg [dreg:$0x3];
	s1 =	simm.s32 $0x4000  }
0x12: {  	[tilespmem:s1], [sflag:$0x2] =	stream.strided.gather [hbm4b:s30+s10], $0x4000, s11, s10, $0x38;
	[tilespmem:$0x10800] =	vst v63  }
0x13: {  	s31 =	rddreg [dreg:$0x4];
	s0 =	simm.s32 $0x10020  }
0x14: {  	[tilespmem:s2], [sflag:$0x3] =	stream.strided.gather [hbm4b:s31+s10], $0x8000, s11, s10, $0x38;
	[tilespmem:$0x10800] =	vst v63  }
0x15: {  	[tilespmem:s0+$0xFFFFFFE0] =	vst v0  }
0x16: {  	[tilespmem:s0+$0x10] =	vst v0  }
0x17: {  	s1 =	simm.s32 $0x0;
	[tilespmem:s0+$0x0] =	vst v0  }
.LBB2_2:
0x18: {  	s1 =	sadd.s32 $0x4, s1  }
0x19: {  	[tilespmem:s0+$0xFFFFFFF0] =	vst v0;
	s0 =	sadd.s32 $0x40, s0;
	p0 =	slt.u32 s1, $0x3C  }
.Ltmp0:
0x1a: {  	[tilespmem:s0+$0xFFFFFFE0] =	vst v0;
	(pc) =	sbr.rel @p0 .LBB2_2-.Ltmp0, $3  }
0x1b: {  	_ =	sdelay $0x1  }
0x1c: {  	[tilespmem:s0+$0x10] =	vst v0  }
0x1d: {  	[tilespmem:s0+$0x0] =	vst v0  }
0x1e: {  	[tilespmem:s0+$0xFFFFFFF0] =	vst v0  }
0x1f: {  	_ =	swait.ge [sflag:s14], $0x4000  }
0x20: {  	[sflag:s14] =	ssyncset.done $0x0  }
0x21: {  	s31 =	simm.s32 $0x40;
	[sflag:s14] =	ssyncadd.s32 $0xFFFFC000  }
0x22: {  	v5 =	vld [tilespmem:s31+$0x30]  }
0x23: {  	v6 =	vld [tilespmem:s31+$0xFFFFFFD0]  }
0x24: {  	v7 =	vld [tilespmem:s31+$0xFFFFFFE0]  }
0x25: {  	v8 =	vld [tilespmem:s31+$0xFFFFFFF0]  }
0x26: {  	v9 =	vld [tilespmem:s31+$0x0]  }
0x27: {  	v5 =	vshrl.u32 v5, $0x15  }
0x28: {  	v6 =	vshrl.u32 v6, $0x15;
	v5 =	vand.u32 $0x3FF, v5  }
0x29: {  	v10 =	vld [tilespmem:s31+$0x10];
	v7 =	vshrl.u32 v7, $0x15;
	v6 =	vand.u32 $0x3FF, v6  }
0x2a: {  	v11 =	vld [tilespmem:s31+$0x20];
	v8 =	vshrl.u32 v8, $0x15;
	v7 =	vand.u32 $0x3FF, v7  }
0x2b: {  	v12 =	vld [tilespmem:s31+$0xFFFFFFC0];
	v9 =	vshrl.u32 v9, $0x15;
	v8 =	vand.u32 $0x3FF, v8  }
0x2c: {  	v9 =	vand.u32 $0x3FF, v9  }
0x2d: {  	[tilespmem:v5+s15+$0x0] =	vst.idx.add.s32.msk $0xffff, v1  }
0x2e: {  	[tilespmem:v6+s15+$0x0] =	vst.idx.add.s32.msk $0xffff, v1  }
0x2f: {  	[tilespmem:v7+s15+$0x0] =	vst.idx.add.s32.msk $0xffff, v1  }
0x30: {  	v5 =	vshrl.u32 v10, $0x15;
	v6 =	vshrl.u32 v11, $0x15;
	v7 =	vshrl.u32 v12, $0x15;
	[tilespmem:v8+s15+$0x0] =	vst.idx.add.s32.msk $0xffff, v1  }
0x31: {  	s0 =	simm.s32 $0x0;
	s1 =	simm.s32 $0xC0;
	[tilespmem:v9+s15+$0x0] =	vst.idx.add.s32.msk $0xffff, v1;
	v5 =	vand.u32 $0x3FF, v5;
	v6 =	vand.u32 $0x3FF, v6;
	v7 =	vand.u32 $0x3FF, v7  }
.LBB2_4:
0x32: {  	v8 =	vld [tilespmem:s1+$0x30];
	s0 =	sadd.s32 $0x8, s0  }
0x33: {  	v9 =	vld [tilespmem:s1+$0xFFFFFFD0];
	p0 =	slt.u32 s0, $0x3F8  }
0x34: {  	v10 =	vld [tilespmem:s1+$0xFFFFFFE0]  }
0x35: {  	v11 =	vld [tilespmem:s1+$0xFFFFFFF0]  }
0x36: {  	v12 =	vld [tilespmem:s1+$0x0]  }
0x37: {  	v13 =	vld [tilespmem:s1+$0x10];
	v8 =	vshrl.u32 v8, $0x15  }
0x38: {  	v9 =	vshrl.u32 v9, $0x15;
	v14 =	vld [tilespmem:s1+$0x20];
	v8 =	vand.u32 $0x3FF, v8  }
0x39: {  	v15 =	vld [tilespmem:s1+$0xFFFFFFC0];
	v9 =	vand.u32 $0x3FF, v9;
	v10 =	vshrl.u32 v10, $0x15  }
0x3a: {  	v10 =	vand.u32 $0x3FF, v10;
	v11 =	vshrl.u32 v11, $0x15;
	[tilespmem:v7+s15+$0x0] =	vst.idx.add.s32.msk $0xffff, v1  }
0x3b: {  	v11 =	vand.u32 $0x3FF, v11;
	v7 =	vshrl.u32 v12, $0x15;
	[tilespmem:v5+s15+$0x0] =	vst.idx.add.s32.msk $0xffff, v1  }
0x3c: {  	v12 =	vand.u32 $0x3FF, v7;
	v5 =	vshrl.u32 v13, $0x15;
	[tilespmem:v6+s15+$0x0] =	vst.idx.add.s32.msk $0xffff, v1  }
.Ltmp1:
0x3d: {  	v5 =	vand.u32 $0x3FF, v5;
	v6 =	vshrl.u32 v14, $0x15;
	[tilespmem:v8+s15+$0x0] =	vst.idx.add.s32.msk $0xffff, v1;
	(pc) =	sbr.rel @p0 .LBB2_4-.Ltmp1, $4  }
0x3e: {  	v7 =	vshrl.u32 v15, $0x15;
	[tilespmem:v9+s15+$0x0] =	vst.idx.add.s32.msk $0xffff, v1;
	v6 =	vand.u32 $0x3FF, v6  }
0x3f: {  	v7 =	vand.u32 $0x3FF, v7;
	[tilespmem:v10+s15+$0x0] =	vst.idx.add.s32.msk $0xffff, v1  }
0x40: {  	[tilespmem:v11+s15+$0x0] =	vst.idx.add.s32.msk $0xffff, v1  }
0x41: {  	s1 =	sadd.s32 $0x80, s1;
	[tilespmem:v12+s15+$0x0] =	vst.idx.add.s32.msk $0xffff, v1  }
0x42: {  	_ =	sdelay $0x3  }
0x43: {  	[tilespmem:v7+s15+$0x0] =	vst.idx.add.s32.msk $0xffff, v1  }
0x44: {  	[tilespmem:v5+s15+$0x0] =	vst.idx.add.s32.msk $0xffff, v1  }
0x45: {  	[tilespmem:v6+s15+$0x0] =	vst.idx.add.s32.msk $0xffff, v1  }
0x46: {  	_ =	swait.ge [sflag:s16], $0x4000  }
0x47: {  	[sflag:s16] =	ssyncset.done $0x0  }
0x48: {  	s0 =	simm.s32 $0x4070;
	[sflag:s16] =	ssyncadd.s32 $0xFFFFC000  }
0x49: {  	v5 =	vld [tilespmem:s0+$0x0]  }
0x4a: {  	v6 =	vld [tilespmem:s0+$0xFFFFFFA0]  }
0x4b: {  	v7 =	vld [tilespmem:s0+$0xFFFFFFB0]  }
0x4c: {  	v8 =	vld [tilespmem:s0+$0xFFFFFFC0]  }
0x4d: {  	v9 =	vld [tilespmem:s0+$0xFFFFFFD0]  }
0x4e: {  	v5 =	vshrl.u32 v5, $0x15  }
0x4f: {  	v6 =	vshrl.u32 v6, $0x15;
	v5 =	vand.u32 $0x3FF, v5  }
0x50: {  	v10 =	vld [tilespmem:s0+$0xFFFFFFE0];
	v7 =	vshrl.u32 v7, $0x15;
	v6 =	vand.u32 $0x3FF, v6  }
0x51: {  	v11 =	vld [tilespmem:s0+$0xFFFFFFF0];
	v8 =	vshrl.u32 v8, $0x15;
	v7 =	vand.u32 $0x3FF, v7  }
0x52: {  	v12 =	vld [tilespmem:s0+$0xFFFFFF90];
	v9 =	vshrl.u32 v9, $0x15;
	v8 =	vand.u32 $0x3FF, v8  }
0x53: {  	v9 =	vand.u32 $0x3FF, v9  }
0x54: {  	[tilespmem:v5+s15+$0x0] =	vst.idx.add.s32.msk $0xffff, v1  }
0x55: {  	[tilespmem:v6+s15+$0x0] =	vst.idx.add.s32.msk $0xffff, v1  }
0x56: {  	[tilespmem:v7+s15+$0x0] =	vst.idx.add.s32.msk $0xffff, v1  }
0x57: {  	v5 =	vshrl.u32 v10, $0x15;
	v6 =	vshrl.u32 v11, $0x15;
	v7 =	vshrl.u32 v12, $0x15;
	[tilespmem:v8+s15+$0x0] =	vst.idx.add.s32.msk $0xffff, v1  }
0x58: {  	s1 =	simm.s32 $0x400;
	s12 =	simm.s32 $0x40F0;
	s0 =	simm.s32 $0x103F0;
	[tilespmem:v9+s15+$0x0] =	vst.idx.add.s32.msk $0xffff, v1;
	v5 =	vand.u32 $0x3FF, v5;
	v6 =	vand.u32 $0x3FF, v6;
	v7 =	vand.u32 $0x3FF, v7  }
.LBB2_6:
0x59: {  	v8 =	vld [tilespmem:s12+$0x0];
	s1 =	sadd.s32 $0x8, s1  }
0x5a: {  	v9 =	vld [tilespmem:s12+$0xFFFFFFA0];
	p0 =	slt.u32 s1, $0x7F8  }
0x5b: {  	v10 =	vld [tilespmem:s12+$0xFFFFFFB0]  }
0x5c: {  	v11 =	vld [tilespmem:s12+$0xFFFFFFC0]  }
0x5d: {  	v12 =	vld [tilespmem:s12+$0xFFFFFFD0]  }
0x5e: {  	v13 =	vld [tilespmem:s12+$0xFFFFFFE0];
	v8 =	vshrl.u32 v8, $0x15  }
0x5f: {  	v9 =	vshrl.u32 v9, $0x15;
	v14 =	vld [tilespmem:s12+$0xFFFFFFF0];
	v8 =	vand.u32 $0x3FF, v8  }
0x60: {  	v15 =	vld [tilespmem:s12+$0xFFFFFF90];
	v9 =	vand.u32 $0x3FF, v9;
	v10 =	vshrl.u32 v10, $0x15  }
0x61: {  	v10 =	vand.u32 $0x3FF, v10;
	v11 =	vshrl.u32 v11, $0x15;
	[tilespmem:v7+s15+$0x0] =	vst.idx.add.s32.msk $0xffff, v1  }
0x62: {  	v11 =	vand.u32 $0x3FF, v11;
	v7 =	vshrl.u32 v12, $0x15;
	[tilespmem:v5+s15+$0x0] =	vst.idx.add.s32.msk $0xffff, v1  }
0x63: {  	v12 =	vand.u32 $0x3FF, v7;
	v5 =	vshrl.u32 v13, $0x15;
	[tilespmem:v6+s15+$0x0] =	vst.idx.add.s32.msk $0xffff, v1  }
.Ltmp2:
0x64: {  	s22 =	simm.s32 $0x0;
	v5 =	vand.u32 $0x3FF, v5;
	v6 =	vshrl.u32 v14, $0x15;
	[tilespmem:v8+s15+$0x0] =	vst.idx.add.s32.msk $0xffff, v1;
	(pc) =	sbr.rel @p0 .LBB2_6-.Ltmp2, $4  }
0x65: {  	v7 =	vshrl.u32 v15, $0x15;
	[tilespmem:v9+s15+$0x0] =	vst.idx.add.s32.msk $0xffff, v1;
	v6 =	vand.u32 $0x3FF, v6  }
0x66: {  	v7 =	vand.u32 $0x3FF, v7;
	[tilespmem:v10+s15+$0x0] =	vst.idx.add.s32.msk $0xffff, v1  }
0x67: {  	[tilespmem:v11+s15+$0x0] =	vst.idx.add.s32.msk $0xffff, v1  }
0x68: {  	s12 =	sadd.s32 $0x80, s12;
	[tilespmem:v12+s15+$0x0] =	vst.idx.add.s32.msk $0xffff, v1  }
0x69: {  	_ =	sdelay $0x3  }
0x6a: {  	[tilespmem:v7+s15+$0x0] =	vst.idx.add.s32.msk $0xffff, v1  }
0x6b: {  	[tilespmem:v5+s15+$0x0] =	vst.idx.add.s32.msk $0xffff, v1  }
0x6c: {  	[tilespmem:v6+s15+$0x0] =	vst.idx.add.s32.msk $0xffff, v1  }
0x6d: {  	v5 =	vld [tilespmem:s0+$0x0];
	_ =	sdelay $0x4  }
0x6e: {  	(xrf0) =	vadd.scan.msk.s32 $0xffff, v5;
	_ =	sdelay $0x2  }
0x6f: {  	s25 =	simm.s32 $0x103D0;
	v6 =	vld [tilespmem:s0+$0xFFFFFFF0]  }
0x70: {  	v7 =	vld [tilespmem:s25+$0x0];
	_ =	sdelay $0x1  }
0x71: {  	v8, _, _ =	vpop (xrf0)  }
0x72: {  	(v2sf) =	vpush v8, $0xF  }
0x73: {  	(xrf0) =	vadd.scan.msk.s32 $0xffff, v6  }
0x74: {  	(xrf0) =	vadd.scan.msk.s32 $0xffff, v7  }
0x75: {  	v8 =	vld [tilespmem:s25+$0xFFFFFFF0];
	_ =	sdelay $0x1  }
0x76: {  	s26 =	simm.s32 $0x103B0  }
0x77: {  	v9 =	vld [tilespmem:s26+$0x0]  }
0x78: {  	v6 =	vperm.xlane v6, v2;
	v10, _, _ =	vpop (xrf0)  }
0x79: {  	v5 =	vperm.xlane v5, v2;
	(v2sf) =	vpush v10, $0xF;
	v10, _, _ =	vpop (xrf0);
	(xrf0) =	vadd.scan.msk.s32 $0xffff, v8  }
0x7a: {  	(v2sf) =	vpush v10, $0xF;
	(xrf0) =	vadd.scan.msk.s32 $0xffff, v6  }
0x7b: {  	(xrf0) =	vadd.scan.msk.s32 $0xffff, v5  }
0x7c: {  	(xrf0) =	vadd.scan.msk.s32 $0xffff, v9  }
0x7d: {  	v10 =	vld [tilespmem:s26+$0xFFFFFFF0];
	_ =	sdelay $0x1  }
0x7e: {  	s31 =	simm.s32 $0x10390;
	v11, _, _ =	vpop (xrf0)  }
0x7f: {  	v13 =	vld [tilespmem:s31+$0x0];
	v12, _, _ =	vpop (xrf0);
	s1 =	spop (v2sf)  }
0x80: {  	s2 =	simm.s32 $0x10;
	v14 =	vld [tilespmem:s31+$0xFFFFFFF0];
	v16 =	vperm.xlane v7, v2;
	v8 =	vperm.xlane v8, v2;
	v15, _, _ =	vpop (xrf0);
	s1 =	sadd.s32 $0x0, s1  }
0x81: {  	v7 =	vmov s2;
	(xrf0) =	vadd.scan.msk.s32 $0xffff, v10;
	(v2sf) =	vpush v11, $0xF;
	v11, _, _ =	vpop (xrf0);
	v12 =	vadd.s32 s1, v12  }
0x82: {  	v7 =	vsub.s32 v3, v7;
	(xrf0) =	vadd.scan.msk.s32 $0xffff, v8;
	(v2sf) =	vpush v11, $0xF;
	v6 =	vsub.s32 v12, v6  }
0x83: {  	(xrf0) =	vadd.scan.msk.s32 $0xffff, v16;
	v11 =	vadd.s32 s22, v15;
	vm0 =	vgt.s32 v12, $0xCCB;
	vm1 =	vlt.s32 v6, $0xCCC  }
0x84: {  	(xrf0) =	vadd.scan.msk.s32 $0xffff, v13;
	v5 =	vsub.s32 v11, v5;
	vm7 =	vgt.s32 v11, $0xCCB;
	vm0 =	vmand vm0, vm1  }
0x85: {  	(xrf0) =	vadd.scan.msk.s32 $0xffff, v14;
	vm2 =	vlt.s32 v5, $0xCCC;
	v12 =	vmov s22;
	v7 =	vnsel vm0, $0x0, v7  }
0x86: {  	vm1 =	vmand vm7, vm2;
	(xrf0) =	vadd.scan.msk.s32 $0xffff, v7;
	v7 =	vsub.s32 v3, v12  }
0x87: {  	s18 =	spop (v2sf);
	v11, _, _ =	vpop (xrf0);
	v5 =	vnsel vm1, $0x0, v5;
	v7 =	vnsel vm1, $0x0, v7  }
0x88: {  	s25 =	simm.s32 $0x10370;
	s13 =	sadd.s32 s1, s18;
	s24 =	spop (v2sf);
	v15, _, _ =	vpop (xrf0);
	(xrf0) =	vadd.scan.msk.s32 $0xffff, v7  }
0x89: {  	s23 =	simm.s32 $0x20;
	v18 =	vperm.xlane v10, v2;
	v10 =	vld [tilespmem:s25+$0x0];
	s1 =	sadd.s32 s13, s24;
	(v2sf) =	vpush v11, $0xF;
	v19, _, _ =	vpop (xrf0);
	v6 =	vnsel vm0, $0x0, v6;
	(xrf0) =	vadd.scan.msk.s32 $0xffff, v5  }
0x8a: {  	s4 =	simm.s32 $0x30;
	v61 =	vperm.xlane v9, v2;
	v11 =	vadd.s32 s1, v15;
	v15 =	vmov s23;
	v5, _, _ =	vpop (xrf0);
	(xrf0) =	vadd.scan.msk.s32 $0xffff, v6;
	v6 =	vld [tilespmem:s25+$0xFFFFFFF0]  }
0x8b: {  	v12 =	vmov s4;
	v8 =	vsub.s32 v11, v8;
	(v2sf) =	vpush v5, $0xF;
	v20, _, _ =	vpop (xrf0)  }
0x8c: {  	vm8 =	vgt.s32 v11, $0xCCB;
	v5 =	vsub.s32 v3, v12;
	v12 =	vadd.s32 s13, v19;
	(xrf0) =	vadd.scan.msk.s32 $0xffff, v18;
	v9, _, _ =	vpop (xrf0)  }
0x8d: {  	vm9 =	vlt.s32 v8, $0xCCC;
	(xrf0) =	vadd.scan.msk.s32 $0xffff, v61;
	(v2sf) =	vpush v9, $0xF;
	v9 =	vsub.s32 v12, v16  }
0x8e: {  	vm0 =	vmand vm8, vm9;
	vm10 =	vgt.s32 v12, $0xCCB;
	vm3 =	vlt.s32 v9, $0xCCC;
	v11, _, _ =	vpop (xrf0);
	(xrf0) =	vadd.scan.msk.s32 $0xffff, v10  }
0x8f: {  	v15 =	vsub.s32 v3, v15;
	v5 =	vnsel vm0, $0x0, v5;
	vm11 =	vmand vm10, vm3;
	(xrf0) =	vadd.scan.msk.s32 $0xffff, v6  }
0x90: {  	v12 =	vperm.xlane v14, v2;
	(v2sf) =	vpush v11, $0xF;
	v11, _, _ =	vpop (xrf0);
	v14 =	vnsel vm11, $0x0, v15;
	(xrf0) =	vadd.scan.msk.s32 $0xffff, v5  }
0x91: {  	v8 =	vnsel vm0, $0x0, v8;
	s31 =	spop (v2sf);
	(v2sf) =	vpush v11, $0xF;
	v11, _, _ =	vpop (xrf0);
	v9 =	vnsel vm11, $0x0, v9;
	(xrf0) =	vadd.scan.msk.s32 $0xffff, v14  }
0x92: {  	s2 =	sadd.s32 s1, s31;
	s4 =	spop (v2sf);
	(v2sf) =	vpush v11, $0xF;
	v11, _, _ =	vpop (xrf0);
	(xrf0) =	vadd.scan.msk.s32 $0xffff, v9  }
0x93: {  	s5 =	simm.s32 $0x50;
	s1 =	sadd.s32 s2, s4;
	v16, _, _ =	vpop (xrf0);
	(xrf0) =	vadd.scan.msk.s32 $0xffff, v8  }
0x94: {  	v17 =	vmov s5;
	v14 =	vadd.s32 s1, v11;
	v8, _, _ =	vpop (xrf0)  }
0x95: {  	s5 =	simm.s32 $0x10350;
	s13 =	simm.s32 $0x40;
	v15 =	vsub.s32 v3, v17;
	(v2sf) =	vpush v20, $0xF;
	v21, _, _ =	vpop (xrf0)  }
0x96: {  	v9 =	vld [tilespmem:s5+$0x0];
	v11 =	vmov s13;
	v16 =	vadd.s32 s2, v16;
	(v2sf) =	vpush v8, $0xF;
	v8, _, _ =	vpop (xrf0)  }
0x97: {  	v17 =	vld [tilespmem:s5+$0xFFFFFFF0];
	v18 =	vsub.s32 v14, v18;
	vm13 =	vgt.s32 v14, $0xCCB;
	v14, _, _ =	vpop (xrf0);
	(v2sf) =	vpush v8, $0xF  }
0x98: {  	s25 =	spop (v2sf);
	v62 =	vsub.s32 v3, v11;
	v11 =	vperm.xlane v13, v2;
	(xrf0) =	vadd.scan.msk.s32 $0xffff, v12;
	(v2sf) =	vpush v14, $0xF;
	v14, _, _ =	vpop (xrf0)  }
0x99: {  	v13 =	vsub.s32 v16, v61;
	(v2sf) =	vpush v14, $0xF;
	v14, _, _ =	vpop (xrf0)  }
0x9a: {  	vm12 =	vgt.s32 v16, $0xCCB;
	vm14 =	vlt.s32 v18, $0xCCC;
	(xrf0) =	vadd.scan.msk.s32 $0xffff, v11;
	s31 =	spop (v2sf);
	(v2sf) =	vpush v14, $0xF  }
0x9b: {  	s12 =	simm.s32 $0x70;
	vm15 =	vlt.s32 v13, $0xCCC;
	vm1 =	vmand vm13, vm14;
	(xrf0) =	vadd.scan.msk.s32 $0xffff, v9;
	(v2sf) =	vpush v21, $0xF  }
0x9c: {  	s28 =	simm.s32 $0x60;
	s30 =	simm.s32 $0xC0;
	s0 =	simm.s32 $0xA;
	vm0 =	vmand vm12, vm15;
	v15 =	vnsel vm1, $0x0, v15;
	(xrf0) =	vadd.scan.msk.s32 $0xffff, v17  }
0x9d: {  	s26 =	simm.s32 $0x90;
	s23 =	simm.s32 $0xB0;
	v7 =	vmov s12;
	v6 =	vperm.xlane v6, v2;
	s12 =	sadd.s32 s1, s25;
	v16 =	vnsel vm0, $0x0, v62;
	(xrf0) =	vadd.scan.msk.s32 $0xffff, v15  }
0x9e: {  	s24 =	simm.s32 $0xA0;
	v5 =	vmov s26;
	s26 =	simm.s32 $0x80;
	v8 =	vmov s23;
	v63 =	vnsel vm0, $0x0, v13;
	s29 =	sadd.s32 s12, s31;
	v14, _, _ =	vpop (xrf0);
	(xrf0) =	vadd.scan.msk.s32 $0xffff, v16  }
0x9f: {  	s1 =	simm.s32 $0x10330;
	v13 =	vperm.xlane v17, v2;
	s23 =	simm.s32 $0x0;
	v15 =	vnsel vm1, $0x0, v18;
	v14 =	vadd.s32 s29, v14;
	(xrf0) =	vadd.scan.msk.s32 $0xffff, v63;
	s25 =	spop (v2sf)  }
.LBB2_8:
0xa0: {  	s18 =	sadd.s32 $0x10, s30;
	s0 =	sadd.s32 $0x2, s0;
	v17 =	vmov s28;
	v18 =	vsub.s32 v3, v7;
	s31 =	spop (v2sf)  }
0xa1: {  	v16 =	vld [tilespmem:s1+$0x0];
	v19, _, _ =	vpop (xrf0);
	(xrf0) =	vadd.scan.msk.s32 $0xffff, v15;
	v7 =	vmov v5;
	v5 =	vmov v8;
	v20 =	vmov v13;
	s28 =	smov.u32 s26;
	s26 =	smov.u32 s24;
	s24 =	smov.u32 s30  }
0xa2: {  	v13 =	vld [tilespmem:s1+$0xFFFFFFF0];
	v8 =	vmov s18;
	p0 =	slt.u32 s0, $0x3E;
	v15, _, _ =	vpop (xrf0);
	v19 =	vadd.s32 s12, v19;
	v17 =	vsub.s32 v3, v17;
	s12 =	sadd.s32 s22, s31;
	s18 =	spop (v2sf)  }
0xa3: {  	(v2sf) =	vpush v15, $0xF;
	v21, _, _ =	vpop (xrf0);
	(xrf0) =	vadd.scan.msk.s32 $0xffff, v6;
	v22 =	vsub.s32 v19, v11;
	v11 =	vperm.xlane v10, v2;
	s18 =	sadd.s32 s23, s18;
	s22 =	sadd.s32 s25, s12;
	s12 =	spop (v2sf)  }
0xa4: {  	vm0 =	vgt.s32 v19, $0xCCB;
	v10 =	vsub.s32 v14, v12;
	vm1 =	vlt.s32 v22, $0xCCC;
	s25 =	spop (v2sf);
	v12, _, _ =	vpop (xrf0);
	s23 =	sadd.s32 s12, s18  }
0xa5: {  	vm2 =	vgt.s32 v14, $0xCCB;
	vm3 =	vlt.s32 v10, $0xCCC;
	(xrf0) =	vadd.scan.msk.s32 $0xffff, v11;
	s12 =	sadd.s32 s29, s25;
	v14, _, _ =	vpop (xrf0);
	(v2sf) =	vpush v12, $0xF  }
.Ltmp3:
0xa6: {  	vm0 =	vmand vm0, vm1;
	vm1 =	vmand vm2, vm3;
	(xrf0) =	vadd.scan.msk.s32 $0xffff, v16;
	(v2sf) =	vpush v14, $0xF;
	v12, _, _ =	vpop (xrf0);
	(pc) =	sbr.rel @p0 .LBB2_8-.Ltmp3, $4  }
0xa7: {  	v18 =	vnsel vm1, $0x0, v18;
	v15 =	vnsel vm1, $0x0, v10;
	(xrf0) =	vadd.scan.msk.s32 $0xffff, v13;
	(v2sf) =	vpush v12, $0xF;
	v10, _, _ =	vpop (xrf0)  }
0xa8: {  	v19 =	vnsel vm0, $0x0, v17;
	v17 =	vnsel vm0, $0x0, v22;
	s18 =	spop (v2sf);
	(xrf0) =	vadd.scan.msk.s32 $0xffff, v18;
	(v2sf) =	vpush v10, $0xF;
	v10 =	vmovc v9  }
0xa9: {  	v13 =	vperm.xlane v13, v2;
	v9 =	vmov v16;
	(v2sf) =	vpush v21, $0xF;
	s29 =	sadd.s32 s12, s18;
	v14, _, _ =	vpop (xrf0);
	(xrf0) =	vadd.scan.msk.s32 $0xffff, v19  }
0xaa: {  	s30 =	sadd.s32 $0x20, s30;
	s1 =	sadd.s32 $0xFFFFFFE0, s1;
	v12 =	vmovc v6;
	v6 =	vmov v20;
	v14 =	vadd.s32 s29, v14;
	(xrf0) =	vadd.scan.msk.s32 $0xffff, v17;
	s25 =	spop (v2sf)  }
0xab: {  	v16, _, _ =	vpop (xrf0)  }
0xac: {  	v50 =	vmov s28;
	v17, _, _ =	vpop (xrf0)  }
0xad: {  	v7 =	vsub.s32 v3, v7;
	v12 =	vsub.s32 v14, v12;
	(v2sf) =	vpush v17, $0xF  }
0xae: {  	vm0 =	vgt.s32 v14, $0xCCB;
	v16 =	vadd.s32 s12, v16;
	vm1 =	vlt.s32 v12, $0xCCC  }
0xaf: {  	v10 =	vperm.xlane v10, v2;
	(xrf0) =	vadd.scan.msk.s32 $0xffff, v15;
	v11 =	vsub.s32 v16, v11;
	vm0 =	vmand vm0, vm1  }
0xb0: {  	(xrf0) =	vadd.scan.msk.s32 $0xffff, v6;
	vm2 =	vgt.s32 v16, $0xCCB;
	vm3 =	vlt.s32 v11, $0xCCC;
	v7 =	vnsel vm0, $0x0, v7  }
0xb1: {  	s28 =	spop (v2sf);
	v51 =	vsub.s32 v3, v50;
	v52, _, _ =	vpop (xrf0);
	(xrf0) =	vadd.scan.msk.s32 $0xffff, v10;
	vm5 =	vmand vm2, vm3  }
0xb2: {  	s30 =	spop (v2sf);
	v53, _, _ =	vpop (xrf0);
	(xrf0) =	vadd.scan.msk.s32 $0xffff, v7;
	v14 =	vnsel vm5, $0x0, v51  }
0xb3: {  	s0 =	spop (v2sf);
	(v2sf) =	vpush v53, $0xF;
	v11 =	vnsel vm5, $0x0, v11;
	v7, _, _ =	vpop (xrf0);
	(xrf0) =	vadd.scan.msk.s32 $0xffff, v14  }
0xb4: {  	s1 =	spop (v2sf);
	v12 =	vnsel vm0, $0x0, v12;
	(v2sf) =	vpush v7, $0xF;
	v7, _, _ =	vpop (xrf0);
	(xrf0) =	vadd.scan.msk.s32 $0xffff, v11  }
0xb5: {  	v9 =	vperm.xlane v9, v2;
	s18 =	sadd.s32 s29, s1;
	s2 =	spop (v2sf);
	(v2sf) =	vpush v7, $0xF;
	v7, _, _ =	vpop (xrf0);
	(xrf0) =	vadd.scan.msk.s32 $0xffff, v12  }
0xb6: {  	s29 =	sadd.s32 s18, s2;
	(v2sf) =	vpush v7, $0xF;
	v7, _, _ =	vpop (xrf0);
	(xrf0) =	vadd.scan.msk.s32 $0xffff, v13  }
0xb7: {  	s1 =	spop (v2sf);
	v7 =	vadd.s32 s29, v7;
	v55, _, _ =	vpop (xrf0);
	(xrf0) =	vadd.scan.msk.s32 $0xffff, v9  }
0xb8: {  	v54 =	vmov s26;
	v5 =	vsub.s32 v3, v5;
	v60 =	vmov s24;
	s12 =	spop (v2sf);
	v56, _, _ =	vpop (xrf0)  }
0xb9: {  	v11 =	vsub.s32 v3, v54;
	v12 =	vadd.s32 s18, v55;
	s18 =	spop (v2sf);
	v6 =	vsub.s32 v7, v6;
	v57, _, _ =	vpop (xrf0)  }
0xba: {  	vm8 =	vgt.s32 v7, $0xCCB;
	v10 =	vsub.s32 v12, v10;
	s26 =	spop (v2sf);
	vm9 =	vlt.s32 v6, $0xCCC;
	v7, _, _ =	vpop (xrf0)  }
0xbb: {  	vm6 =	vgt.s32 v12, $0xCCB;
	vm7 =	vlt.s32 v10, $0xCCC;
	s31 =	spop (v2sf);
	vm10 =	vmand vm8, vm9;
	v58, _, _ =	vpop (xrf0)  }
0xbc: {  	(v2sf) =	vpush v52, $0xF;
	s29 =	sadd.s32 s29, s31;
	vm0 =	vmand vm6, vm7;
	v5 =	vnsel vm10, $0x0, v5;
	v59, _, _ =	vpop (xrf0);
	s4 =	spop (v2sf)  }
0xbd: {  	v6 =	vnsel vm10, $0x0, v6;
	v11 =	vnsel vm0, $0x0, v11;
	v10 =	vnsel vm0, $0x0, v10;
	v61, _, _ =	vpop (xrf0);
	s31 =	sadd.s32 s29, s4  }
0xbe: {  	(xrf0) =	vadd.scan.msk.s32 $0xffff, v5;
	v5 =	vsub.s32 v3, v8;
	v62 =	vadd.s32 s29, v61;
	v15 =	vadd.s32 s31, v59  }
0xbf: {  	(xrf0) =	vadd.scan.msk.s32 $0xffff, v11;
	v9 =	vsub.s32 v62, v9;
	vm13 =	vgt.s32 v62, $0xCCB;
	v63 =	vsub.s32 v15, v13  }
0xc0: {  	(xrf0) =	vadd.scan.msk.s32 $0xffff, v10;
	vm14 =	vlt.s32 v9, $0xCCC;
	vm11 =	vgt.s32 v15, $0xCCB;
	vm12 =	vlt.s32 v63, $0xCCC  }
0xc1: {  	(xrf0) =	vadd.scan.msk.s32 $0xffff, v6;
	v6 =	vsub.s32 v3, v60;
	vm15 =	vmand vm13, vm14;
	vm0 =	vmand vm11, vm12  }
0xc2: {  	(v2sf) =	vpush v56, $0xF;
	v6 =	vnsel vm15, $0x0, v6;
	v5 =	vnsel vm0, $0x0, v5  }
0xc3: {  	(v2sf) =	vpush v57, $0xF;
	(xrf0) =	vadd.scan.msk.s32 $0xffff, v5;
	v5 =	vnsel vm15, $0x0, v9  }
0xc4: {  	(v2sf) =	vpush v7, $0xF;
	(xrf0) =	vadd.scan.msk.s32 $0xffff, v6  }
0xc5: {  	(v2sf) =	vpush v58, $0xF;
	v6, _, _ =	vpop (xrf0);
	(xrf0) =	vadd.scan.msk.s32 $0xffff, v5  }
0xc6: {  	(v2sf) =	vpush v6, $0xF;
	v5, _, _ =	vpop (xrf0)  }
0xc7: {  	v7 =	vnsel vm0, $0x0, v63;
	(v2sf) =	vpush v5, $0xF;
	v5, _, _ =	vpop (xrf0)  }
0xc8: {  	(xrf0) =	vadd.scan.msk.s32 $0xffff, v7;
	(v2sf) =	vpush v5, $0xF;
	v5, _, _ =	vpop (xrf0)  }
0xc9: {  	(v2sf) =	vpush v5, $0xF;
	v5, _, _ =	vpop (xrf0)  }
0xca: {  	v6, _, _ =	vpop (xrf0);
	(v2sf) =	vpush v5, $0xF  }
0xcb: {  	(v2sf) =	vpush v6, $0xF;
	v5, _, _ =	vpop (xrf0)  }
0xcc: {  	s24 =	spop (v2sf);
	(v2sf) =	vpush v5, $0xF  }
0xcd: {  	s29 =	spop (v2sf)  }
0xce: {  	s5 =	spop (v2sf);
	v5, _, _ =	vpop (xrf0)  }
0xcf: {  	s13 =	spop (v2sf);
	(v2sf) =	vpush v5, $0xF  }
0xd0: {  	s2 =	spop (v2sf)  }
0xd1: {  	s2 =	spop (v2sf)  }
0xd2: {  	s22 =	sadd.s32 s22, s28;
	s23 =	sadd.s32 s23, s30;
	s28 =	spop (v2sf)  }
0xd3: {  	p0 =	por $0x1, $0x1;
	s0 =	sadd.s32 s0, s23;
	s23 =	spop (v2sf)  }
0xd4: {  	s22 =	sadd.s32 s25, s22;
	s0 =	sadd.s32 s0, s18;
	s30 =	spop (v2sf)  }
0xd5: {  	s12 =	sadd.s32 s22, s12;
	s0 =	sadd.s32 s26, s0;
	s4 =	spop (v2sf)  }
0xd6: {  	s1 =	sadd.s32 s1, s12;
	s0 =	sadd.s32 s0, s5;
	s5 =	spop (v2sf)  }
0xd7: {  	s1 =	sadd.s32 s1, s29;
	s0 =	sadd.s32 s13, s0;
	s25 =	spop (v2sf)  }
0xd8: {  	s1 =	sadd.s32 s24, s1;
	s0 =	sadd.s32 s0, s23;
	s26 =	spop (v2sf)  }
0xd9: {  	s1 =	sadd.s32 s1, s28;
	s0 =	sadd.s32 s30, s0;
	s28 =	spop (v2sf)  }
0xda: {  	s1 =	sadd.s32 s2, s1;
	s0 =	sadd.s32 s0, s25;
	s29 =	spop (v2sf)  }
.Ltmp4:
0xdb: {  	s0 =	sadd.s32 s26, s0;
	s30 =	spop (v2sf);
	(pc) =	sbr.rel @!p0 .LBB2_11-.Ltmp4, $4  }
0xdc: {  	s1 =	sadd.s32 s1, s5;
	s12 =	sadd.s32 s0, s30;
	s0 =	simm.s32 $0x10020  }
0xdd: {  	s1 =	sadd.s32 s4, s1;
	[tilespmem:s0+$0xFFFFFFE0] =	vst v0  }
0xde: {  	s1 =	sadd.s32 s1, s29;
	s31 =	spop (v2sf);
	[tilespmem:s0+$0x10] =	vst v0  }
0xdf: {  	s22 =	sadd.s32 s28, s1;
	s1 =	simm.s32 $0x0;
	s23 =	sadd.s32 s31, s12;
	[tilespmem:s0+$0x0] =	vst v0  }
.LBB2_10:
0xe0: {  	s1 =	sadd.s32 $0x4, s1  }
0xe1: {  	[tilespmem:s0+$0xFFFFFFF0] =	vst v0;
	s0 =	sadd.s32 $0x40, s0;
	p0 =	slt.u32 s1, $0x7C  }
.Ltmp5:
0xe2: {  	[tilespmem:s0+$0xFFFFFFE0] =	vst v0;
	(pc) =	sbr.rel @p0 .LBB2_10-.Ltmp5, $3  }
0xe3: {  	_ =	sdelay $0x1  }
0xe4: {  	[tilespmem:s0+$0x10] =	vst v0  }
0xe5: {  	[tilespmem:s0+$0x0] =	vst v0  }
.LBB2_11:
0xe6: {  	[tilespmem:s0+$0xFFFFFFF0] =	vst v0;
	s1 =	simm.s32 $0x40  }
0xe7: {  	v7 =	vld [tilespmem:s1+$0xFFFFFFD0];
	_ =	sdelay $0x1  }
0xe8: {  	v9 =	vld [tilespmem:s1+$0x10]  }
0xe9: {  	v8 =	vld [tilespmem:s1+$0x30]  }
0xea: {  	v11 =	vld [tilespmem:s1+$0xFFFFFFF0]  }
0xeb: {  	v12 =	vshrl.u32 v7, $0xA;
	v7 =	vshrl.u32 v7, $0x15  }
0xec: {  	v5 =	vmov s22;
	v6 =	vld [tilespmem:s1+$0x20];
	v7 =	vand.u32 $0x3FF, v7  }
0xed: {  	vm0 =	veq.s32 v7, v5;
	v7 =	vshrl.u32 v9, $0x15  }
0xee: {  	v10 =	vshrl.u32 v8, $0x15;
	v13 =	vshrl.u32 v9, $0xA;
	v9 =	vld [tilespmem:s1+$0xFFFFFFE0];
	v7 =	vand.u32 $0x3FF, v7  }
0xef: {  	v8 =	vshrl.u32 v8, $0xA;
	v14 =	vshrl.u32 v11, $0x15;
	vm3 =	veq.s32 v7, v5  }
0xf0: {  	v15 =	vshrl.u32 v11, $0xA;
	v14 =	vand.u32 $0x3FF, v14;
	v11 =	vand.u32 $0x7FF, v13  }
0xf1: {  	v16 =	vshrl.u32 v6, $0x15;
	v10 =	vand.u32 $0x3FF, v10;
	vm1 =	veq.s32 v14, v5;
	v14 =	vld [tilespmem:s1+$0x0]  }
0xf2: {  	s0 =	simm.s32 $0x0;
	v13 =	vld [tilespmem:s1+$0xFFFFFFC0];
	s1 =	simm.s32 $0xC0;
	v7 =	vand.u32 $0x7FF, v12;
	v12 =	vand.u32 $0x7FF, v15;
	v15 =	vand.u32 $0x3FF, v16  }
.LBB2_12:
0xf3: {  	v16 =	vld [tilespmem:s1+$0xFFFFFFD0];
	s0 =	sadd.s32 $0x8, s0;
	v17 =	vshrl.u32 v9, $0x15;
	v18 =	vshrl.u32 v6, $0xA;
	vm2 =	veq.s32 v15, v5  }
0xf4: {  	vm5 =	veq.s32 v10, v5;
	v6 =	vld [tilespmem:s1+$0x20];
	p0 =	slt.u32 s0, $0x7F8;
	v15 =	vand.u32 $0x3FF, v17;
	v17 =	vand.u32 $0x7FF, v18  }
0xf5: {  	v9 =	vshrl.u32 v9, $0xA;
	v8 =	vand.u32 $0x7FF, v8;
	vm4 =	veq.s32 v15, v5;
	[tilespmem:v11+s15+$0x0] =	vst.idx.add.s32.msk vm3, v1  }
0xf6: {  	v11 =	vand.u32 $0x7FF, v9;
	v10 =	vld [tilespmem:s1+$0x30];
	v9 =	vshrl.u32 v14, $0xA;
	v14 =	vshrl.u32 v14, $0x15  }
0xf7: {  	v15 =	vshrl.u32 v13, $0xA;
	v13 =	vshrl.u32 v13, $0x15;
	[tilespmem:v12+s15+$0x0] =	vst.idx.add.s32.msk vm1, v1;
	v12 =	vand.u32 $0x3FF, v14  }
0xf8: {  	v18 =	vshrl.u32 v16, $0xA;
	v14 =	vld [tilespmem:s1+$0x10];
	v13 =	vand.u32 $0x3FF, v13;
	vm1 =	veq.s32 v12, v5  }
0xf9: {  	v12 =	vld [tilespmem:s1+$0xFFFFFFF0];
	vm6 =	veq.s32 v13, v5;
	v13 =	vand.u32 $0x7FF, v9  }
0xfa: {  	v15 =	vand.u32 $0x7FF, v15;
	[tilespmem:v8+s15+$0x0] =	vst.idx.add.s32.msk vm5, v1  }
0xfb: {  	v8 =	vshrl.u32 v16, $0x15;
	v9 =	vld [tilespmem:s1+$0xFFFFFFE0];
	v16 =	vshrl.u32 v10, $0x15  }
0xfc: {  	v19 =	vand.u32 $0x3FF, v8;
	v8 =	vshrl.u32 v10, $0xA;
	v10 =	vand.u32 $0x3FF, v16;
	[tilespmem:v7+s15+$0x0] =	vst.idx.add.s32.msk vm0, v1  }
0xfd: {  	vm0 =	veq.s32 v19, v5;
	v7 =	vshrl.u32 v14, $0xA;
	v14 =	vshrl.u32 v14, $0x15;
	[tilespmem:v11+s15+$0x0] =	vst.idx.add.s32.msk vm4, v1  }
.Ltmp6:
0xfe: {  	v16 =	vshrl.u32 v12, $0xA;
	v11 =	vshrl.u32 v12, $0x15;
	v12 =	vand.u32 $0x3FF, v14;
	[tilespmem:v13+s15+$0x0] =	vst.idx.add.s32.msk vm1, v1;
	(pc) =	sbr.rel @p0 .LBB2_12-.Ltmp6, $4  }
0xff: {  	v13 =	vand.u32 $0x3FF, v11;
	vm3 =	veq.s32 v12, v5;
	[tilespmem:v15+s15+$0x0] =	vst.idx.add.s32.msk vm6, v1  }
0x100: {  	v11 =	vand.u32 $0x7FF, v7;
	[tilespmem:v17+s15+$0x0] =	vst.idx.add.s32.msk vm2, v1  }
0x101: {  	v15 =	vshrl.u32 v6, $0x15;
	vm1 =	veq.s32 v13, v5;
	v14 =	vld [tilespmem:s1+$0x0]  }
0x102: {  	v7 =	vand.u32 $0x7FF, v18;
	v12 =	vand.u32 $0x7FF, v16;
	v15 =	vand.u32 $0x3FF, v15;
	v13 =	vld [tilespmem:s1+$0xFFFFFFC0];
	s1 =	sadd.s32 $0x80, s1  }
0x103: {  	v16 =	vshrl.u32 v9, $0x15  }
0x104: {  	vm2 =	veq.s32 v10, v5;
	v9 =	vshrl.u32 v9, $0xA;
	v8 =	vand.u32 $0x7FF, v8  }
0x105: {  	v6 =	vshrl.u32 v6, $0xA;
	vm14 =	veq.s32 v15, v5;
	v16 =	vand.u32 $0x3FF, v16  }
0x106: {  	v9 =	vand.u32 $0x7FF, v9;
	v6 =	vand.u32 $0x7FF, v6;
	v10 =	vshrl.u32 v14, $0x15  }
0x107: {  	vm4 =	veq.s32 v16, v5;
	v16 =	vshrl.u32 v13, $0x15;
	v10 =	vand.u32 $0x3FF, v10  }
0x108: {  	[tilespmem:v11+s15+$0x0] =	vst.idx.add.s32.msk vm3, v1;
	v14 =	vshrl.u32 v14, $0xA;
	v16 =	vand.u32 $0x3FF, v16;
	vm5 =	veq.s32 v10, v5  }
0x109: {  	[tilespmem:v12+s15+$0x0] =	vst.idx.add.s32.msk vm1, v1;
	v11 =	vand.u32 $0x7FF, v14;
	v10 =	vshrl.u32 v13, $0xA;
	vm13 =	veq.s32 v16, v5  }
0x10a: {  	[tilespmem:v7+s15+$0x0] =	vst.idx.add.s32.msk vm0, v1;
	v5 =	vand.u32 $0x7FF, v10  }
0x10b: {  	[tilespmem:v8+s15+$0x0] =	vst.idx.add.s32.msk vm2, v1  }
0x10c: {  	[tilespmem:v6+s15+$0x0] =	vst.idx.add.s32.msk vm14, v1  }
0x10d: {  	[tilespmem:v9+s15+$0x0] =	vst.idx.add.s32.msk vm4, v1  }
0x10e: {  	[tilespmem:v11+s15+$0x0] =	vst.idx.add.s32.msk vm5, v1  }
0x10f: {  	s0 =	simm.s32 $0x107F0;
	[tilespmem:v5+s15+$0x0] =	vst.idx.add.s32.msk vm13, v1  }
0x110: {  	v6 =	vld [tilespmem:s0+$0x0];
	_ =	sdelay $0x4  }
0x111: {  	(xrf0) =	vadd.scan.msk.s32 $0xffff, v6;
	_ =	sdelay $0x2  }
0x112: {  	s4 =	simm.s32 $0x107D0;
	v7 =	vld [tilespmem:s0+$0xFFFFFFF0]  }
0x113: {  	v8 =	vld [tilespmem:s4+$0x0];
	_ =	sdelay $0x1  }
0x114: {  	v9, _, _ =	vpop (xrf0)  }
0x115: {  	(v2sf) =	vpush v9, $0xF  }
0x116: {  	(xrf0) =	vadd.scan.msk.s32 $0xffff, v7  }
0x117: {  	(xrf0) =	vadd.scan.msk.s32 $0xffff, v8  }
0x118: {  	v9 =	vld [tilespmem:s4+$0xFFFFFFF0];
	_ =	sdelay $0x1  }
0x119: {  	s5 =	simm.s32 $0x107B0  }
0x11a: {  	v10 =	vld [tilespmem:s5+$0x0]  }
0x11b: {  	v7 =	vperm.xlane v7, v2;
	v11, _, _ =	vpop (xrf0)  }
0x11c: {  	v6 =	vperm.xlane v6, v2;
	(v2sf) =	vpush v11, $0xF;
	v11, _, _ =	vpop (xrf0);
	(xrf0) =	vadd.scan.msk.s32 $0xffff, v9  }
0x11d: {  	(v2sf) =	vpush v11, $0xF;
	(xrf0) =	vadd.scan.msk.s32 $0xffff, v7  }
0x11e: {  	(xrf0) =	vadd.scan.msk.s32 $0xffff, v6  }
0x11f: {  	(xrf0) =	vadd.scan.msk.s32 $0xffff, v10  }
0x120: {  	v11 =	vld [tilespmem:s5+$0xFFFFFFF0];
	_ =	sdelay $0x1  }
0x121: {  	s12 =	simm.s32 $0x10790;
	v12, _, _ =	vpop (xrf0)  }
0x122: {  	s23 =	ssub.s32 $0xCCC, s23;
	v14 =	vld [tilespmem:s12+$0x0];
	v13, _, _ =	vpop (xrf0);
	s1 =	spop (v2sf)  }
0x123: {  	s13 =	simm.s32 $0x10;
	v5 =	vmov s23;
	v15 =	vld [tilespmem:s12+$0xFFFFFFF0];
	v17 =	vperm.xlane v8, v2;
	v9 =	vperm.xlane v9, v2;
	v16, _, _ =	vpop (xrf0);
	s1 =	sadd.s32 $0x0, s1  }
0x124: {  	v8 =	vmov s13;
	(xrf0) =	vadd.scan.msk.s32 $0xffff, v11;
	(v2sf) =	vpush v12, $0xF;
	v12, _, _ =	vpop (xrf0);
	v13 =	vadd.s32 s1, v13  }
0x125: {  	s24 =	simm.s32 $0x0;
	v8 =	vsub.s32 v4, v8;
	(xrf0) =	vadd.scan.msk.s32 $0xffff, v9;
	(v2sf) =	vpush v12, $0xF;
	v7 =	vsub.s32 v13, v7  }
0x126: {  	(xrf0) =	vadd.scan.msk.s32 $0xffff, v17;
	v12 =	vadd.s32 s24, v16;
	vm15 =	vge.s32 v13, v5;
	vm4 =	vlt.s32 v7, v5  }
0x127: {  	(xrf0) =	vadd.scan.msk.s32 $0xffff, v14;
	v6 =	vsub.s32 v12, v6;
	vm5 =	vge.s32 v12, v5;
	vm0 =	vmand vm15, vm4  }
0x128: {  	(xrf0) =	vadd.scan.msk.s32 $0xffff, v15;
	vm6 =	vlt.s32 v6, v5;
	v13 =	vmov s24;
	v8 =	vnsel vm0, $0x0, v8  }
0x129: {  	vm1 =	vmand vm5, vm6;
	(xrf0) =	vadd.scan.msk.s32 $0xffff, v8;
	v8 =	vsub.s32 v4, v13  }
0x12a: {  	s25 =	simm.s32 $0x50;
	s12 =	spop (v2sf);
	v12, _, _ =	vpop (xrf0);
	v6 =	vnsel vm1, $0x0, v6;
	v8 =	vnsel vm1, $0x0, v8  }
0x12b: {  	v18 =	vmov s25;
	s5 =	simm.s32 $0x10770;
	s26 =	sadd.s32 s1, s12;
	s4 =	spop (v2sf);
	v16, _, _ =	vpop (xrf0);
	(xrf0) =	vadd.scan.msk.s32 $0xffff, v8  }
0x12c: {  	s13 =	simm.s32 $0x20;
	v19 =	vperm.xlane v11, v2;
	v11 =	vld [tilespmem:s5+$0x0];
	s1 =	sadd.s32 s26, s4;
	(v2sf) =	vpush v12, $0xF;
	v20, _, _ =	vpop (xrf0);
	v7 =	vnsel vm0, $0x0, v7;
	(xrf0) =	vadd.scan.msk.s32 $0xffff, v6  }
0x12d: {  	s18 =	simm.s32 $0x30;
	v62 =	vperm.xlane v10, v2;
	v12 =	vadd.s32 s1, v16;
	v16 =	vmov s13;
	v6, _, _ =	vpop (xrf0);
	(xrf0) =	vadd.scan.msk.s32 $0xffff, v7;
	v7 =	vld [tilespmem:s5+$0xFFFFFFF0]  }
0x12e: {  	v13 =	vmov s18;
	v9 =	vsub.s32 v12, v9;
	(v2sf) =	vpush v6, $0xF;
	v21, _, _ =	vpop (xrf0)  }
0x12f: {  	vm7 =	vge.s32 v12, v5;
	v6 =	vsub.s32 v4, v13;
	v13 =	vadd.s32 s26, v20;
	(xrf0) =	vadd.scan.msk.s32 $0xffff, v19;
	v10, _, _ =	vpop (xrf0)  }
0x130: {  	vm8 =	vlt.s32 v9, v5;
	(xrf0) =	vadd.scan.msk.s32 $0xffff, v62;
	(v2sf) =	vpush v10, $0xF;
	v10 =	vsub.s32 v13, v17  }
0x131: {  	vm0 =	vmand vm7, vm8;
	vm9 =	vge.s32 v13, v5;
	vm10 =	vlt.s32 v10, v5;
	v12, _, _ =	vpop (xrf0);
	(xrf0) =	vadd.scan.msk.s32 $0xffff, v11  }
0x132: {  	v16 =	vsub.s32 v4, v16;
	v6 =	vnsel vm0, $0x0, v6;
	vm11 =	vmand vm9, vm10;
	(xrf0) =	vadd.scan.msk.s32 $0xffff, v7  }
0x133: {  	v13 =	vperm.xlane v15, v2;
	(v2sf) =	vpush v12, $0xF;
	v12, _, _ =	vpop (xrf0);
	v15 =	vnsel vm11, $0x0, v16;
	(xrf0) =	vadd.scan.msk.s32 $0xffff, v6  }
0x134: {  	s2 =	simm.s32 $0x70;
	v9 =	vnsel vm0, $0x0, v9;
	s25 =	spop (v2sf);
	(v2sf) =	vpush v12, $0xF;
	v12, _, _ =	vpop (xrf0);
	v10 =	vnsel vm11, $0x0, v10;
	(xrf0) =	vadd.scan.msk.s32 $0xffff, v15  }
0x135: {  	v8 =	vmov s2;
	s26 =	sadd.s32 s1, s25;
	s2 =	spop (v2sf);
	(v2sf) =	vpush v12, $0xF;
	v12, _, _ =	vpop (xrf0);
	(xrf0) =	vadd.scan.msk.s32 $0xffff, v10  }
0x136: {  	s1 =	sadd.s32 s26, s2;
	v17, _, _ =	vpop (xrf0);
	(xrf0) =	vadd.scan.msk.s32 $0xffff, v9  }
0x137: {  	s18 =	simm.s32 $0x90;
	v15 =	vadd.s32 s1, v12;
	v9, _, _ =	vpop (xrf0)  }
0x138: {  	s4 =	simm.s32 $0x10750;
	s5 =	simm.s32 $0x40;
	v6 =	vmov s18;
	v16 =	vsub.s32 v4, v18;
	(v2sf) =	vpush v21, $0xF;
	v22, _, _ =	vpop (xrf0)  }
0x139: {  	v10 =	vld [tilespmem:s4+$0x0];
	v12 =	vmov s5;
	v17 =	vadd.s32 s26, v17;
	(v2sf) =	vpush v9, $0xF;
	v9, _, _ =	vpop (xrf0)  }
0x13a: {  	v18 =	vld [tilespmem:s4+$0xFFFFFFF0];
	v19 =	vsub.s32 v15, v19;
	vm13 =	vge.s32 v15, v5;
	v15, _, _ =	vpop (xrf0);
	(v2sf) =	vpush v9, $0xF  }
0x13b: {  	s18 =	spop (v2sf);
	v63 =	vsub.s32 v4, v12;
	v12 =	vperm.xlane v14, v2;
	(xrf0) =	vadd.scan.msk.s32 $0xffff, v13;
	(v2sf) =	vpush v15, $0xF;
	v15, _, _ =	vpop (xrf0)  }
0x13c: {  	v14 =	vsub.s32 v17, v62;
	(v2sf) =	vpush v15, $0xF;
	v15, _, _ =	vpop (xrf0)  }
0x13d: {  	vm12 =	vge.s32 v17, v5;
	vm14 =	vlt.s32 v19, v5;
	(xrf0) =	vadd.scan.msk.s32 $0xffff, v12;
	s25 =	spop (v2sf);
	(v2sf) =	vpush v15, $0xF  }
0x13e: {  	vm15 =	vlt.s32 v14, v5;
	vm1 =	vmand vm13, vm14;
	(xrf0) =	vadd.scan.msk.s32 $0xffff, v10;
	(v2sf) =	vpush v22, $0xF  }
0x13f: {  	s30 =	simm.s32 $0x60;
	s29 =	simm.s32 $0x80;
	vm0 =	vmand vm12, vm15;
	v16 =	vnsel vm1, $0x0, v16;
	(xrf0) =	vadd.scan.msk.s32 $0xffff, v18  }
0x140: {  	s0 =	simm.s32 $0xA;
	s12 =	simm.s32 $0xC0;
	s18 =	sadd.s32 s1, s18;
	v17 =	vnsel vm0, $0x0, v63;
	(xrf0) =	vadd.scan.msk.s32 $0xffff, v16  }
0x141: {  	s13 =	simm.s32 $0xB0;
	v7 =	vperm.xlane v7, v2;
	s26 =	simm.s32 $0xA0;
	v16 =	vnsel vm1, $0x0, v19;
	v19 =	vnsel vm0, $0x0, v14;
	s31 =	sadd.s32 s18, s25;
	v15, _, _ =	vpop (xrf0);
	(xrf0) =	vadd.scan.msk.s32 $0xffff, v17  }
0x142: {  	s1 =	simm.s32 $0x10730;
	v9 =	vmov s13;
	v14 =	vperm.xlane v18, v2;
	s25 =	simm.s32 $0x0;
	v15 =	vadd.s32 s31, v15;
	(xrf0) =	vadd.scan.msk.s32 $0xffff, v19;
	s28 =	spop (v2sf)  }
.LBB2_14:
0x143: {  	s2 =	sadd.s32 $0x10, s12;
	s0 =	sadd.s32 $0x2, s0;
	v18 =	vmov s30;
	v19 =	vsub.s32 v4, v8;
	s13 =	spop (v2sf)  }
0x144: {  	v17 =	vld [tilespmem:s1+$0x0];
	v20, _, _ =	vpop (xrf0);
	(xrf0) =	vadd.scan.msk.s32 $0xffff, v16;
	v8 =	vmov v6;
	v6 =	vmov v9;
	v21 =	vmov v14;
	s30 =	smov.u32 s29;
	s29 =	smov.u32 s26;
	s26 =	smov.u32 s12  }
0x145: {  	v14 =	vld [tilespmem:s1+$0xFFFFFFF0];
	v9 =	vmov s2;
	p0 =	slt.u32 s0, $0x7E;
	v16, _, _ =	vpop (xrf0);
	v20 =	vadd.s32 s18, v20;
	v18 =	vsub.s32 v4, v18;
	s2 =	sadd.s32 s24, s13;
	s13 =	spop (v2sf)  }
0x146: {  	(v2sf) =	vpush v16, $0xF;
	v22, _, _ =	vpop (xrf0);
	(xrf0) =	vadd.scan.msk.s32 $0xffff, v7;
	v23 =	vsub.s32 v20, v12;
	v12 =	vperm.xlane v11, v2;
	s13 =	sadd.s32 s25, s13;
	s24 =	sadd.s32 s28, s2;
	s2 =	spop (v2sf)  }
0x147: {  	vm0 =	vge.s32 v20, v5;
	v11 =	vsub.s32 v15, v13;
	vm1 =	vlt.s32 v23, v5;
	s18 =	spop (v2sf);
	v13, _, _ =	vpop (xrf0);
	s25 =	sadd.s32 s2, s13  }
0x148: {  	vm2 =	vge.s32 v15, v5;
	vm3 =	vlt.s32 v11, v5;
	(xrf0) =	vadd.scan.msk.s32 $0xffff, v12;
	s18 =	sadd.s32 s31, s18;
	v15, _, _ =	vpop (xrf0);
	(v2sf) =	vpush v13, $0xF  }
.Ltmp7:
0x149: {  	vm0 =	vmand vm0, vm1;
	vm1 =	vmand vm2, vm3;
	(xrf0) =	vadd.scan.msk.s32 $0xffff, v17;
	(v2sf) =	vpush v15, $0xF;
	v13, _, _ =	vpop (xrf0);
	(pc) =	sbr.rel @p0 .LBB2_14-.Ltmp7, $4  }
0x14a: {  	v19 =	vnsel vm1, $0x0, v19;
	v16 =	vnsel vm1, $0x0, v11;
	(xrf0) =	vadd.scan.msk.s32 $0xffff, v14;
	(v2sf) =	vpush v13, $0xF;
	v11, _, _ =	vpop (xrf0)  }
0x14b: {  	v20 =	vnsel vm0, $0x0, v18;
	v18 =	vnsel vm0, $0x0, v23;
	s2 =	spop (v2sf);
	(xrf0) =	vadd.scan.msk.s32 $0xffff, v19;
	(v2sf) =	vpush v11, $0xF;
	v11 =	vmovc v10  }
0x14c: {  	v14 =	vperm.xlane v14, v2;
	v10 =	vmov v17;
	(v2sf) =	vpush v22, $0xF;
	s31 =	sadd.s32 s18, s2;
	v15, _, _ =	vpop (xrf0);
	(xrf0) =	vadd.scan.msk.s32 $0xffff, v20  }
0x14d: {  	s12 =	sadd.s32 $0x20, s12;
	s1 =	sadd.s32 $0xFFFFFFE0, s1;
	v13 =	vmovc v7;
	v7 =	vmov v21;
	v15 =	vadd.s32 s31, v15;
	(xrf0) =	vadd.scan.msk.s32 $0xffff, v18;
	s28 =	spop (v2sf)  }
0x14e: {  	v17, _, _ =	vpop (xrf0)  }
0x14f: {  	v18, _, _ =	vpop (xrf0)  }
0x150: {  	v45 =	vmov s30;
	v8 =	vsub.s32 v4, v8;
	(v2sf) =	vpush v18, $0xF  }
0x151: {  	v11 =	vperm.xlane v11, v2;
	v13 =	vsub.s32 v15, v13;
	v17 =	vadd.s32 s18, v17  }
0x152: {  	(xrf0) =	vadd.scan.msk.s32 $0xffff, v16;
	vm0 =	vge.s32 v15, v5;
	vm1 =	vlt.s32 v13, v5;
	v12 =	vsub.s32 v17, v12  }
0x153: {  	(xrf0) =	vadd.scan.msk.s32 $0xffff, v7;
	vm2 =	vge.s32 v17, v5;
	vm0 =	vmand vm0, vm1;
	vm3 =	vlt.s32 v12, v5  }
0x154: {  	v46 =	vsub.s32 v4, v45;
	v47, _, _ =	vpop (xrf0);
	(xrf0) =	vadd.scan.msk.s32 $0xffff, v11;
	v8 =	vnsel vm0, $0x0, v8;
	vm5 =	vmand vm2, vm3  }
0x155: {  	s30 =	spop (v2sf);
	v48, _, _ =	vpop (xrf0);
	(xrf0) =	vadd.scan.msk.s32 $0xffff, v8;
	v15 =	vnsel vm5, $0x0, v46  }
0x156: {  	s0 =	spop (v2sf);
	v49, _, _ =	vpop (xrf0);
	v12 =	vnsel vm5, $0x0, v12;
	(xrf0) =	vadd.scan.msk.s32 $0xffff, v15  }
0x157: {  	s1 =	spop (v2sf);
	v13 =	vnsel vm0, $0x0, v13;
	v50, _, _ =	vpop (xrf0);
	(xrf0) =	vadd.scan.msk.s32 $0xffff, v12  }
0x158: {  	v10 =	vperm.xlane v10, v2;
	s2 =	spop (v2sf);
	(v2sf) =	vpush v48, $0xF;
	v51, _, _ =	vpop (xrf0);
	(xrf0) =	vadd.scan.msk.s32 $0xffff, v13  }
0x159: {  	s2 =	sadd.s32 s31, s2;
	(v2sf) =	vpush v49, $0xF;
	s12 =	spop (v2sf);
	v52, _, _ =	vpop (xrf0);
	(xrf0) =	vadd.scan.msk.s32 $0xffff, v14  }
0x15a: {  	v53 =	vmov s29;
	v6 =	vsub.s32 v4, v6;
	(v2sf) =	vpush v50, $0xF;
	s13 =	sadd.s32 s2, s12;
	v54, _, _ =	vpop (xrf0);
	s12 =	spop (v2sf);
	(xrf0) =	vadd.scan.msk.s32 $0xffff, v10  }
0x15b: {  	v60 =	vmov s26;
	(v2sf) =	vpush v51, $0xF;
	v8 =	vadd.s32 s13, v52;
	s18 =	spop (v2sf);
	v55, _, _ =	vpop (xrf0)  }
0x15c: {  	v12 =	vsub.s32 v4, v53;
	v13 =	vadd.s32 s2, v54;
	v7 =	vsub.s32 v8, v7;
	s29 =	spop (v2sf);
	v56, _, _ =	vpop (xrf0)  }
0x15d: {  	v11 =	vsub.s32 v13, v11;
	vm8 =	vge.s32 v8, v5;
	vm9 =	vlt.s32 v7, v5;
	s31 =	spop (v2sf);
	v57, _, _ =	vpop (xrf0)  }
0x15e: {  	vm6 =	vge.s32 v13, v5;
	vm7 =	vlt.s32 v11, v5;
	vm10 =	vmand vm8, vm9;
	s4 =	spop (v2sf);
	v58, _, _ =	vpop (xrf0)  }
0x15f: {  	(v2sf) =	vpush v47, $0xF;
	vm0 =	vmand vm6, vm7;
	v6 =	vnsel vm10, $0x0, v6;
	s2 =	sadd.s32 s13, s4;
	v59, _, _ =	vpop (xrf0);
	s5 =	spop (v2sf)  }
0x160: {  	v7 =	vnsel vm10, $0x0, v7;
	v12 =	vnsel vm0, $0x0, v12;
	v11 =	vnsel vm0, $0x0, v11;
	v61, _, _ =	vpop (xrf0);
	s13 =	sadd.s32 s2, s5  }
0x161: {  	(xrf0) =	vadd.scan.msk.s32 $0xffff, v6;
	v6 =	vsub.s32 v4, v9;
	v62 =	vadd.s32 s2, v61;
	v16 =	vadd.s32 s13, v59  }
0x162: {  	v10 =	vsub.s32 v62, v10;
	vm13 =	vge.s32 v62, v5;
	v63 =	vsub.s32 v16, v14  }
0x163: {  	(xrf0) =	vadd.scan.msk.s32 $0xffff, v12;
	vm14 =	vlt.s32 v10, v5;
	vm11 =	vge.s32 v16, v5;
	vm12 =	vlt.s32 v63, v5  }
0x164: {  	(xrf0) =	vadd.scan.msk.s32 $0xffff, v11;
	vm15 =	vmand vm13, vm14;
	v5 =	vsub.s32 v4, v60;
	vm0 =	vmand vm11, vm12  }
0x165: {  	(v2sf) =	vpush v55, $0xF;
	(xrf0) =	vadd.scan.msk.s32 $0xffff, v7;
	v5 =	vnsel vm15, $0x0, v5;
	v6 =	vnsel vm0, $0x0, v6  }
0x166: {  	(v2sf) =	vpush v56, $0xF;
	(xrf0) =	vadd.scan.msk.s32 $0xffff, v6;
	v6 =	vnsel vm15, $0x0, v10  }
0x167: {  	(v2sf) =	vpush v57, $0xF;
	(xrf0) =	vadd.scan.msk.s32 $0xffff, v5  }
0x168: {  	(v2sf) =	vpush v58, $0xF;
	v7 =	vnsel vm0, $0x0, v63;
	v5, _, _ =	vpop (xrf0);
	(xrf0) =	vadd.scan.msk.s32 $0xffff, v6  }
0x169: {  	(v2sf) =	vpush v5, $0xF;
	v6, _, _ =	vpop (xrf0);
	(xrf0) =	vadd.scan.msk.s32 $0xffff, v7  }
0x16a: {  	(v2sf) =	vpush v6, $0xF;
	v5, _, _ =	vpop (xrf0)  }
0x16b: {  	(v2sf) =	vpush v5, $0xF;
	v5, _, _ =	vpop (xrf0)  }
0x16c: {  	(v2sf) =	vpush v5, $0xF;
	v5, _, _ =	vpop (xrf0)  }
0x16d: {  	v6, _, _ =	vpop (xrf0);
	(v2sf) =	vpush v5, $0xF  }
0x16e: {  	(v2sf) =	vpush v6, $0xF;
	v5, _, _ =	vpop (xrf0)  }
0x16f: {  	s2 =	spop (v2sf);
	(v2sf) =	vpush v5, $0xF;
	v5, _, _ =	vpop (xrf0)  }
0x170: {  	s13 =	spop (v2sf);
	(v2sf) =	vpush v5, $0xF  }
0x171: {  	s26 =	spop (v2sf)  }
0x172: {  	s4 =	spop (v2sf)  }
0x173: {  	p0 =	por $0x1, $0x1;
	s5 =	spop (v2sf)  }
0x174: {  	s24 =	sadd.s32 s24, s30;
	s0 =	sadd.s32 s25, s0;
	s5 =	spop (v2sf)  }
0x175: {  	s24 =	sadd.s32 s28, s24;
	s0 =	sadd.s32 s1, s0;
	s25 =	spop (v2sf)  }
0x176: {  	s1 =	simm.s32 $0x10020;
	s18 =	sadd.s32 s24, s18;
	s28 =	spop (v2sf)  }
0x177: {  	s0 =	sadd.s32 s0, s29;
	s12 =	sadd.s32 s12, s18;
	s29 =	spop (v2sf)  }
0x178: {  	s0 =	sadd.s32 s31, s0;
	s12 =	sadd.s32 s12, s13;
	s30 =	spop (v2sf)  }
0x179: {  	s0 =	sadd.s32 s0, s26;
	s2 =	sadd.s32 s2, s12;
	s31 =	spop (v2sf)  }
0x17a: {  	s0 =	sadd.s32 s4, s0;
	s2 =	sadd.s32 s2, s25;
	s12 =	spop (v2sf)  }
0x17b: {  	s0 =	sadd.s32 s0, s28;
	s2 =	sadd.s32 s5, s2;
	s25 =	spop (v2sf)  }
.Ltmp8:
0x17c: {  	s0 =	sadd.s32 s29, s0;
	s26 =	spop (v2sf);
	(pc) =	sbr.rel @!p0 .LBB2_17-.Ltmp8, $4  }
0x17d: {  	s2 =	sadd.s32 s2, s31;
	s0 =	sadd.s32 s0, s12;
	s28 =	spop (v2sf)  }
0x17e: {  	[tilespmem:s1+$0xFFFFFFE0] =	vst v0;
	s2 =	sadd.s32 s30, s2;
	s0 =	sadd.s32 s25, s0;
	s29 =	spop (v2sf)  }
0x17f: {  	[tilespmem:s1+$0x10] =	vst v0;
	s2 =	sadd.s32 s2, s28;
	s30 =	sadd.s32 s0, s29;
	s31 =	spop (v2sf)  }
0x180: {  	[tilespmem:s1+$0x0] =	vst v0;
	s12 =	simm.s32 $0x0;
	s0 =	sadd.s32 s26, s2;
	s24 =	sadd.s32 s31, s30  }
.LBB2_16:
0x181: {  	s12 =	sadd.s32 $0x4, s12  }
0x182: {  	[tilespmem:s1+$0xFFFFFFF0] =	vst v0;
	s1 =	sadd.s32 $0x40, s1;
	p0 =	slt.u32 s12, $0x3C  }
.Ltmp9:
0x183: {  	[tilespmem:s1+$0xFFFFFFE0] =	vst v0;
	(pc) =	sbr.rel @p0 .LBB2_16-.Ltmp9, $3  }
0x184: {  	_ =	sdelay $0x1  }
0x185: {  	[tilespmem:s1+$0x10] =	vst v0  }
0x186: {  	[tilespmem:s1+$0x0] =	vst v0  }
.LBB2_17:
0x187: {  	[tilespmem:s1+$0xFFFFFFF0] =	vst v0;
	s31 =	simm.s32 $0x40  }
0x188: {  	v7 =	vld [tilespmem:s31+$0x30]  }
0x189: {  	v6 =	vld [tilespmem:s31+$0xFFFFFFD0]  }
0x18a: {  	v8 =	vld [tilespmem:s31+$0xFFFFFFE0]  }
0x18b: {  	v10 =	vld [tilespmem:s31+$0xFFFFFFF0]  }
0x18c: {  	v12 =	vld [tilespmem:s31+$0x0]  }
0x18d: {  	s30 =	sshll.u32 s22, $0xB;
	v13 =	vld [tilespmem:s31+$0x10]  }
0x18e: {  	s22 =	sor.u32 s30, s0;
	v15 =	vld [tilespmem:s31+$0xFFFFFFC0]  }
0x18f: {  	v5 =	vmov s22;
	v9 =	vshrl.u32 v7, $0xA  }
0x190: {  	v11 =	vshrl.u32 v6, $0xA;
	v14 =	vand.u32 $0x3FF, v6;
	v16 =	vshrl.u32 v8, $0xA  }
0x191: {  	v6 =	vld [tilespmem:s31+$0x20];
	v59 =	vshrl.u32 v10, $0xA;
	v7 =	vand.u32 $0x3FF, v7;
	v9 =	vand.u32 $0x1FFFFF, v9  }
0x192: {  	v60 =	vshrl.u32 v12, $0xA;
	v11 =	vand.u32 $0x1FFFFF, v11;
	vm4 =	veq.s32 v9, v5  }
0x193: {  	v61 =	vshrl.u32 v13, $0xA;
	v17 =	vshrl.u32 v15, $0xA;
	vm7 =	veq.s32 v11, v5  }
0x194: {  	v10 =	vand.u32 $0x3FF, v10;
	v63 =	vand.u32 $0x1FFFFF, v17;
	v9 =	vand.u32 $0x1FFFFF, v16  }
0x195: {  	v11 =	vand.u32 $0x1FFFFF, v59;
	vm5 =	veq.s32 v63, v5;
	vm0 =	veq.s32 v9, v5  }
0x196: {  	v9 =	vand.u32 $0x1FFFFF, v60;
	vm1 =	veq.s32 v11, v5;
	v62 =	vshrl.u32 v6, $0xA  }
0x197: {  	v11 =	vand.u32 $0x1FFFFF, v61;
	vm2 =	veq.s32 v9, v5;
	v9 =	vand.u32 $0x1FFFFF, v62  }
0x198: {  	vm3 =	veq.s32 v11, v5;
	v11 =	vand.u32 $0x3FF, v15;
	vm6 =	veq.s32 v9, v5;
	[tilespmem:v7+s15+$0x0] =	vst.idx.add.s32.msk vm4, v1  }
0x199: {  	s1 =	simm.s32 $0xC0;
	s0 =	simm.s32 $0x0;
	v9 =	vand.u32 $0x3FF, v8;
	v8 =	vand.u32 $0x3FF, v12;
	[tilespmem:v14+s15+$0x0] =	vst.idx.add.s32.msk vm7, v1;
	v7 =	vand.u32 $0x3FF, v13  }
.LBB2_18:
0x19a: {  	v12 =	vld [tilespmem:s1+$0x30];
	s0 =	sadd.s32 $0x8, s0;
	v13 =	vand.u32 $0x3FF, v6;
	vm4 =	vmmov vm6  }
0x19b: {  	v6 =	vld [tilespmem:s1+$0xFFFFFFD0];
	p0 =	slt.u32 s0, $0x7F8  }
0x19c: {  	v14 =	vld [tilespmem:s1+$0xFFFFFFE0]  }
0x19d: {  	v15 =	vld [tilespmem:s1+$0xFFFFFFF0]  }
0x19e: {  	v16 =	vld [tilespmem:s1+$0x0]  }
0x19f: {  	v17 =	vld [tilespmem:s1+$0x10];
	v18 =	vshrl.u32 v12, $0xA  }
0x1a0: {  	v19 =	vshrl.u32 v6, $0xA;
	v20 =	vand.u32 $0x3FF, v6;
	v6 =	vld [tilespmem:s1+$0x20];
	v18 =	vand.u32 $0x1FFFFF, v18  }
0x1a1: {  	v21 =	vld [tilespmem:s1+$0xFFFFFFC0];
	v19 =	vand.u32 $0x1FFFFF, v19;
	v22 =	vshrl.u32 v14, $0xA;
	vm7 =	veq.s32 v18, v5  }
0x1a2: {  	v12 =	vand.u32 $0x3FF, v12;
	v18 =	vand.u32 $0x1FFFFF, v22;
	v22 =	vshrl.u32 v15, $0xA;
	[tilespmem:v11+s15+$0x0] =	vst.idx.add.s32.msk vm5, v1  }
0x1a3: {  	vm8 =	veq.s32 v19, v5;
	v11 =	vand.u32 $0x1FFFFF, v22;
	v19 =	vshrl.u32 v16, $0xA;
	[tilespmem:v9+s15+$0x0] =	vst.idx.add.s32.msk vm0, v1  }
0x1a4: {  	vm0 =	veq.s32 v18, v5;
	v9 =	vand.u32 $0x1FFFFF, v19;
	v18 =	vshrl.u32 v17, $0xA;
	[tilespmem:v10+s15+$0x0] =	vst.idx.add.s32.msk vm1, v1  }
.Ltmp10:
0x1a5: {  	vm1 =	veq.s32 v11, v5;
	v10 =	vand.u32 $0x1FFFFF, v18;
	v11 =	vshrl.u32 v6, $0xA;
	[tilespmem:v8+s15+$0x0] =	vst.idx.add.s32.msk vm2, v1;
	(pc) =	sbr.rel @p0 .LBB2_18-.Ltmp10, $4  }
0x1a6: {  	vm2 =	veq.s32 v9, v5;
	v8 =	vshrl.u32 v21, $0xA;
	v9 =	vand.u32 $0x1FFFFF, v11;
	[tilespmem:v7+s15+$0x0] =	vst.idx.add.s32.msk vm3, v1  }
0x1a7: {  	vm3 =	veq.s32 v10, v5;
	v7 =	vand.u32 $0x1FFFFF, v8;
	vm6 =	veq.s32 v9, v5;
	[tilespmem:v12+s15+$0x0] =	vst.idx.add.s32.msk vm7, v1  }
0x1a8: {  	v11 =	vand.u32 $0x3FF, v21;
	v9 =	vand.u32 $0x3FF, v14;
	vm5 =	veq.s32 v7, v5;
	[tilespmem:v13+s15+$0x0] =	vst.idx.add.s32.msk vm4, v1  }
0x1a9: {  	s1 =	sadd.s32 $0x80, s1;
	v10 =	vand.u32 $0x3FF, v15;
	v8 =	vand.u32 $0x3FF, v16;
	v7 =	vand.u32 $0x3FF, v17;
	[tilespmem:v20+s15+$0x0] =	vst.idx.add.s32.msk vm8, v1  }
0x1aa: {  	_ =	sdelay $0x4  }
0x1ab: {  	v5 =	vand.u32 $0x3FF, v6;
	[tilespmem:v11+s15+$0x0] =	vst.idx.add.s32.msk vm5, v1  }
0x1ac: {  	[tilespmem:v9+s15+$0x0] =	vst.idx.add.s32.msk vm0, v1  }
0x1ad: {  	[tilespmem:v10+s15+$0x0] =	vst.idx.add.s32.msk vm1, v1  }
0x1ae: {  	[tilespmem:v8+s15+$0x0] =	vst.idx.add.s32.msk vm2, v1  }
0x1af: {  	[tilespmem:v7+s15+$0x0] =	vst.idx.add.s32.msk vm3, v1  }
0x1b0: {  	s30 =	simm.s32 $0x103F0;
	[tilespmem:v5+s15+$0x0] =	vst.idx.add.s32.msk vm6, v1  }
0x1b1: {  	v6 =	vld [tilespmem:s30+$0x0];
	_ =	sdelay $0x4  }
0x1b2: {  	s31 =	simm.s32 $0x103D0;
	v7 =	vld [tilespmem:s30+$0xFFFFFFF0];
	(xrf0) =	vadd.scan.msk.s32 $0xffff, v6  }
0x1b3: {  	v8 =	vld [tilespmem:s31+$0x0];
	_ =	sdelay $0x3  }
0x1b4: {  	(xrf0) =	vadd.scan.msk.s32 $0xffff, v7  }
0x1b5: {  	(xrf0) =	vadd.scan.msk.s32 $0xffff, v8;
	v9, _, _ =	vpop (xrf0)  }
0x1b6: {  	(v2sf) =	vpush v9, $0xF  }
0x1b7: {  	v9 =	vld [tilespmem:s31+$0xFFFFFFF0];
	_ =	sdelay $0x1  }
0x1b8: {  	s1 =	simm.s32 $0x103B0  }
0x1b9: {  	v10 =	vld [tilespmem:s1+$0x0];
	v11, _, _ =	vpop (xrf0)  }
0x1ba: {  	v6 =	vperm.xlane v6, v2;
	(v2sf) =	vpush v11, $0xF;
	v11, _, _ =	vpop (xrf0)  }
0x1bb: {  	v7 =	vperm.xlane v7, v2;
	(v2sf) =	vpush v11, $0xF;
	(xrf0) =	vadd.scan.msk.s32 $0xffff, v9  }
0x1bc: {  	(xrf0) =	vadd.scan.msk.s32 $0xffff, v6  }
0x1bd: {  	(xrf0) =	vadd.scan.msk.s32 $0xffff, v7  }
0x1be: {  	v12 =	vld [tilespmem:s1+$0xFFFFFFF0];
	(xrf0) =	vadd.scan.msk.s32 $0xffff, v10;
	_ =	sdelay $0x1  }
0x1bf: {  	s2 =	simm.s32 $0x10390  }
0x1c0: {  	v11 =	vld [tilespmem:s2+$0x0];
	v13, _, _ =	vpop (xrf0)  }
0x1c1: {  	v14 =	vld [tilespmem:s2+$0xFFFFFFF0];
	v8 =	vperm.xlane v8, v2;
	v15, _, _ =	vpop (xrf0)  }
0x1c2: {  	s0 =	ssub.s32 s23, s24;
	s23 =	simm.s32 $0x0;
	v9 =	vperm.xlane v9, v2;
	(xrf0) =	vadd.scan.msk.s32 $0xffff, v12;
	(v2sf) =	vpush v13, $0xF;
	v13, _, _ =	vpop (xrf0)  }
0x1c3: {  	v5 =	vmov s0;
	(xrf0) =	vadd.scan.msk.s32 $0xffff, v8;
	v15 =	vadd.s32 s23, v15;
	v16, _, _ =	vpop (xrf0);
	s4 =	spop (v2sf)  }
0x1c4: {  	(xrf0) =	vadd.scan.msk.s32 $0xffff, v9;
	v6 =	vsub.s32 v15, v6;
	vm0 =	vge.s32 v15, v5;
	(v2sf) =	vpush v16, $0xF;
	s0 =	sadd.s32 $0x0, s4  }
0x1c5: {  	s1 =	simm.s32 $0x10;
	(xrf0) =	vadd.scan.msk.s32 $0xffff, v11;
	v16 =	vmov s23;
	vm1 =	vlt.s32 v6, v5;
	v13 =	vadd.s32 s0, v13  }
0x1c6: {  	v6 =	vmov s1;
	(xrf0) =	vadd.scan.msk.s32 $0xffff, v14;
	v16 =	vsub.s32 v3, v16;
	v7 =	vsub.s32 v13, v7  }
0x1c7: {  	vm0 =	vmand vm0, vm1;
	vm1 =	vge.s32 v13, v5;
	vm2 =	vlt.s32 v7, v5  }
0x1c8: {  	v15, _, _ =	vpop (xrf0);
	v6 =	vsub.s32 v3, v6;
	s2 =	spop (v2sf);
	v13 =	vnsel vm0, $0x0, v16;
	vm0 =	vmand vm1, vm2  }
0x1c9: {  	s5 =	simm.s32 $0x10370;
	(v2sf) =	vpush v15, $0xF;
	s0 =	sadd.s32 s0, s2;
	s12 =	spop (v2sf);
	v7, _, _ =	vpop (xrf0);
	v6 =	vnsel vm0, $0x0, v6  }
0x1ca: {  	v10 =	vperm.xlane v10, v2;
	v16 =	vld [tilespmem:s5+$0x0];
	s2 =	sadd.s32 s0, s12;
	v17, _, _ =	vpop (xrf0);
	(xrf0) =	vadd.scan.msk.s32 $0xffff, v13;
	v7 =	vadd.s32 s0, v7  }
0x1cb: {  	v18 =	vperm.xlane v12, v2;
	v15 =	vld [tilespmem:s5+$0xFFFFFFF0];
	v13, _, _ =	vpop (xrf0);
	(xrf0) =	vadd.scan.msk.s32 $0xffff, v6;
	v12 =	vadd.s32 s2, v17;
	v8 =	vsub.s32 v7, v8  }
0x1cc: {  	s13 =	simm.s32 $0x20;
	vm0 =	vge.s32 v7, v5;
	(v2sf) =	vpush v13, $0xF;
	v6, _, _ =	vpop (xrf0);
	(xrf0) =	vadd.scan.msk.s32 $0xffff, v10;
	v7 =	vsub.s32 v12, v9  }
0x1cd: {  	vm1 =	vlt.s32 v8, v5;
	(v2sf) =	vpush v6, $0xF;
	v6 =	vmov s13  }
0x1ce: {  	s18 =	simm.s32 $0x30;
	(xrf0) =	vadd.scan.msk.s32 $0xffff, v18;
	vm2 =	vlt.s32 v7, v5;
	vm0 =	vmand vm0, vm1;
	v6 =	vsub.s32 v3, v6  }
0x1cf: {  	vm1 =	vge.s32 v12, v5;
	v7 =	vmov s18;
	(xrf0) =	vadd.scan.msk.s32 $0xffff, v16;
	v9 =	vnsel vm0, $0x0, v6  }
0x1d0: {  	v7 =	vsub.s32 v3, v7;
	vm0 =	vmand vm1, vm2;
	v8, _, _ =	vpop (xrf0);
	(xrf0) =	vadd.scan.msk.s32 $0xffff, v15  }
0x1d1: {  	v7 =	vnsel vm0, $0x0, v7;
	v13, _, _ =	vpop (xrf0);
	(xrf0) =	vadd.scan.msk.s32 $0xffff, v9;
	(v2sf) =	vpush v8, $0xF  }
0x1d2: {  	s24 =	simm.s32 $0x10350;
	s25 =	spop (v2sf);
	v9, _, _ =	vpop (xrf0);
	(xrf0) =	vadd.scan.msk.s32 $0xffff, v7;
	(v2sf) =	vpush v13, $0xF  }
0x1d3: {  	v6 =	vld [tilespmem:s24+$0x0];
	s1 =	sadd.s32 s2, s25  }
0x1d4: {  	v17 =	vperm.xlane v11, v2;
	s4 =	spop (v2sf);
	v8 =	vadd.s32 s1, v9;
	v9, _, _ =	vpop (xrf0)  }
0x1d5: {  	v12 =	vperm.xlane v14, v2;
	v7 =	vld [tilespmem:s24+$0xFFFFFFF0];
	s1 =	sadd.s32 s1, s4;
	v13, _, _ =	vpop (xrf0);
	v10 =	vsub.s32 v8, v10  }
0x1d6: {  	s26 =	simm.s32 $0x40;
	(xrf0) =	vadd.scan.msk.s32 $0xffff, v17;
	vm0 =	vge.s32 v8, v5;
	v8 =	vadd.s32 s1, v9;
	(v2sf) =	vpush v13, $0xF;
	v9, _, _ =	vpop (xrf0)  }
0x1d7: {  	v11 =	vmov s26;
	(xrf0) =	vadd.scan.msk.s32 $0xffff, v12;
	(v2sf) =	vpush v9, $0xF;
	v9, _, _ =	vpop (xrf0)  }
0x1d8: {  	v11 =	vsub.s32 v3, v11;
	s29 =	spop (v2sf);
	v13 =	vsub.s32 v8, v18;
	(xrf0) =	vadd.scan.msk.s32 $0xffff, v6;
	(v2sf) =	vpush v9, $0xF;
	v9, _, _ =	vpop (xrf0)  }
0x1d9: {  	s28 =	simm.s32 $0x50;
	vm1 =	vlt.s32 v10, v5;
	vm2 =	vlt.s32 v13, v5;
	(v2sf) =	vpush v9, $0xF  }
0x1da: {  	vm0 =	vmand vm0, vm1;
	vm1 =	vge.s32 v8, v5;
	v8 =	vmov s28;
	(xrf0) =	vadd.scan.msk.s32 $0xffff, v7  }
0x1db: {  	s24 =	simm.s32 $0x60;
	v10 =	vnsel vm0, $0x0, v11;
	v8 =	vsub.s32 v3, v8;
	vm0 =	vmand vm1, vm2  }
0x1dc: {  	vm4 =	vmmov vm6;
	s0 =	sadd.s32 s1, s29;
	s1 =	simm.s32 $0x10330;
	v13 =	vmov s24;
	(xrf0) =	vadd.scan.msk.s32 $0xffff, v10;
	v9 =	vnsel vm0, $0x0, v8;
	v14, _, _ =	vpop (xrf0);
	s30 =	spop (v2sf)  }
0x1dd: {  	v11 =	vperm.xlane v16, v2;
	v10 =	vperm.xlane v15, v2;
	v8 =	vld [tilespmem:s1+$0x0];
	v14 =	vadd.s32 s0, v14;
	v18, _, _ =	vpop (xrf0);
	(xrf0) =	vadd.scan.msk.s32 $0xffff, v9;
	s0 =	sadd.s32 s0, s30;
	s31 =	spop (v2sf)  }
0x1de: {  	s12 =	simm.s32 $0xC;
	v9 =	vld [tilespmem:s1+$0xFFFFFFF0];
	v15 =	vsub.s32 v14, v17;
	vm0 =	vge.s32 v14, v5;
	v16, _, _ =	vpop (xrf0);
	v14 =	vadd.s32 s0, v18;
	s0 =	sadd.s32 s0, s31  }
.LBB2_20:
0x1df: {  	(v2sf) =	vpush v16, $0xF  }
0x1e0: {  	s12 =	sadd.s32 $0x2, s12;
	v16, _, _ =	vpop (xrf0);
	(xrf0) =	vadd.scan.msk.s32 $0xffff, v11;
	s2 =	sadd.s32 $0x10, s24;
	v13 =	vsub.s32 v3, v13;
	v17 =	vsub.s32 v14, v12;
	s4 =	spop (v2sf);
	vm1 =	vlt.s32 v15, v5  }
0x1e1: {  	v15 =	vmovc v6;
	p0 =	slt.u32 s12, $0x3E;
	(v2sf) =	vpush v16, $0xF;
	(xrf0) =	vadd.scan.msk.s32 $0xffff, v10;
	vm2 =	vlt.s32 v17, v5;
	s4 =	sadd.s32 s23, s4;
	s5 =	spop (v2sf);
	v16 =	vmov s2  }
0x1e2: {  	vm0 =	vmand vm0, vm1;
	vm1 =	vge.s32 v14, v5;
	(xrf0) =	vadd.scan.msk.s32 $0xffff, v8;
	v12, _, _ =	vpop (xrf0);
	s23 =	sadd.s32 s5, s4  }
0x1e3: {  	v13 =	vnsel vm0, $0x0, v13;
	v17 =	vsub.s32 v3, v16;
	(xrf0) =	vadd.scan.msk.s32 $0xffff, v9;
	(v2sf) =	vpush v12, $0xF;
	v6, _, _ =	vpop (xrf0)  }
.Ltmp11:
0x1e4: {  	vm0 =	vmand vm1, vm2;
	(v2sf) =	vpush v6, $0xF;
	v6 =	vmovc v8;
	v16 =	vmovc v7;
	v7 =	vmov v9;
	(pc) =	sbr.rel @p0 .LBB2_20-.Ltmp11, $4  }
0x1e5: {  	s1 =	sadd.s32 $0xFFFFFFE0, s1;
	s24 =	sadd.s32 $0x20, s24;
	v14 =	vmovc v11;
	v12 =	vmov v10;
	v9 =	vnsel vm0, $0x0, v17;
	(xrf0) =	vadd.scan.msk.s32 $0xffff, v13  }
0x1e6: {  	v13 =	vmov s24;
	v8 =	vld [tilespmem:s1+$0x0];
	v17, _, _ =	vpop (xrf0);
	s2 =	spop (v2sf);
	(xrf0) =	vadd.scan.msk.s32 $0xffff, v9  }
0x1e7: {  	v11 =	vperm.xlane v15, v2;
	v10 =	vperm.xlane v16, v2;
	v9 =	vld [tilespmem:s1+$0xFFFFFFF0];
	v17 =	vadd.s32 s0, v17;
	s0 =	sadd.s32 s0, s2;
	v18, _, _ =	vpop (xrf0);
	s2 =	spop (v2sf)  }
0x1e8: {  	v16, _, _ =	vpop (xrf0);
	v15 =	vsub.s32 v17, v14;
	vm0 =	vge.s32 v17, v5;
	v14 =	vadd.s32 s0, v18;
	s0 =	sadd.s32 s0, s2  }
0x1e9: {  	(xrf0) =	vadd.scan.msk.s32 $0xffff, v11  }
0x1ea: {  	(xrf0) =	vadd.scan.msk.s32 $0xffff, v10  }
0x1eb: {  	(xrf0) =	vadd.scan.msk.s32 $0xffff, v8  }
0x1ec: {  	v17, _, _ =	vpop (xrf0);
	(v2sf) =	vpush v16, $0xF;
	v13 =	vsub.s32 v3, v13;
	v12 =	vsub.s32 v14, v12  }
0x1ed: {  	vm1 =	vlt.s32 v15, v5;
	v6 =	vperm.xlane v6, v2;
	v7 =	vperm.xlane v7, v2;
	v18, _, _ =	vpop (xrf0)  }
0x1ee: {  	s1 =	sadd.s32 $0x10, s24;
	s25 =	spop (v2sf);
	(v2sf) =	vpush v17, $0xF;
	vm2 =	vlt.s32 v12, v5;
	vm0 =	vmand vm0, vm1;
	v58, _, _ =	vpop (xrf0)  }
0x1ef: {  	vm1 =	vge.s32 v14, v5;
	s26 =	spop (v2sf);
	v15 =	vmov s1;
	v13 =	vnsel vm0, $0x0, v13;
	v12, _, _ =	vpop (xrf0)  }
0x1f0: {  	s2 =	sadd.s32 $0x20, s24;
	v15 =	vsub.s32 v3, v15;
	vm0 =	vmand vm1, vm2;
	(v2sf) =	vpush v18, $0xF;
	s29 =	spop (v2sf);
	v14, _, _ =	vpop (xrf0)  }
0x1f1: {  	v60 =	vmov s2;
	v15 =	vnsel vm0, $0x0, v15;
	(v2sf) =	vpush v58, $0xF;
	s4 =	sadd.s32 s0, s29;
	v59, _, _ =	vpop (xrf0)  }
0x1f2: {  	v12 =	vadd.s32 s0, v12;
	v14 =	vadd.s32 s4, v14;
	(v2sf) =	vpush v59, $0xF  }
0x1f3: {  	(xrf0) =	vadd.scan.msk.s32 $0xffff, v9;
	v11 =	vsub.s32 v12, v11;
	vm0 =	vge.s32 v12, v5;
	v10 =	vsub.s32 v14, v10  }
0x1f4: {  	s30 =	sadd.s32 $0x10, s2;
	(xrf0) =	vadd.scan.msk.s32 $0xffff, v13;
	v12 =	vsub.s32 v3, v60;
	vm1 =	vlt.s32 v11, v5;
	vm2 =	vlt.s32 v10, v5  }
0x1f5: {  	(xrf0) =	vadd.scan.msk.s32 $0xffff, v15;
	vm0 =	vmand vm0, vm1;
	vm1 =	vge.s32 v14, v5;
	v10 =	vmov s30  }
0x1f6: {  	(xrf0) =	vadd.scan.msk.s32 $0xffff, v6;
	v11 =	vnsel vm0, $0x0, v12;
	v10 =	vsub.s32 v3, v10;
	vm0 =	vmand vm1, vm2  }
0x1f7: {  	(xrf0) =	vadd.scan.msk.s32 $0xffff, v7;
	v10 =	vnsel vm0, $0x0, v10  }
0x1f8: {  	v8 =	vperm.xlane v8, v2;
	(xrf0) =	vadd.scan.msk.s32 $0xffff, v11  }
0x1f9: {  	s5 =	spop (v2sf);
	v11, _, _ =	vpop (xrf0);
	(xrf0) =	vadd.scan.msk.s32 $0xffff, v10  }
0x1fa: {  	s2 =	sadd.s32 $0x20, s2;
	v9 =	vperm.xlane v9, v2;
	s0 =	spop (v2sf);
	v10, _, _ =	vpop (xrf0);
	(xrf0) =	vadd.scan.msk.s32 $0xffff, v8  }
0x1fb: {  	s29 =	sadd.s32 $0x10, s2;
	s1 =	spop (v2sf);
	v12, _, _ =	vpop (xrf0)  }
0x1fc: {  	v19 =	vmov s2;
	s2 =	sadd.s32 $0x20, s2;
	s4 =	sadd.s32 s4, s5;
	s13 =	spop (v2sf);
	(xrf0) =	vadd.scan.msk.s32 $0xffff, v9;
	v13, _, _ =	vpop (xrf0)  }
0x1fd: {  	v63 =	vmov s29;
	v21 =	vmov s2;
	s2 =	sadd.s32 $0x10, s2;
	s5 =	sadd.s32 s4, s13;
	v14, _, _ =	vpop (xrf0);
	v13 =	vadd.s32 s4, v13  }
0x1fe: {  	v22 =	vmov s2;
	s31 =	spop (v2sf);
	v15, _, _ =	vpop (xrf0);
	v14 =	vadd.s32 s5, v14;
	v6 =	vsub.s32 v13, v6  }
0x1ff: {  	s12 =	spop (v2sf);
	vm0 =	vge.s32 v13, v5;
	v61, _, _ =	vpop (xrf0);
	v7 =	vsub.s32 v14, v7;
	vm1 =	vlt.s32 v6, v5  }
0x200: {  	s28 =	sadd.s32 s5, s31;
	s18 =	spop (v2sf);
	v6 =	vsub.s32 v3, v19;
	v62, _, _ =	vpop (xrf0);
	vm2 =	vlt.s32 v7, v5;
	vm0 =	vmand vm0, vm1  }
0x201: {  	vm1 =	vge.s32 v14, v5;
	v17 =	vadd.s32 s28, v62;
	v6 =	vnsel vm0, $0x0, v6;
	s30 =	spop (v2sf)  }
0x202: {  	v20, _, _ =	vpop (xrf0);
	vm1 =	vmand vm1, vm2;
	v7 =	vsub.s32 v17, v8;
	vm0 =	vge.s32 v17, v5;
	s31 =	sadd.s32 s28, s30  }
0x203: {  	vm2 =	vlt.s32 v7, v5;
	v7 =	vsub.s32 v3, v63;
	v20 =	vadd.s32 s31, v20  }
0x204: {  	v8 =	vsub.s32 v3, v21;
	v7 =	vnsel vm1, $0x0, v7;
	v9 =	vsub.s32 v20, v9  }
0x205: {  	(xrf0) =	vadd.scan.msk.s32 $0xffff, v6;
	vm0 =	vmand vm0, vm2;
	vm2 =	vge.s32 v20, v5;
	vm1 =	vlt.s32 v9, v5  }
0x206: {  	v6 =	vsub.s32 v3, v22;
	(xrf0) =	vadd.scan.msk.s32 $0xffff, v7;
	v5 =	vnsel vm0, $0x0, v8;
	vm0 =	vmand vm2, vm1  }
0x207: {  	(v2sf) =	vpush v11, $0xF;
	(xrf0) =	vadd.scan.msk.s32 $0xffff, v5;
	v6 =	vnsel vm0, $0x0, v6  }
0x208: {  	(v2sf) =	vpush v10, $0xF;
	(xrf0) =	vadd.scan.msk.s32 $0xffff, v6  }
0x209: {  	(v2sf) =	vpush v12, $0xF  }
0x20a: {  	(v2sf) =	vpush v15, $0xF  }
0x20b: {  	(v2sf) =	vpush v61, $0xF;
	v5, _, _ =	vpop (xrf0)  }
0x20c: {  	(v2sf) =	vpush v5, $0xF;
	v5, _, _ =	vpop (xrf0)  }
0x20d: {  	(v2sf) =	vpush v5, $0xF;
	v5, _, _ =	vpop (xrf0)  }
0x20e: {  	(v2sf) =	vpush v5, $0xF;
	v5, _, _ =	vpop (xrf0)  }
0x20f: {  	(v2sf) =	vpush v5, $0xF;
	_ =	sdelay $0x2  }
0x210: {  	s5 =	sadd.s32 s23, s25  }
0x211: {  	s2 =	sadd.s32 s26, s5  }
0x212: {  	s0 =	sadd.s32 s2, s0  }
0x213: {  	s0 =	sadd.s32 s1, s0  }
0x214: {  	s0 =	sadd.s32 s0, s12;
	s13 =	spop (v2sf)  }
0x215: {  	s0 =	sadd.s32 s18, s0;
	s1 =	spop (v2sf)  }
0x216: {  	s0 =	sadd.s32 s0, s1;
	s23 =	spop (v2sf)  }
0x217: {  	s0 =	sadd.s32 s23, s0;
	s24 =	spop (v2sf)  }
0x218: {  	s0 =	sadd.s32 s0, s24;
	s25 =	spop (v2sf)  }
0x219: {  	s1 =	sadd.s32 s25, s0;
	s0 =	simm.s32 $0x40;
	s26 =	spop (v2sf)  }
0x21a: {  	v13 =	vld [tilespmem:s0+$0x30];
	s1 =	sadd.s32 s1, s26;
	s28 =	spop (v2sf)  }
0x21b: {  	v12 =	vld [tilespmem:s0+$0xFFFFFFD0];
	s1 =	sadd.s32 s28, s1;
	s29 =	spop (v2sf)  }
0x21c: {  	v11 =	vld [tilespmem:s0+$0xFFFFFFE0];
	s1 =	sadd.s32 s1, s29;
	s30 =	spop (v2sf)  }
0x21d: {  	s31 =	sshll.u32 s22, $0xA;
	v10 =	vld [tilespmem:s0+$0xFFFFFFF0];
	s1 =	sadd.s32 s30, s1  }
0x21e: {  	v9 =	vld [tilespmem:s0+$0x0];
	s1 =	sor.u32 s31, s1  }
0x21f: {  	v7 =	vld [tilespmem:s0+$0x10];
	v8 =	vand.u32 $0x7FFFFFFF, v13;
	v5 =	vmov s1  }
0x220: {  	v6 =	vld [tilespmem:s0+$0x20];
	v14 =	vand.u32 $0x7FFFFFFF, v12;
	vm1 =	vgt.s32 v5, v8  }
0x221: {  	s12 =	simm.s32 $0xC0;
	s1 =	simm.s32 $0x0;
	v8 =	vld [tilespmem:s0+$0xFFFFFFC0];
	vm0 =	vgt.s32 v5, v14;
	v14 =	vand.u32 $0x7FFFFFFF, v11;
	v13 =	vsel vm1, $0x0, v13  }
.LBB2_22:
0x222: {  	v15 =	vld [tilespmem:s12+$0x30];
	s1 =	sadd.s32 $0x8, s1;
	v16 =	vsel vm0, $0x0, v12;
	vm0 =	vgt.s32 v5, v14;
	v14 =	vand.u32 $0x7FFFFFFF, v10;
	[tilespmem:s0+$0x30] =	vst v13  }
0x223: {  	v12 =	vld [tilespmem:s12+$0xFFFFFFD0];
	p0 =	slt.u32 s1, $0x7F8;
	[tilespmem:s0+$0xFFFFFFD0] =	vst v16;
	v13 =	vsel vm0, $0x0, v11;
	vm0 =	vgt.s32 v5, v14;
	v14 =	vand.u32 $0x7FFFFFFF, v9  }
0x224: {  	v11 =	vld [tilespmem:s12+$0xFFFFFFE0];
	[tilespmem:s0+$0xFFFFFFE0] =	vst v13;
	v13 =	vsel vm0, $0x0, v10;
	vm0 =	vgt.s32 v5, v14;
	v14 =	vand.u32 $0x7FFFFFFF, v7  }
.Ltmp12:
0x225: {  	v10 =	vld [tilespmem:s12+$0xFFFFFFF0];
	[tilespmem:s0+$0xFFFFFFF0] =	vst v13;
	v13 =	vsel vm0, $0x0, v9;
	vm0 =	vgt.s32 v5, v14;
	v14 =	vand.u32 $0x7FFFFFFF, v6;
	(pc) =	sbr.rel @p0 .LBB2_22-.Ltmp12, $4  }
0x226: {  	v9 =	vld [tilespmem:s12+$0x0];
	v16 =	vand.u32 $0x7FFFFFFF, v8;
	[tilespmem:s0+$0x0] =	vst v13;
	v13 =	vsel vm0, $0x0, v7;
	vm0 =	vgt.s32 v5, v14  }
0x227: {  	v7 =	vld [tilespmem:s12+$0x10];
	v14 =	vand.u32 $0x7FFFFFFF, v15;
	vm1 =	vgt.s32 v5, v16;
	[tilespmem:s0+$0x10] =	vst v13;
	v13 =	vsel vm0, $0x0, v6  }
0x228: {  	v16 =	vand.u32 $0x7FFFFFFF, v12;
	v6 =	vld [tilespmem:s12+$0x20];
	vm2 =	vgt.s32 v5, v14;
	v17 =	vsel vm1, $0x0, v8;
	[tilespmem:s0+$0x20] =	vst v13  }
0x229: {  	v8 =	vld [tilespmem:s12+$0xFFFFFFC0];
	vm0 =	vgt.s32 v5, v16;
	v14 =	vand.u32 $0x7FFFFFFF, v11;
	v13 =	vsel vm2, $0x0, v15;
	[tilespmem:s0+$0xFFFFFFC0] =	vst v17;
	s0 =	smov.u32 s12;
	s12 =	sadd.s32 $0x80, s12  }
0x22a: {  	v12 =	vsel vm0, $0x0, v12;
	vm11 =	vgt.s32 v5, v14;
	v57 =	vand.u32 $0x7FFFFFFF, v10;
	[tilespmem:s0+$0x30] =	vst v13  }
0x22b: {  	[tilespmem:s0+$0xFFFFFFD0] =	vst v12;
	v11 =	vsel vm11, $0x0, v11;
	vm12 =	vgt.s32 v5, v57;
	v58 =	vand.u32 $0x7FFFFFFF, v9  }
0x22c: {  	[tilespmem:s0+$0xFFFFFFE0] =	vst v11;
	v59 =	vsel vm12, $0x0, v10;
	vm13 =	vgt.s32 v5, v58;
	v60 =	vand.u32 $0x7FFFFFFF, v7  }
0x22d: {  	[tilespmem:s0+$0xFFFFFFF0] =	vst v59;
	v61 =	vsel vm13, $0x0, v9;
	vm14 =	vgt.s32 v5, v60;
	v62 =	vand.u32 $0x7FFFFFFF, v6  }
0x22e: {  	v63 =	vand.u32 $0x7FFFFFFF, v8;
	[tilespmem:s0+$0x0] =	vst v61;
	v7 =	vsel vm14, $0x0, v7;
	vm15 =	vgt.s32 v5, v62  }
0x22f: {  	vm1 =	vgt.s32 v5, v63;
	[tilespmem:s0+$0x10] =	vst v7;
	v5 =	vsel vm15, $0x0, v6  }
0x230: {  	v6 =	vsel vm1, $0x0, v8;
	[tilespmem:s0+$0x20] =	vst v5  }
0x231: {  	s31 =	simm.s32 $0x0;
	[tilespmem:s0+$0xFFFFFFC0] =	vst v6  }
0x232: {  	[hbm4b:s7+s10] =	stream.strided.scatter [tilespmem:s31], [sflag:$0x4], $0x8000, s11, s10, $0x38;
	[tilespmem:$0x10800] =	vst v63  }
0x233: {  	_ =	swait.ge [sflag:s17], $0x8000  }
0x234: {  	[sflag:s17] =	ssyncset.done $0x0  }
0x235: {  	s1 =	simm.s32 $0x10020;
	[sflag:s17] =	ssyncadd.s32 $0xFFFF8000  }
0x236: {  	[tilespmem:s1+$0xFFFFFFE0] =	vst v0  }
0x237: {  	[tilespmem:s1+$0x10] =	vst v0  }
0x238: {  	s12 =	simm.s32 $0x0;
	s0 =	simm.s32 $0x8040;
	[tilespmem:s1+$0x0] =	vst v0  }
.LBB2_24:
0x239: {  	s12 =	sadd.s32 $0x4, s12  }
0x23a: {  	[tilespmem:s1+$0xFFFFFFF0] =	vst v0;
	s1 =	sadd.s32 $0x40, s1;
	p0 =	slt.u32 s12, $0x3C  }
.Ltmp13:
0x23b: {  	[tilespmem:s1+$0xFFFFFFE0] =	vst v0;
	(pc) =	sbr.rel @p0 .LBB2_24-.Ltmp13, $3  }
0x23c: {  	_ =	sdelay $0x1  }
0x23d: {  	[tilespmem:s1+$0x10] =	vst v0  }
0x23e: {  	[tilespmem:s1+$0x0] =	vst v0  }
0x23f: {  	[tilespmem:s1+$0xFFFFFFF0] =	vst v0  }
0x240: {  	v5 =	vld [tilespmem:s0+$0x30]  }
0x241: {  	v6 =	vld [tilespmem:s0+$0xFFFFFFD0]  }
0x242: {  	v7 =	vld [tilespmem:s0+$0xFFFFFFE0]  }
0x243: {  	v8 =	vld [tilespmem:s0+$0xFFFFFFF0]  }
0x244: {  	v9 =	vld [tilespmem:s0+$0x0]  }
0x245: {  	v5 =	vshrl.u32 v5, $0x15  }
0x246: {  	v6 =	vshrl.u32 v6, $0x15;
	v5 =	vand.u32 $0x3FF, v5  }
0x247: {  	v10 =	vld [tilespmem:s0+$0x10];
	v7 =	vshrl.u32 v7, $0x15;
	v6 =	vand.u32 $0x3FF, v6  }
0x248: {  	v11 =	vld [tilespmem:s0+$0x20];
	v8 =	vshrl.u32 v8, $0x15;
	v7 =	vand.u32 $0x3FF, v7  }
0x249: {  	v12 =	vld [tilespmem:s0+$0xFFFFFFC0];
	v9 =	vshrl.u32 v9, $0x15;
	v8 =	vand.u32 $0x3FF, v8  }
0x24a: {  	v9 =	vand.u32 $0x3FF, v9  }
0x24b: {  	[tilespmem:v5+s15+$0x0] =	vst.idx.add.s32.msk $0xffff, v1  }
0x24c: {  	[tilespmem:v6+s15+$0x0] =	vst.idx.add.s32.msk $0xffff, v1  }
0x24d: {  	[tilespmem:v7+s15+$0x0] =	vst.idx.add.s32.msk $0xffff, v1  }
0x24e: {  	v5 =	vshrl.u32 v10, $0x15;
	v6 =	vshrl.u32 v11, $0x15;
	v7 =	vshrl.u32 v12, $0x15;
	[tilespmem:v8+s15+$0x0] =	vst.idx.add.s32.msk $0xffff, v1  }
0x24f: {  	s1 =	simm.s32 $0x80C0;
	s0 =	simm.s32 $0x0;
	[tilespmem:v9+s15+$0x0] =	vst.idx.add.s32.msk $0xffff, v1;
	v5 =	vand.u32 $0x3FF, v5;
	v6 =	vand.u32 $0x3FF, v6;
	v7 =	vand.u32 $0x3FF, v7  }
.LBB2_26:
0x250: {  	v8 =	vld [tilespmem:s1+$0x30];
	s0 =	sadd.s32 $0x8, s0  }
0x251: {  	v9 =	vld [tilespmem:s1+$0xFFFFFFD0];
	p0 =	slt.u32 s0, $0x7F8  }
0x252: {  	v10 =	vld [tilespmem:s1+$0xFFFFFFE0]  }
0x253: {  	v11 =	vld [tilespmem:s1+$0xFFFFFFF0]  }
0x254: {  	v12 =	vld [tilespmem:s1+$0x0]  }
0x255: {  	v13 =	vld [tilespmem:s1+$0x10];
	v8 =	vshrl.u32 v8, $0x15  }
0x256: {  	v9 =	vshrl.u32 v9, $0x15;
	v14 =	vld [tilespmem:s1+$0x20];
	v8 =	vand.u32 $0x3FF, v8  }
0x257: {  	v15 =	vld [tilespmem:s1+$0xFFFFFFC0];
	v9 =	vand.u32 $0x3FF, v9;
	v10 =	vshrl.u32 v10, $0x15  }
0x258: {  	v10 =	vand.u32 $0x3FF, v10;
	v11 =	vshrl.u32 v11, $0x15;
	[tilespmem:v7+s15+$0x0] =	vst.idx.add.s32.msk $0xffff, v1  }
0x259: {  	v11 =	vand.u32 $0x3FF, v11;
	v7 =	vshrl.u32 v12, $0x15;
	[tilespmem:v5+s15+$0x0] =	vst.idx.add.s32.msk $0xffff, v1  }
0x25a: {  	v12 =	vand.u32 $0x3FF, v7;
	v5 =	vshrl.u32 v13, $0x15;
	[tilespmem:v6+s15+$0x0] =	vst.idx.add.s32.msk $0xffff, v1  }
.Ltmp14:
0x25b: {  	s12 =	simm.s32 $0x103F0;
	s22 =	simm.s32 $0x0;
	v5 =	vand.u32 $0x3FF, v5;
	v6 =	vshrl.u32 v14, $0x15;
	[tilespmem:v8+s15+$0x0] =	vst.idx.add.s32.msk $0xffff, v1;
	(pc) =	sbr.rel @p0 .LBB2_26-.Ltmp14, $4  }
0x25c: {  	v7 =	vshrl.u32 v15, $0x15;
	[tilespmem:v9+s15+$0x0] =	vst.idx.add.s32.msk $0xffff, v1;
	v6 =	vand.u32 $0x3FF, v6  }
0x25d: {  	v7 =	vand.u32 $0x3FF, v7;
	[tilespmem:v10+s15+$0x0] =	vst.idx.add.s32.msk $0xffff, v1  }
0x25e: {  	[tilespmem:v11+s15+$0x0] =	vst.idx.add.s32.msk $0xffff, v1  }
0x25f: {  	s1 =	sadd.s32 $0x80, s1;
	[tilespmem:v12+s15+$0x0] =	vst.idx.add.s32.msk $0xffff, v1  }
0x260: {  	_ =	sdelay $0x3  }
0x261: {  	[tilespmem:v7+s15+$0x0] =	vst.idx.add.s32.msk $0xffff, v1  }
0x262: {  	[tilespmem:v5+s15+$0x0] =	vst.idx.add.s32.msk $0xffff, v1  }
0x263: {  	[tilespmem:v6+s15+$0x0] =	vst.idx.add.s32.msk $0xffff, v1  }
0x264: {  	v5 =	vld [tilespmem:s12+$0x0];
	_ =	sdelay $0x4  }
0x265: {  	(xrf0) =	vadd.scan.msk.s32 $0xffff, v5;
	_ =	sdelay $0x2  }
0x266: {  	s0 =	simm.s32 $0x103D0;
	v6 =	vld [tilespmem:s12+$0xFFFFFFF0]  }
0x267: {  	v7 =	vld [tilespmem:s0+$0x0];
	_ =	sdelay $0x1  }
0x268: {  	v8, _, _ =	vpop (xrf0)  }
0x269: {  	(v2sf) =	vpush v8, $0xF  }
0x26a: {  	(xrf0) =	vadd.scan.msk.s32 $0xffff, v6  }
0x26b: {  	(xrf0) =	vadd.scan.msk.s32 $0xffff, v7  }
0x26c: {  	v8 =	vld [tilespmem:s0+$0xFFFFFFF0];
	_ =	sdelay $0x1  }
0x26d: {  	s13 =	simm.s32 $0x103B0  }
0x26e: {  	v9 =	vld [tilespmem:s13+$0x0]  }
0x26f: {  	v6 =	vperm.xlane v6, v2;
	v10, _, _ =	vpop (xrf0)  }
0x270: {  	v5 =	vperm.xlane v5, v2;
	(v2sf) =	vpush v10, $0xF;
	v10, _, _ =	vpop (xrf0);
	(xrf0) =	vadd.scan.msk.s32 $0xffff, v8  }
0x271: {  	(v2sf) =	vpush v10, $0xF;
	(xrf0) =	vadd.scan.msk.s32 $0xffff, v6  }
0x272: {  	(xrf0) =	vadd.scan.msk.s32 $0xffff, v5  }
0x273: {  	(xrf0) =	vadd.scan.msk.s32 $0xffff, v9  }
0x274: {  	v10 =	vld [tilespmem:s13+$0xFFFFFFF0];
	_ =	sdelay $0x1  }
0x275: {  	s18 =	simm.s32 $0x10390;
	v11, _, _ =	vpop (xrf0)  }
0x276: {  	v13 =	vld [tilespmem:s18+$0x0];
	v12, _, _ =	vpop (xrf0);
	s1 =	spop (v2sf)  }
0x277: {  	s23 =	simm.s32 $0x10;
	v14 =	vld [tilespmem:s18+$0xFFFFFFF0];
	v16 =	vperm.xlane v7, v2;
	v8 =	vperm.xlane v8, v2;
	v15, _, _ =	vpop (xrf0);
	s1 =	sadd.s32 $0x0, s1  }
0x278: {  	v7 =	vmov s23;
	(xrf0) =	vadd.scan.msk.s32 $0xffff, v10;
	(v2sf) =	vpush v11, $0xF;
	v11, _, _ =	vpop (xrf0);
	v12 =	vadd.s32 s1, v12  }
0x279: {  	v7 =	vsub.s32 v3, v7;
	(xrf0) =	vadd.scan.msk.s32 $0xffff, v8;
	(v2sf) =	vpush v11, $0xF;
	v6 =	vsub.s32 v12, v6  }
0x27a: {  	(xrf0) =	vadd.scan.msk.s32 $0xffff, v16;
	v11 =	vadd.s32 s22, v15;
	vm0 =	vgt.s32 v12, $0xCCB;
	vm1 =	vlt.s32 v6, $0xCCC  }
0x27b: {  	(xrf0) =	vadd.scan.msk.s32 $0xffff, v13;
	v5 =	vsub.s32 v11, v5;
	vm7 =	vgt.s32 v11, $0xCCB;
	vm0 =	vmand vm0, vm1  }
0x27c: {  	(xrf0) =	vadd.scan.msk.s32 $0xffff, v14;
	vm2 =	vlt.s32 v5, $0xCCC;
	v12 =	vmov s22;
	v7 =	vnsel vm0, $0x0, v7  }
0x27d: {  	vm1 =	vmand vm7, vm2;
	(xrf0) =	vadd.scan.msk.s32 $0xffff, v7;
	v7 =	vsub.s32 v3, v12  }
0x27e: {  	s4 =	spop (v2sf);
	v11, _, _ =	vpop (xrf0);
	v5 =	vnsel vm1, $0x0, v5;
	v7 =	vnsel vm1, $0x0, v7  }
0x27f: {  	s31 =	simm.s32 $0x10370;
	s26 =	sadd.s32 s1, s4;
	s30 =	spop (v2sf);
	v15, _, _ =	vpop (xrf0);
	(xrf0) =	vadd.scan.msk.s32 $0xffff, v7  }
0x280: {  	s5 =	simm.s32 $0x20;
	v18 =	vperm.xlane v10, v2;
	v10 =	vld [tilespmem:s31+$0x0];
	s1 =	sadd.s32 s26, s30;
	(v2sf) =	vpush v11, $0xF;
	v19, _, _ =	vpop (xrf0);
	v6 =	vnsel vm0, $0x0, v6;
	(xrf0) =	vadd.scan.msk.s32 $0xffff, v5  }
0x281: {  	s24 =	simm.s32 $0x30;
	v61 =	vperm.xlane v9, v2;
	v11 =	vadd.s32 s1, v15;
	v15 =	vmov s5;
	v5, _, _ =	vpop (xrf0);
	(xrf0) =	vadd.scan.msk.s32 $0xffff, v6;
	v6 =	vld [tilespmem:s31+$0xFFFFFFF0]  }
0x282: {  	v12 =	vmov s24;
	v8 =	vsub.s32 v11, v8;
	(v2sf) =	vpush v5, $0xF;
	v20, _, _ =	vpop (xrf0)  }
0x283: {  	vm8 =	vgt.s32 v11, $0xCCB;
	v5 =	vsub.s32 v3, v12;
	v12 =	vadd.s32 s26, v19;
	(xrf0) =	vadd.scan.msk.s32 $0xffff, v18;
	v9, _, _ =	vpop (xrf0)  }
0x284: {  	vm9 =	vlt.s32 v8, $0xCCC;
	(xrf0) =	vadd.scan.msk.s32 $0xffff, v61;
	(v2sf) =	vpush v9, $0xF;
	v9 =	vsub.s32 v12, v16  }
0x285: {  	vm0 =	vmand vm8, vm9;
	vm10 =	vgt.s32 v12, $0xCCB;
	vm3 =	vlt.s32 v9, $0xCCC;
	v11, _, _ =	vpop (xrf0);
	(xrf0) =	vadd.scan.msk.s32 $0xffff, v10  }
0x286: {  	v15 =	vsub.s32 v3, v15;
	v5 =	vnsel vm0, $0x0, v5;
	vm11 =	vmand vm10, vm3;
	(xrf0) =	vadd.scan.msk.s32 $0xffff, v6  }
0x287: {  	v12 =	vperm.xlane v14, v2;
	(v2sf) =	vpush v11, $0xF;
	v11, _, _ =	vpop (xrf0);
	v14 =	vnsel vm11, $0x0, v15;
	(xrf0) =	vadd.scan.msk.s32 $0xffff, v5  }
0x288: {  	v8 =	vnsel vm0, $0x0, v8;
	s12 =	spop (v2sf);
	(v2sf) =	vpush v11, $0xF;
	v11, _, _ =	vpop (xrf0);
	v9 =	vnsel vm11, $0x0, v9;
	(xrf0) =	vadd.scan.msk.s32 $0xffff, v14  }
0x289: {  	s13 =	sadd.s32 s1, s12;
	s18 =	spop (v2sf);
	(v2sf) =	vpush v11, $0xF;
	v11, _, _ =	vpop (xrf0);
	(xrf0) =	vadd.scan.msk.s32 $0xffff, v9  }
0x28a: {  	s25 =	simm.s32 $0x50;
	s1 =	sadd.s32 s13, s18;
	v16, _, _ =	vpop (xrf0);
	(xrf0) =	vadd.scan.msk.s32 $0xffff, v8  }
0x28b: {  	v17 =	vmov s25;
	v14 =	vadd.s32 s1, v11;
	v8, _, _ =	vpop (xrf0)  }
0x28c: {  	s23 =	simm.s32 $0x10350;
	s24 =	simm.s32 $0x40;
	v15 =	vsub.s32 v3, v17;
	(v2sf) =	vpush v20, $0xF;
	v21, _, _ =	vpop (xrf0)  }
0x28d: {  	v9 =	vld [tilespmem:s23+$0x0];
	v11 =	vmov s24;
	v16 =	vadd.s32 s13, v16;
	(v2sf) =	vpush v8, $0xF;
	v8, _, _ =	vpop (xrf0)  }
0x28e: {  	v17 =	vld [tilespmem:s23+$0xFFFFFFF0];
	v18 =	vsub.s32 v14, v18;
	vm13 =	vgt.s32 v14, $0xCCB;
	v14, _, _ =	vpop (xrf0);
	(v2sf) =	vpush v8, $0xF  }
0x28f: {  	s30 =	spop (v2sf);
	v62 =	vsub.s32 v3, v11;
	v11 =	vperm.xlane v13, v2;
	(xrf0) =	vadd.scan.msk.s32 $0xffff, v12;
	(v2sf) =	vpush v14, $0xF;
	v14, _, _ =	vpop (xrf0)  }
0x290: {  	v13 =	vsub.s32 v16, v61;
	(v2sf) =	vpush v14, $0xF;
	v14, _, _ =	vpop (xrf0)  }
0x291: {  	vm12 =	vgt.s32 v16, $0xCCB;
	vm14 =	vlt.s32 v18, $0xCCC;
	(xrf0) =	vadd.scan.msk.s32 $0xffff, v11;
	s31 =	spop (v2sf);
	(v2sf) =	vpush v14, $0xF  }
0x292: {  	s2 =	simm.s32 $0x70;
	vm15 =	vlt.s32 v13, $0xCCC;
	vm1 =	vmand vm13, vm14;
	(xrf0) =	vadd.scan.msk.s32 $0xffff, v9;
	(v2sf) =	vpush v21, $0xF  }
0x293: {  	s28 =	simm.s32 $0x60;
	s25 =	simm.s32 $0xB0;
	s0 =	simm.s32 $0xA;
	vm0 =	vmand vm12, vm15;
	v15 =	vnsel vm1, $0x0, v15;
	(xrf0) =	vadd.scan.msk.s32 $0xffff, v17  }
0x294: {  	s5 =	simm.s32 $0x90;
	v7 =	vmov s2;
	s26 =	simm.s32 $0x80;
	v6 =	vperm.xlane v6, v2;
	s18 =	sadd.s32 s1, s30;
	v16 =	vnsel vm0, $0x0, v62;
	(xrf0) =	vadd.scan.msk.s32 $0xffff, v15  }
0x295: {  	s12 =	simm.s32 $0xC0;
	v5 =	vmov s5;
	s24 =	simm.s32 $0xA0;
	v8 =	vmov s25;
	v63 =	vnsel vm0, $0x0, v13;
	s29 =	sadd.s32 s18, s31;
	v14, _, _ =	vpop (xrf0);
	(xrf0) =	vadd.scan.msk.s32 $0xffff, v16  }
0x296: {  	s23 =	simm.s32 $0x0;
	s1 =	simm.s32 $0x10330;
	v13 =	vperm.xlane v17, v2;
	v15 =	vnsel vm1, $0x0, v18;
	v14 =	vadd.s32 s29, v14;
	(xrf0) =	vadd.scan.msk.s32 $0xffff, v63;
	s25 =	spop (v2sf)  }
.LBB2_28:
0x297: {  	s2 =	sadd.s32 $0x10, s12;
	s0 =	sadd.s32 $0x2, s0;
	v17 =	vmov s28;
	v18 =	vsub.s32 v3, v7;
	s4 =	spop (v2sf)  }
0x298: {  	v16 =	vld [tilespmem:s1+$0x0];
	v19, _, _ =	vpop (xrf0);
	(xrf0) =	vadd.scan.msk.s32 $0xffff, v15;
	v7 =	vmov v5;
	v5 =	vmov v8;
	v20 =	vmov v13;
	s28 =	smov.u32 s26;
	s26 =	smov.u32 s24;
	s24 =	smov.u32 s12  }
0x299: {  	v13 =	vld [tilespmem:s1+$0xFFFFFFF0];
	v8 =	vmov s2;
	p0 =	slt.u32 s0, $0x3E;
	v15, _, _ =	vpop (xrf0);
	v19 =	vadd.s32 s18, v19;
	v17 =	vsub.s32 v3, v17;
	s2 =	sadd.s32 s22, s4;
	s4 =	spop (v2sf)  }
0x29a: {  	(v2sf) =	vpush v15, $0xF;
	v21, _, _ =	vpop (xrf0);
	(xrf0) =	vadd.scan.msk.s32 $0xffff, v6;
	v22 =	vsub.s32 v19, v11;
	v11 =	vperm.xlane v10, v2;
	s4 =	sadd.s32 s23, s4;
	s22 =	sadd.s32 s25, s2;
	s2 =	spop (v2sf)  }
0x29b: {  	vm0 =	vgt.s32 v19, $0xCCB;
	v10 =	vsub.s32 v14, v12;
	vm1 =	vlt.s32 v22, $0xCCC;
	s5 =	spop (v2sf);
	v12, _, _ =	vpop (xrf0);
	s23 =	sadd.s32 s2, s4  }
0x29c: {  	vm2 =	vgt.s32 v14, $0xCCB;
	vm3 =	vlt.s32 v10, $0xCCC;
	(xrf0) =	vadd.scan.msk.s32 $0xffff, v11;
	s18 =	sadd.s32 s29, s5;
	v14, _, _ =	vpop (xrf0);
	(v2sf) =	vpush v12, $0xF  }
.Ltmp15:
0x29d: {  	vm0 =	vmand vm0, vm1;
	vm1 =	vmand vm2, vm3;
	(xrf0) =	vadd.scan.msk.s32 $0xffff, v16;
	(v2sf) =	vpush v14, $0xF;
	v12, _, _ =	vpop (xrf0);
	(pc) =	sbr.rel @p0 .LBB2_28-.Ltmp15, $4  }
0x29e: {  	v18 =	vnsel vm1, $0x0, v18;
	v15 =	vnsel vm1, $0x0, v10;
	(xrf0) =	vadd.scan.msk.s32 $0xffff, v13;
	(v2sf) =	vpush v12, $0xF;
	v10, _, _ =	vpop (xrf0)  }
0x29f: {  	v19 =	vnsel vm0, $0x0, v17;
	v17 =	vnsel vm0, $0x0, v22;
	s2 =	spop (v2sf);
	(xrf0) =	vadd.scan.msk.s32 $0xffff, v18;
	(v2sf) =	vpush v10, $0xF;
	v10 =	vmovc v9  }
0x2a0: {  	v13 =	vperm.xlane v13, v2;
	v9 =	vmov v16;
	(v2sf) =	vpush v21, $0xF;
	s29 =	sadd.s32 s18, s2;
	v14, _, _ =	vpop (xrf0);
	(xrf0) =	vadd.scan.msk.s32 $0xffff, v19  }
0x2a1: {  	s12 =	sadd.s32 $0x20, s12;
	s1 =	sadd.s32 $0xFFFFFFE0, s1;
	v12 =	vmovc v6;
	v6 =	vmov v20;
	v14 =	vadd.s32 s29, v14;
	(xrf0) =	vadd.scan.msk.s32 $0xffff, v17;
	s25 =	spop (v2sf)  }
0x2a2: {  	v16, _, _ =	vpop (xrf0)  }
0x2a3: {  	v50 =	vmov s28;
	v17, _, _ =	vpop (xrf0)  }
0x2a4: {  	v7 =	vsub.s32 v3, v7;
	v12 =	vsub.s32 v14, v12;
	(v2sf) =	vpush v17, $0xF  }
0x2a5: {  	vm0 =	vgt.s32 v14, $0xCCB;
	v16 =	vadd.s32 s18, v16;
	vm1 =	vlt.s32 v12, $0xCCC  }
0x2a6: {  	v10 =	vperm.xlane v10, v2;
	(xrf0) =	vadd.scan.msk.s32 $0xffff, v15;
	v11 =	vsub.s32 v16, v11;
	vm0 =	vmand vm0, vm1  }
0x2a7: {  	(xrf0) =	vadd.scan.msk.s32 $0xffff, v6;
	vm2 =	vgt.s32 v16, $0xCCB;
	vm3 =	vlt.s32 v11, $0xCCC;
	v7 =	vnsel vm0, $0x0, v7  }
0x2a8: {  	s28 =	spop (v2sf);
	v51 =	vsub.s32 v3, v50;
	v52, _, _ =	vpop (xrf0);
	(xrf0) =	vadd.scan.msk.s32 $0xffff, v10;
	vm5 =	vmand vm2, vm3  }
0x2a9: {  	s0 =	spop (v2sf);
	v53, _, _ =	vpop (xrf0);
	(xrf0) =	vadd.scan.msk.s32 $0xffff, v7;
	v14 =	vnsel vm5, $0x0, v51  }
0x2aa: {  	s1 =	spop (v2sf);
	(v2sf) =	vpush v53, $0xF;
	v11 =	vnsel vm5, $0x0, v11;
	v7, _, _ =	vpop (xrf0);
	(xrf0) =	vadd.scan.msk.s32 $0xffff, v14  }
0x2ab: {  	s2 =	spop (v2sf);
	v12 =	vnsel vm0, $0x0, v12;
	(v2sf) =	vpush v7, $0xF;
	v7, _, _ =	vpop (xrf0);
	(xrf0) =	vadd.scan.msk.s32 $0xffff, v11  }
0x2ac: {  	v9 =	vperm.xlane v9, v2;
	s2 =	sadd.s32 s29, s2;
	s4 =	spop (v2sf);
	(v2sf) =	vpush v7, $0xF;
	v7, _, _ =	vpop (xrf0);
	(xrf0) =	vadd.scan.msk.s32 $0xffff, v12  }
0x2ad: {  	s4 =	sadd.s32 s2, s4;
	(v2sf) =	vpush v7, $0xF;
	v7, _, _ =	vpop (xrf0);
	(xrf0) =	vadd.scan.msk.s32 $0xffff, v13  }
0x2ae: {  	s12 =	spop (v2sf);
	v7 =	vadd.s32 s4, v7;
	v55, _, _ =	vpop (xrf0);
	(xrf0) =	vadd.scan.msk.s32 $0xffff, v9  }
0x2af: {  	v54 =	vmov s26;
	v5 =	vsub.s32 v3, v5;
	v60 =	vmov s24;
	s18 =	spop (v2sf);
	v56, _, _ =	vpop (xrf0)  }
0x2b0: {  	v11 =	vsub.s32 v3, v54;
	v12 =	vadd.s32 s2, v55;
	s26 =	spop (v2sf);
	v6 =	vsub.s32 v7, v6;
	v57, _, _ =	vpop (xrf0)  }
0x2b1: {  	vm8 =	vgt.s32 v7, $0xCCB;
	v10 =	vsub.s32 v12, v10;
	s29 =	spop (v2sf);
	vm9 =	vlt.s32 v6, $0xCCC;
	v7, _, _ =	vpop (xrf0)  }
0x2b2: {  	vm6 =	vgt.s32 v12, $0xCCB;
	vm7 =	vlt.s32 v10, $0xCCC;
	s13 =	spop (v2sf);
	vm10 =	vmand vm8, vm9;
	v58, _, _ =	vpop (xrf0)  }
0x2b3: {  	(v2sf) =	vpush v52, $0xF;
	s2 =	sadd.s32 s4, s13;
	vm0 =	vmand vm6, vm7;
	v5 =	vnsel vm10, $0x0, v5;
	v59, _, _ =	vpop (xrf0);
	s30 =	spop (v2sf)  }
0x2b4: {  	v6 =	vnsel vm10, $0x0, v6;
	v11 =	vnsel vm0, $0x0, v11;
	v10 =	vnsel vm0, $0x0, v10;
	v61, _, _ =	vpop (xrf0);
	s4 =	sadd.s32 s2, s30  }
0x2b5: {  	(xrf0) =	vadd.scan.msk.s32 $0xffff, v5;
	v5 =	vsub.s32 v3, v8;
	v62 =	vadd.s32 s2, v61;
	v15 =	vadd.s32 s4, v59  }
0x2b6: {  	(xrf0) =	vadd.scan.msk.s32 $0xffff, v11;
	v9 =	vsub.s32 v62, v9;
	vm13 =	vgt.s32 v62, $0xCCB;
	v63 =	vsub.s32 v15, v13  }
0x2b7: {  	(xrf0) =	vadd.scan.msk.s32 $0xffff, v10;
	vm14 =	vlt.s32 v9, $0xCCC;
	vm11 =	vgt.s32 v15, $0xCCB;
	vm12 =	vlt.s32 v63, $0xCCC  }
0x2b8: {  	(xrf0) =	vadd.scan.msk.s32 $0xffff, v6;
	v6 =	vsub.s32 v3, v60;
	vm15 =	vmand vm13, vm14;
	vm0 =	vmand vm11, vm12  }
0x2b9: {  	(v2sf) =	vpush v56, $0xF;
	v6 =	vnsel vm15, $0x0, v6;
	v5 =	vnsel vm0, $0x0, v5  }
0x2ba: {  	(v2sf) =	vpush v57, $0xF;
	(xrf0) =	vadd.scan.msk.s32 $0xffff, v5;
	v5 =	vnsel vm15, $0x0, v9  }
0x2bb: {  	(v2sf) =	vpush v7, $0xF;
	(xrf0) =	vadd.scan.msk.s32 $0xffff, v6  }
0x2bc: {  	(v2sf) =	vpush v58, $0xF;
	v6, _, _ =	vpop (xrf0);
	(xrf0) =	vadd.scan.msk.s32 $0xffff, v5  }
0x2bd: {  	(v2sf) =	vpush v6, $0xF;
	v5, _, _ =	vpop (xrf0)  }
0x2be: {  	v7 =	vnsel vm0, $0x0, v63;
	(v2sf) =	vpush v5, $0xF;
	v5, _, _ =	vpop (xrf0)  }
0x2bf: {  	(xrf0) =	vadd.scan.msk.s32 $0xffff, v7;
	(v2sf) =	vpush v5, $0xF;
	v5, _, _ =	vpop (xrf0)  }
0x2c0: {  	(v2sf) =	vpush v5, $0xF;
	v5, _, _ =	vpop (xrf0)  }
0x2c1: {  	v6, _, _ =	vpop (xrf0);
	(v2sf) =	vpush v5, $0xF  }
0x2c2: {  	(v2sf) =	vpush v6, $0xF;
	v5, _, _ =	vpop (xrf0)  }
0x2c3: {  	s2 =	spop (v2sf);
	(v2sf) =	vpush v5, $0xF  }
0x2c4: {  	s4 =	spop (v2sf)  }
0x2c5: {  	s5 =	spop (v2sf);
	v5, _, _ =	vpop (xrf0)  }
0x2c6: {  	s13 =	spop (v2sf);
	(v2sf) =	vpush v5, $0xF  }
0x2c7: {  	s31 =	spop (v2sf)  }
0x2c8: {  	s24 =	spop (v2sf)  }
0x2c9: {  	s22 =	sadd.s32 s22, s28;
	s0 =	sadd.s32 s23, s0;
	s23 =	spop (v2sf)  }
0x2ca: {  	s22 =	sadd.s32 s25, s22;
	s0 =	sadd.s32 s1, s0;
	s28 =	spop (v2sf)  }
0x2cb: {  	s18 =	sadd.s32 s22, s18;
	s0 =	sadd.s32 s0, s26;
	s30 =	spop (v2sf)  }
0x2cc: {  	s12 =	sadd.s32 s12, s18;
	s0 =	sadd.s32 s29, s0;
	s31 =	spop (v2sf)  }
0x2cd: {  	s4 =	sadd.s32 s12, s4;
	s0 =	sadd.s32 s0, s5;
	s12 =	spop (v2sf)  }
0x2ce: {  	p0 =	por $0x1, $0x1;
	s0 =	sadd.s32 s13, s0;
	s25 =	spop (v2sf)  }
0x2cf: {  	s2 =	sadd.s32 s2, s4;
	s0 =	sadd.s32 s0, s28;
	s26 =	spop (v2sf)  }
0x2d0: {  	s2 =	sadd.s32 s2, s23;
	s0 =	sadd.s32 s30, s0;
	s28 =	spop (v2sf)  }
0x2d1: {  	s2 =	sadd.s32 s24, s2;
	s0 =	sadd.s32 s0, s25;
	s29 =	spop (v2sf)  }
.Ltmp16:
0x2d2: {  	s0 =	sadd.s32 s26, s0;
	s30 =	spop (v2sf);
	(pc) =	sbr.rel @!p0 .LBB2_31-.Ltmp16, $4  }
0x2d3: {  	s2 =	sadd.s32 s2, s12;
	s1 =	sadd.s32 s0, s30;
	s0 =	simm.s32 $0x10020  }
0x2d4: {  	s2 =	sadd.s32 s31, s2;
	[tilespmem:s0+$0xFFFFFFE0] =	vst v0  }
0x2d5: {  	s2 =	sadd.s32 s2, s29;
	s31 =	spop (v2sf);
	[tilespmem:s0+$0x10] =	vst v0  }
0x2d6: {  	s22 =	sadd.s32 s28, s2;
	s23 =	sadd.s32 s31, s1;
	s1 =	simm.s32 $0x0;
	[tilespmem:s0+$0x0] =	vst v0  }
.LBB2_30:
0x2d7: {  	s1 =	sadd.s32 $0x4, s1  }
0x2d8: {  	[tilespmem:s0+$0xFFFFFFF0] =	vst v0;
	s0 =	sadd.s32 $0x40, s0;
	p0 =	slt.u32 s1, $0x7C  }
.Ltmp17:
0x2d9: {  	[tilespmem:s0+$0xFFFFFFE0] =	vst v0;
	(pc) =	sbr.rel @p0 .LBB2_30-.Ltmp17, $3  }
0x2da: {  	_ =	sdelay $0x1  }
0x2db: {  	[tilespmem:s0+$0x10] =	vst v0  }
0x2dc: {  	[tilespmem:s0+$0x0] =	vst v0  }
.LBB2_31:
0x2dd: {  	[tilespmem:s0+$0xFFFFFFF0] =	vst v0;
	s1 =	simm.s32 $0x8040  }
0x2de: {  	v7 =	vld [tilespmem:s1+$0xFFFFFFD0];
	_ =	sdelay $0x1  }
0x2df: {  	v9 =	vld [tilespmem:s1+$0x10]  }
0x2e0: {  	v8 =	vld [tilespmem:s1+$0x30]  }
0x2e1: {  	v11 =	vld [tilespmem:s1+$0xFFFFFFF0]  }
0x2e2: {  	v12 =	vshrl.u32 v7, $0xA;
	v7 =	vshrl.u32 v7, $0x15  }
0x2e3: {  	v5 =	vmov s22;
	v6 =	vld [tilespmem:s1+$0x20];
	v7 =	vand.u32 $0x3FF, v7  }
0x2e4: {  	vm0 =	veq.s32 v7, v5;
	v7 =	vshrl.u32 v9, $0x15  }
0x2e5: {  	v10 =	vshrl.u32 v8, $0x15;
	v13 =	vshrl.u32 v9, $0xA;
	v9 =	vld [tilespmem:s1+$0xFFFFFFE0];
	v7 =	vand.u32 $0x3FF, v7  }
0x2e6: {  	v8 =	vshrl.u32 v8, $0xA;
	v14 =	vshrl.u32 v11, $0x15;
	vm3 =	veq.s32 v7, v5  }
0x2e7: {  	v15 =	vshrl.u32 v11, $0xA;
	v14 =	vand.u32 $0x3FF, v14;
	v11 =	vand.u32 $0x7FF, v13  }
0x2e8: {  	v16 =	vshrl.u32 v6, $0x15;
	v10 =	vand.u32 $0x3FF, v10;
	vm1 =	veq.s32 v14, v5;
	v14 =	vld [tilespmem:s1+$0x0]  }
0x2e9: {  	s0 =	simm.s32 $0x0;
	v13 =	vld [tilespmem:s1+$0xFFFFFFC0];
	s1 =	simm.s32 $0x80C0;
	v7 =	vand.u32 $0x7FF, v12;
	v12 =	vand.u32 $0x7FF, v15;
	v15 =	vand.u32 $0x3FF, v16  }
.LBB2_32:
0x2ea: {  	v16 =	vld [tilespmem:s1+$0xFFFFFFD0];
	s0 =	sadd.s32 $0x8, s0;
	v17 =	vshrl.u32 v9, $0x15;
	v18 =	vshrl.u32 v6, $0xA;
	vm2 =	veq.s32 v15, v5  }
0x2eb: {  	vm5 =	veq.s32 v10, v5;
	v6 =	vld [tilespmem:s1+$0x20];
	p0 =	slt.u32 s0, $0x7F8;
	v15 =	vand.u32 $0x3FF, v17;
	v17 =	vand.u32 $0x7FF, v18  }
0x2ec: {  	v9 =	vshrl.u32 v9, $0xA;
	v8 =	vand.u32 $0x7FF, v8;
	vm4 =	veq.s32 v15, v5;
	[tilespmem:v11+s15+$0x0] =	vst.idx.add.s32.msk vm3, v1  }
0x2ed: {  	v11 =	vand.u32 $0x7FF, v9;
	v10 =	vld [tilespmem:s1+$0x30];
	v9 =	vshrl.u32 v14, $0xA;
	v14 =	vshrl.u32 v14, $0x15  }
0x2ee: {  	v15 =	vshrl.u32 v13, $0xA;
	v13 =	vshrl.u32 v13, $0x15;
	[tilespmem:v12+s15+$0x0] =	vst.idx.add.s32.msk vm1, v1;
	v12 =	vand.u32 $0x3FF, v14  }
0x2ef: {  	v18 =	vshrl.u32 v16, $0xA;
	v14 =	vld [tilespmem:s1+$0x10];
	v13 =	vand.u32 $0x3FF, v13;
	vm1 =	veq.s32 v12, v5  }
0x2f0: {  	v12 =	vld [tilespmem:s1+$0xFFFFFFF0];
	vm6 =	veq.s32 v13, v5;
	v13 =	vand.u32 $0x7FF, v9  }
0x2f1: {  	v15 =	vand.u32 $0x7FF, v15;
	[tilespmem:v8+s15+$0x0] =	vst.idx.add.s32.msk vm5, v1  }
0x2f2: {  	v8 =	vshrl.u32 v16, $0x15;
	v9 =	vld [tilespmem:s1+$0xFFFFFFE0];
	v16 =	vshrl.u32 v10, $0x15  }
0x2f3: {  	v19 =	vand.u32 $0x3FF, v8;
	v8 =	vshrl.u32 v10, $0xA;
	v10 =	vand.u32 $0x3FF, v16;
	[tilespmem:v7+s15+$0x0] =	vst.idx.add.s32.msk vm0, v1  }
0x2f4: {  	vm0 =	veq.s32 v19, v5;
	v7 =	vshrl.u32 v14, $0xA;
	v14 =	vshrl.u32 v14, $0x15;
	[tilespmem:v11+s15+$0x0] =	vst.idx.add.s32.msk vm4, v1  }
.Ltmp18:
0x2f5: {  	v16 =	vshrl.u32 v12, $0xA;
	v11 =	vshrl.u32 v12, $0x15;
	v12 =	vand.u32 $0x3FF, v14;
	[tilespmem:v13+s15+$0x0] =	vst.idx.add.s32.msk vm1, v1;
	(pc) =	sbr.rel @p0 .LBB2_32-.Ltmp18, $4  }
0x2f6: {  	v13 =	vand.u32 $0x3FF, v11;
	vm3 =	veq.s32 v12, v5;
	[tilespmem:v15+s15+$0x0] =	vst.idx.add.s32.msk vm6, v1  }
0x2f7: {  	v11 =	vand.u32 $0x7FF, v7;
	[tilespmem:v17+s15+$0x0] =	vst.idx.add.s32.msk vm2, v1  }
0x2f8: {  	v15 =	vshrl.u32 v6, $0x15;
	vm1 =	veq.s32 v13, v5;
	v14 =	vld [tilespmem:s1+$0x0]  }
0x2f9: {  	v7 =	vand.u32 $0x7FF, v18;
	v12 =	vand.u32 $0x7FF, v16;
	v15 =	vand.u32 $0x3FF, v15;
	v13 =	vld [tilespmem:s1+$0xFFFFFFC0];
	s1 =	sadd.s32 $0x80, s1  }
0x2fa: {  	v16 =	vshrl.u32 v9, $0x15  }
0x2fb: {  	vm2 =	veq.s32 v10, v5;
	v9 =	vshrl.u32 v9, $0xA;
	v8 =	vand.u32 $0x7FF, v8  }
0x2fc: {  	v6 =	vshrl.u32 v6, $0xA;
	vm14 =	veq.s32 v15, v5;
	v16 =	vand.u32 $0x3FF, v16  }
0x2fd: {  	v9 =	vand.u32 $0x7FF, v9;
	v6 =	vand.u32 $0x7FF, v6;
	v10 =	vshrl.u32 v14, $0x15  }
0x2fe: {  	vm4 =	veq.s32 v16, v5;
	v16 =	vshrl.u32 v13, $0x15;
	v10 =	vand.u32 $0x3FF, v10  }
0x2ff: {  	[tilespmem:v11+s15+$0x0] =	vst.idx.add.s32.msk vm3, v1;
	v14 =	vshrl.u32 v14, $0xA;
	v16 =	vand.u32 $0x3FF, v16;
	vm5 =	veq.s32 v10, v5  }
0x300: {  	[tilespmem:v12+s15+$0x0] =	vst.idx.add.s32.msk vm1, v1;
	v11 =	vand.u32 $0x7FF, v14;
	v10 =	vshrl.u32 v13, $0xA;
	vm13 =	veq.s32 v16, v5  }
0x301: {  	[tilespmem:v7+s15+$0x0] =	vst.idx.add.s32.msk vm0, v1;
	v5 =	vand.u32 $0x7FF, v10  }
0x302: {  	[tilespmem:v8+s15+$0x0] =	vst.idx.add.s32.msk vm2, v1  }
0x303: {  	[tilespmem:v6+s15+$0x0] =	vst.idx.add.s32.msk vm14, v1  }
0x304: {  	[tilespmem:v9+s15+$0x0] =	vst.idx.add.s32.msk vm4, v1  }
0x305: {  	[tilespmem:v11+s15+$0x0] =	vst.idx.add.s32.msk vm5, v1  }
0x306: {  	s0 =	simm.s32 $0x107F0;
	[tilespmem:v5+s15+$0x0] =	vst.idx.add.s32.msk vm13, v1  }
0x307: {  	v6 =	vld [tilespmem:s0+$0x0];
	_ =	sdelay $0x4  }
0x308: {  	(xrf0) =	vadd.scan.msk.s32 $0xffff, v6;
	_ =	sdelay $0x2  }
0x309: {  	s4 =	simm.s32 $0x107D0;
	v7 =	vld [tilespmem:s0+$0xFFFFFFF0]  }
0x30a: {  	v8 =	vld [tilespmem:s4+$0x0];
	_ =	sdelay $0x1  }
0x30b: {  	v9, _, _ =	vpop (xrf0)  }
0x30c: {  	(v2sf) =	vpush v9, $0xF  }
0x30d: {  	(xrf0) =	vadd.scan.msk.s32 $0xffff, v7  }
0x30e: {  	(xrf0) =	vadd.scan.msk.s32 $0xffff, v8  }
0x30f: {  	v9 =	vld [tilespmem:s4+$0xFFFFFFF0];
	_ =	sdelay $0x1  }
0x310: {  	s5 =	simm.s32 $0x107B0  }
0x311: {  	v10 =	vld [tilespmem:s5+$0x0]  }
0x312: {  	v7 =	vperm.xlane v7, v2;
	v11, _, _ =	vpop (xrf0)  }
0x313: {  	v6 =	vperm.xlane v6, v2;
	(v2sf) =	vpush v11, $0xF;
	v11, _, _ =	vpop (xrf0);
	(xrf0) =	vadd.scan.msk.s32 $0xffff, v9  }
0x314: {  	(v2sf) =	vpush v11, $0xF;
	(xrf0) =	vadd.scan.msk.s32 $0xffff, v7  }
0x315: {  	(xrf0) =	vadd.scan.msk.s32 $0xffff, v6  }
0x316: {  	(xrf0) =	vadd.scan.msk.s32 $0xffff, v10  }
0x317: {  	v11 =	vld [tilespmem:s5+$0xFFFFFFF0];
	_ =	sdelay $0x1  }
0x318: {  	s12 =	simm.s32 $0x10790;
	v12, _, _ =	vpop (xrf0)  }
0x319: {  	s23 =	ssub.s32 $0xCCC, s23;
	v14 =	vld [tilespmem:s12+$0x0];
	v13, _, _ =	vpop (xrf0);
	s1 =	spop (v2sf)  }
0x31a: {  	s13 =	simm.s32 $0x10;
	v5 =	vmov s23;
	v15 =	vld [tilespmem:s12+$0xFFFFFFF0];
	v17 =	vperm.xlane v8, v2;
	v9 =	vperm.xlane v9, v2;
	v16, _, _ =	vpop (xrf0);
	s1 =	sadd.s32 $0x0, s1  }
0x31b: {  	v8 =	vmov s13;
	(xrf0) =	vadd.scan.msk.s32 $0xffff, v11;
	(v2sf) =	vpush v12, $0xF;
	v12, _, _ =	vpop (xrf0);
	v13 =	vadd.s32 s1, v13  }
0x31c: {  	s24 =	simm.s32 $0x0;
	v8 =	vsub.s32 v4, v8;
	(xrf0) =	vadd.scan.msk.s32 $0xffff, v9;
	(v2sf) =	vpush v12, $0xF;
	v7 =	vsub.s32 v13, v7  }
0x31d: {  	(xrf0) =	vadd.scan.msk.s32 $0xffff, v17;
	v12 =	vadd.s32 s24, v16;
	vm15 =	vge.s32 v13, v5;
	vm4 =	vlt.s32 v7, v5  }
0x31e: {  	(xrf0) =	vadd.scan.msk.s32 $0xffff, v14;
	v6 =	vsub.s32 v12, v6;
	vm5 =	vge.s32 v12, v5;
	vm0 =	vmand vm15, vm4  }
0x31f: {  	(xrf0) =	vadd.scan.msk.s32 $0xffff, v15;
	vm6 =	vlt.s32 v6, v5;
	v13 =	vmov s24;
	v8 =	vnsel vm0, $0x0, v8  }
0x320: {  	vm1 =	vmand vm5, vm6;
	(xrf0) =	vadd.scan.msk.s32 $0xffff, v8;
	v8 =	vsub.s32 v4, v13  }
0x321: {  	s25 =	simm.s32 $0x50;
	s4 =	spop (v2sf);
	v12, _, _ =	vpop (xrf0);
	v6 =	vnsel vm1, $0x0, v6;
	v8 =	vnsel vm1, $0x0, v8  }
0x322: {  	v18 =	vmov s25;
	s13 =	simm.s32 $0x10770;
	s26 =	sadd.s32 s1, s4;
	s12 =	spop (v2sf);
	v16, _, _ =	vpop (xrf0);
	(xrf0) =	vadd.scan.msk.s32 $0xffff, v8  }
0x323: {  	s5 =	simm.s32 $0x20;
	v19 =	vperm.xlane v11, v2;
	v11 =	vld [tilespmem:s13+$0x0];
	s1 =	sadd.s32 s26, s12;
	(v2sf) =	vpush v12, $0xF;
	v20, _, _ =	vpop (xrf0);
	v7 =	vnsel vm0, $0x0, v7;
	(xrf0) =	vadd.scan.msk.s32 $0xffff, v6  }
0x324: {  	s18 =	simm.s32 $0x30;
	v62 =	vperm.xlane v10, v2;
	v12 =	vadd.s32 s1, v16;
	v16 =	vmov s5;
	v6, _, _ =	vpop (xrf0);
	(xrf0) =	vadd.scan.msk.s32 $0xffff, v7;
	v7 =	vld [tilespmem:s13+$0xFFFFFFF0]  }
0x325: {  	v13 =	vmov s18;
	v9 =	vsub.s32 v12, v9;
	(v2sf) =	vpush v6, $0xF;
	v21, _, _ =	vpop (xrf0)  }
0x326: {  	vm7 =	vge.s32 v12, v5;
	v6 =	vsub.s32 v4, v13;
	v13 =	vadd.s32 s26, v20;
	(xrf0) =	vadd.scan.msk.s32 $0xffff, v19;
	v10, _, _ =	vpop (xrf0)  }
0x327: {  	vm8 =	vlt.s32 v9, v5;
	(xrf0) =	vadd.scan.msk.s32 $0xffff, v62;
	(v2sf) =	vpush v10, $0xF;
	v10 =	vsub.s32 v13, v17  }
0x328: {  	vm0 =	vmand vm7, vm8;
	vm9 =	vge.s32 v13, v5;
	vm10 =	vlt.s32 v10, v5;
	v12, _, _ =	vpop (xrf0);
	(xrf0) =	vadd.scan.msk.s32 $0xffff, v11  }
0x329: {  	v16 =	vsub.s32 v4, v16;
	v6 =	vnsel vm0, $0x0, v6;
	vm11 =	vmand vm9, vm10;
	(xrf0) =	vadd.scan.msk.s32 $0xffff, v7  }
0x32a: {  	v13 =	vperm.xlane v15, v2;
	(v2sf) =	vpush v12, $0xF;
	v12, _, _ =	vpop (xrf0);
	v15 =	vnsel vm11, $0x0, v16;
	(xrf0) =	vadd.scan.msk.s32 $0xffff, v6  }
0x32b: {  	v9 =	vnsel vm0, $0x0, v9;
	s25 =	spop (v2sf);
	(v2sf) =	vpush v12, $0xF;
	v12, _, _ =	vpop (xrf0);
	v10 =	vnsel vm11, $0x0, v10;
	(xrf0) =	vadd.scan.msk.s32 $0xffff, v15  }
0x32c: {  	s26 =	sadd.s32 s1, s25;
	s4 =	spop (v2sf);
	(v2sf) =	vpush v12, $0xF;
	v12, _, _ =	vpop (xrf0);
	(xrf0) =	vadd.scan.msk.s32 $0xffff, v10  }
0x32d: {  	s1 =	sadd.s32 s26, s4;
	v17, _, _ =	vpop (xrf0);
	(xrf0) =	vadd.scan.msk.s32 $0xffff, v9  }
0x32e: {  	s18 =	simm.s32 $0x90;
	v15 =	vadd.s32 s1, v12;
	v9, _, _ =	vpop (xrf0)  }
0x32f: {  	s12 =	simm.s32 $0x40;
	s5 =	simm.s32 $0x10750;
	v6 =	vmov s18;
	v16 =	vsub.s32 v4, v18;
	(v2sf) =	vpush v21, $0xF;
	v22, _, _ =	vpop (xrf0)  }
0x330: {  	v10 =	vld [tilespmem:s5+$0x0];
	v12 =	vmov s12;
	v17 =	vadd.s32 s26, v17;
	(v2sf) =	vpush v9, $0xF;
	v9, _, _ =	vpop (xrf0)  }
0x331: {  	v18 =	vld [tilespmem:s5+$0xFFFFFFF0];
	v19 =	vsub.s32 v15, v19;
	vm13 =	vge.s32 v15, v5;
	v15, _, _ =	vpop (xrf0);
	(v2sf) =	vpush v9, $0xF  }
0x332: {  	s18 =	spop (v2sf);
	v63 =	vsub.s32 v4, v12;
	v12 =	vperm.xlane v14, v2;
	(xrf0) =	vadd.scan.msk.s32 $0xffff, v13;
	(v2sf) =	vpush v15, $0xF;
	v15, _, _ =	vpop (xrf0)  }
0x333: {  	v14 =	vsub.s32 v17, v62;
	(v2sf) =	vpush v15, $0xF;
	v15, _, _ =	vpop (xrf0)  }
0x334: {  	vm12 =	vge.s32 v17, v5;
	vm14 =	vlt.s32 v19, v5;
	(xrf0) =	vadd.scan.msk.s32 $0xffff, v12;
	s25 =	spop (v2sf);
	(v2sf) =	vpush v15, $0xF  }
0x335: {  	vm15 =	vlt.s32 v14, v5;
	vm1 =	vmand vm13, vm14;
	(xrf0) =	vadd.scan.msk.s32 $0xffff, v10;
	(v2sf) =	vpush v22, $0xF  }
0x336: {  	s2 =	simm.s32 $0x70;
	s30 =	simm.s32 $0x60;
	s29 =	simm.s32 $0x80;
	vm0 =	vmand vm12, vm15;
	v16 =	vnsel vm1, $0x0, v16;
	(xrf0) =	vadd.scan.msk.s32 $0xffff, v18  }
0x337: {  	s0 =	simm.s32 $0xA;
	v8 =	vmov s2;
	s13 =	simm.s32 $0xB0;
	s18 =	sadd.s32 s1, s18;
	v17 =	vnsel vm0, $0x0, v63;
	(xrf0) =	vadd.scan.msk.s32 $0xffff, v16  }
0x338: {  	v7 =	vperm.xlane v7, v2;
	s12 =	simm.s32 $0xC0;
	s26 =	simm.s32 $0xA0;
	v16 =	vnsel vm1, $0x0, v19;
	v19 =	vnsel vm0, $0x0, v14;
	s31 =	sadd.s32 s18, s25;
	v15, _, _ =	vpop (xrf0);
	(xrf0) =	vadd.scan.msk.s32 $0xffff, v17  }
0x339: {  	s1 =	simm.s32 $0x10730;
	v9 =	vmov s13;
	v14 =	vperm.xlane v18, v2;
	s25 =	simm.s32 $0x0;
	v15 =	vadd.s32 s31, v15;
	(xrf0) =	vadd.scan.msk.s32 $0xffff, v19;
	s28 =	spop (v2sf)  }
.LBB2_34:
0x33a: {  	s2 =	sadd.s32 $0x10, s12;
	s0 =	sadd.s32 $0x2, s0;
	v18 =	vmov s30;
	v19 =	vsub.s32 v4, v8;
	s4 =	spop (v2sf)  }
0x33b: {  	v17 =	vld [tilespmem:s1+$0x0];
	v20, _, _ =	vpop (xrf0);
	(xrf0) =	vadd.scan.msk.s32 $0xffff, v16;
	v8 =	vmov v6;
	v6 =	vmov v9;
	v21 =	vmov v14;
	s30 =	smov.u32 s29;
	s29 =	smov.u32 s26;
	s26 =	smov.u32 s12  }
0x33c: {  	v14 =	vld [tilespmem:s1+$0xFFFFFFF0];
	v9 =	vmov s2;
	p0 =	slt.u32 s0, $0x7E;
	v16, _, _ =	vpop (xrf0);
	v20 =	vadd.s32 s18, v20;
	v18 =	vsub.s32 v4, v18;
	s2 =	sadd.s32 s24, s4;
	s4 =	spop (v2sf)  }
0x33d: {  	(v2sf) =	vpush v16, $0xF;
	v22, _, _ =	vpop (xrf0);
	(xrf0) =	vadd.scan.msk.s32 $0xffff, v7;
	v23 =	vsub.s32 v20, v12;
	v12 =	vperm.xlane v11, v2;
	s4 =	sadd.s32 s25, s4;
	s24 =	sadd.s32 s28, s2;
	s2 =	spop (v2sf)  }
0x33e: {  	vm0 =	vge.s32 v20, v5;
	v11 =	vsub.s32 v15, v13;
	vm1 =	vlt.s32 v23, v5;
	s5 =	spop (v2sf);
	v13, _, _ =	vpop (xrf0);
	s25 =	sadd.s32 s2, s4  }
0x33f: {  	vm2 =	vge.s32 v15, v5;
	vm3 =	vlt.s32 v11, v5;
	(xrf0) =	vadd.scan.msk.s32 $0xffff, v12;
	s18 =	sadd.s32 s31, s5;
	v15, _, _ =	vpop (xrf0);
	(v2sf) =	vpush v13, $0xF  }
.Ltmp19:
0x340: {  	vm0 =	vmand vm0, vm1;
	vm1 =	vmand vm2, vm3;
	(xrf0) =	vadd.scan.msk.s32 $0xffff, v17;
	(v2sf) =	vpush v15, $0xF;
	v13, _, _ =	vpop (xrf0);
	(pc) =	sbr.rel @p0 .LBB2_34-.Ltmp19, $4  }
0x341: {  	v19 =	vnsel vm1, $0x0, v19;
	v16 =	vnsel vm1, $0x0, v11;
	(xrf0) =	vadd.scan.msk.s32 $0xffff, v14;
	(v2sf) =	vpush v13, $0xF;
	v11, _, _ =	vpop (xrf0)  }
0x342: {  	v20 =	vnsel vm0, $0x0, v18;
	v18 =	vnsel vm0, $0x0, v23;
	s2 =	spop (v2sf);
	(xrf0) =	vadd.scan.msk.s32 $0xffff, v19;
	(v2sf) =	vpush v11, $0xF;
	v11 =	vmovc v10  }
0x343: {  	v14 =	vperm.xlane v14, v2;
	v10 =	vmov v17;
	(v2sf) =	vpush v22, $0xF;
	s31 =	sadd.s32 s18, s2;
	v15, _, _ =	vpop (xrf0);
	(xrf0) =	vadd.scan.msk.s32 $0xffff, v20  }
0x344: {  	s12 =	sadd.s32 $0x20, s12;
	s1 =	sadd.s32 $0xFFFFFFE0, s1;
	v13 =	vmovc v7;
	v7 =	vmov v21;
	v15 =	vadd.s32 s31, v15;
	(xrf0) =	vadd.scan.msk.s32 $0xffff, v18;
	s28 =	spop (v2sf)  }
0x345: {  	v17, _, _ =	vpop (xrf0)  }
0x346: {  	v18, _, _ =	vpop (xrf0)  }
0x347: {  	v45 =	vmov s30;
	v8 =	vsub.s32 v4, v8;
	(v2sf) =	vpush v18, $0xF  }
0x348: {  	v11 =	vperm.xlane v11, v2;
	v13 =	vsub.s32 v15, v13;
	v17 =	vadd.s32 s18, v17  }
0x349: {  	(xrf0) =	vadd.scan.msk.s32 $0xffff, v16;
	vm0 =	vge.s32 v15, v5;
	vm1 =	vlt.s32 v13, v5;
	v12 =	vsub.s32 v17, v12  }
0x34a: {  	(xrf0) =	vadd.scan.msk.s32 $0xffff, v7;
	vm2 =	vge.s32 v17, v5;
	vm0 =	vmand vm0, vm1;
	vm3 =	vlt.s32 v12, v5  }
0x34b: {  	v46 =	vsub.s32 v4, v45;
	v47, _, _ =	vpop (xrf0);
	(xrf0) =	vadd.scan.msk.s32 $0xffff, v11;
	v8 =	vnsel vm0, $0x0, v8;
	vm5 =	vmand vm2, vm3  }
0x34c: {  	s30 =	spop (v2sf);
	v48, _, _ =	vpop (xrf0);
	(xrf0) =	vadd.scan.msk.s32 $0xffff, v8;
	v15 =	vnsel vm5, $0x0, v46  }
0x34d: {  	s0 =	spop (v2sf);
	v49, _, _ =	vpop (xrf0);
	v12 =	vnsel vm5, $0x0, v12;
	(xrf0) =	vadd.scan.msk.s32 $0xffff, v15  }
0x34e: {  	s1 =	spop (v2sf);
	v13 =	vnsel vm0, $0x0, v13;
	v50, _, _ =	vpop (xrf0);
	(xrf0) =	vadd.scan.msk.s32 $0xffff, v12  }
0x34f: {  	v10 =	vperm.xlane v10, v2;
	s2 =	spop (v2sf);
	(v2sf) =	vpush v48, $0xF;
	v51, _, _ =	vpop (xrf0);
	(xrf0) =	vadd.scan.msk.s32 $0xffff, v13  }
0x350: {  	s2 =	sadd.s32 s31, s2;
	(v2sf) =	vpush v49, $0xF;
	s4 =	spop (v2sf);
	v52, _, _ =	vpop (xrf0);
	(xrf0) =	vadd.scan.msk.s32 $0xffff, v14  }
0x351: {  	v53 =	vmov s29;
	v6 =	vsub.s32 v4, v6;
	(v2sf) =	vpush v50, $0xF;
	s4 =	sadd.s32 s2, s4;
	v54, _, _ =	vpop (xrf0);
	s12 =	spop (v2sf);
	(xrf0) =	vadd.scan.msk.s32 $0xffff, v10  }
0x352: {  	v60 =	vmov s26;
	(v2sf) =	vpush v51, $0xF;
	v8 =	vadd.s32 s4, v52;
	s18 =	spop (v2sf);
	v55, _, _ =	vpop (xrf0)  }
0x353: {  	v12 =	vsub.s32 v4, v53;
	v13 =	vadd.s32 s2, v54;
	v7 =	vsub.s32 v8, v7;
	s29 =	spop (v2sf);
	v56, _, _ =	vpop (xrf0)  }
0x354: {  	v11 =	vsub.s32 v13, v11;
	vm8 =	vge.s32 v8, v5;
	vm9 =	vlt.s32 v7, v5;
	s31 =	spop (v2sf);
	v57, _, _ =	vpop (xrf0)  }
0x355: {  	vm6 =	vge.s32 v13, v5;
	vm7 =	vlt.s32 v11, v5;
	vm10 =	vmand vm8, vm9;
	s5 =	spop (v2sf);
	v58, _, _ =	vpop (xrf0)  }
0x356: {  	(v2sf) =	vpush v47, $0xF;
	vm0 =	vmand vm6, vm7;
	v6 =	vnsel vm10, $0x0, v6;
	s2 =	sadd.s32 s4, s5;
	v59, _, _ =	vpop (xrf0);
	s13 =	spop (v2sf)  }
0x357: {  	v7 =	vnsel vm10, $0x0, v7;
	v12 =	vnsel vm0, $0x0, v12;
	v11 =	vnsel vm0, $0x0, v11;
	v61, _, _ =	vpop (xrf0);
	s4 =	sadd.s32 s2, s13  }
0x358: {  	(xrf0) =	vadd.scan.msk.s32 $0xffff, v6;
	v6 =	vsub.s32 v4, v9;
	v62 =	vadd.s32 s2, v61;
	v16 =	vadd.s32 s4, v59  }
0x359: {  	v10 =	vsub.s32 v62, v10;
	vm13 =	vge.s32 v62, v5;
	v63 =	vsub.s32 v16, v14  }
0x35a: {  	(xrf0) =	vadd.scan.msk.s32 $0xffff, v12;
	vm14 =	vlt.s32 v10, v5;
	vm11 =	vge.s32 v16, v5;
	vm12 =	vlt.s32 v63, v5  }
0x35b: {  	(xrf0) =	vadd.scan.msk.s32 $0xffff, v11;
	vm15 =	vmand vm13, vm14;
	v5 =	vsub.s32 v4, v60;
	vm0 =	vmand vm11, vm12  }
0x35c: {  	(v2sf) =	vpush v55, $0xF;
	(xrf0) =	vadd.scan.msk.s32 $0xffff, v7;
	v5 =	vnsel vm15, $0x0, v5;
	v6 =	vnsel vm0, $0x0, v6  }
0x35d: {  	(v2sf) =	vpush v56, $0xF;
	(xrf0) =	vadd.scan.msk.s32 $0xffff, v6;
	v6 =	vnsel vm15, $0x0, v10  }
0x35e: {  	(v2sf) =	vpush v57, $0xF;
	(xrf0) =	vadd.scan.msk.s32 $0xffff, v5  }
0x35f: {  	(v2sf) =	vpush v58, $0xF;
	v7 =	vnsel vm0, $0x0, v63;
	v5, _, _ =	vpop (xrf0);
	(xrf0) =	vadd.scan.msk.s32 $0xffff, v6  }
0x360: {  	(v2sf) =	vpush v5, $0xF;
	v6, _, _ =	vpop (xrf0);
	(xrf0) =	vadd.scan.msk.s32 $0xffff, v7  }
0x361: {  	(v2sf) =	vpush v6, $0xF;
	v5, _, _ =	vpop (xrf0)  }
0x362: {  	(v2sf) =	vpush v5, $0xF;
	v5, _, _ =	vpop (xrf0)  }
0x363: {  	(v2sf) =	vpush v5, $0xF;
	v5, _, _ =	vpop (xrf0)  }
0x364: {  	v6, _, _ =	vpop (xrf0);
	(v2sf) =	vpush v5, $0xF  }
0x365: {  	(v2sf) =	vpush v6, $0xF;
	v5, _, _ =	vpop (xrf0)  }
0x366: {  	s2 =	spop (v2sf);
	(v2sf) =	vpush v5, $0xF;
	v5, _, _ =	vpop (xrf0)  }
0x367: {  	s4 =	spop (v2sf);
	(v2sf) =	vpush v5, $0xF  }
0x368: {  	s5 =	spop (v2sf)  }
0x369: {  	s13 =	spop (v2sf)  }
0x36a: {  	p0 =	por $0x1, $0x1;
	s26 =	spop (v2sf)  }
0x36b: {  	s24 =	sadd.s32 s24, s30;
	s0 =	sadd.s32 s25, s0;
	s26 =	spop (v2sf)  }
0x36c: {  	s24 =	sadd.s32 s28, s24;
	s0 =	sadd.s32 s1, s0;
	s25 =	spop (v2sf)  }
0x36d: {  	s1 =	simm.s32 $0x10020;
	s18 =	sadd.s32 s24, s18;
	s28 =	spop (v2sf)  }
0x36e: {  	s0 =	sadd.s32 s0, s29;
	s12 =	sadd.s32 s12, s18;
	s30 =	spop (v2sf)  }
0x36f: {  	s0 =	sadd.s32 s31, s0;
	s4 =	sadd.s32 s12, s4;
	s31 =	spop (v2sf)  }
0x370: {  	s0 =	sadd.s32 s0, s5;
	s2 =	sadd.s32 s2, s4;
	s12 =	spop (v2sf)  }
0x371: {  	s0 =	sadd.s32 s13, s0;
	s2 =	sadd.s32 s2, s25;
	s13 =	spop (v2sf)  }
0x372: {  	s0 =	sadd.s32 s0, s28;
	s2 =	sadd.s32 s26, s2;
	s25 =	spop (v2sf)  }
.Ltmp20:
0x373: {  	s0 =	sadd.s32 s30, s0;
	s26 =	spop (v2sf);
	(pc) =	sbr.rel @!p0 .LBB2_37-.Ltmp20, $4  }
0x374: {  	s2 =	sadd.s32 s2, s12;
	s0 =	sadd.s32 s0, s13;
	s28 =	spop (v2sf)  }
0x375: {  	[tilespmem:s1+$0xFFFFFFE0] =	vst v0;
	s2 =	sadd.s32 s31, s2;
	s0 =	sadd.s32 s25, s0;
	s29 =	spop (v2sf)  }
0x376: {  	[tilespmem:s1+$0x10] =	vst v0;
	s2 =	sadd.s32 s2, s28;
	s30 =	sadd.s32 s0, s29;
	s31 =	spop (v2sf)  }
0x377: {  	[tilespmem:s1+$0x0] =	vst v0;
	s12 =	simm.s32 $0x0;
	s0 =	sadd.s32 s26, s2;
	s24 =	sadd.s32 s31, s30  }
.LBB2_36:
0x378: {  	s12 =	sadd.s32 $0x4, s12  }
0x379: {  	[tilespmem:s1+$0xFFFFFFF0] =	vst v0;
	s1 =	sadd.s32 $0x40, s1;
	p0 =	slt.u32 s12, $0x3C  }
.Ltmp21:
0x37a: {  	[tilespmem:s1+$0xFFFFFFE0] =	vst v0;
	(pc) =	sbr.rel @p0 .LBB2_36-.Ltmp21, $3  }
0x37b: {  	_ =	sdelay $0x1  }
0x37c: {  	[tilespmem:s1+$0x10] =	vst v0  }
0x37d: {  	[tilespmem:s1+$0x0] =	vst v0  }
.LBB2_37:
0x37e: {  	[tilespmem:s1+$0xFFFFFFF0] =	vst v0;
	s31 =	simm.s32 $0x8040  }
0x37f: {  	v7 =	vld [tilespmem:s31+$0x30]  }
0x380: {  	v6 =	vld [tilespmem:s31+$0xFFFFFFD0]  }
0x381: {  	v8 =	vld [tilespmem:s31+$0xFFFFFFE0]  }
0x382: {  	v10 =	vld [tilespmem:s31+$0xFFFFFFF0]  }
0x383: {  	v12 =	vld [tilespmem:s31+$0x0]  }
0x384: {  	s30 =	sshll.u32 s22, $0xB;
	v13 =	vld [tilespmem:s31+$0x10]  }
0x385: {  	s22 =	sor.u32 s30, s0;
	v15 =	vld [tilespmem:s31+$0xFFFFFFC0]  }
0x386: {  	v5 =	vmov s22;
	v9 =	vshrl.u32 v7, $0xA  }
0x387: {  	v11 =	vshrl.u32 v6, $0xA;
	v14 =	vand.u32 $0x3FF, v6;
	v16 =	vshrl.u32 v8, $0xA  }
0x388: {  	v6 =	vld [tilespmem:s31+$0x20];
	v59 =	vshrl.u32 v10, $0xA;
	v7 =	vand.u32 $0x3FF, v7;
	v9 =	vand.u32 $0x1FFFFF, v9  }
0x389: {  	v60 =	vshrl.u32 v12, $0xA;
	v11 =	vand.u32 $0x1FFFFF, v11;
	vm4 =	veq.s32 v9, v5  }
0x38a: {  	v61 =	vshrl.u32 v13, $0xA;
	v17 =	vshrl.u32 v15, $0xA;
	vm7 =	veq.s32 v11, v5  }
0x38b: {  	v10 =	vand.u32 $0x3FF, v10;
	v63 =	vand.u32 $0x1FFFFF, v17;
	v9 =	vand.u32 $0x1FFFFF, v16  }
0x38c: {  	v11 =	vand.u32 $0x1FFFFF, v59;
	vm5 =	veq.s32 v63, v5;
	vm0 =	veq.s32 v9, v5  }
0x38d: {  	v9 =	vand.u32 $0x1FFFFF, v60;
	vm1 =	veq.s32 v11, v5;
	v62 =	vshrl.u32 v6, $0xA  }
0x38e: {  	v11 =	vand.u32 $0x1FFFFF, v61;
	vm2 =	veq.s32 v9, v5;
	v9 =	vand.u32 $0x1FFFFF, v62  }
0x38f: {  	vm3 =	veq.s32 v11, v5;
	v11 =	vand.u32 $0x3FF, v15;
	vm6 =	veq.s32 v9, v5;
	[tilespmem:v7+s15+$0x0] =	vst.idx.add.s32.msk vm4, v1  }
0x390: {  	s1 =	simm.s32 $0x80C0;
	s0 =	simm.s32 $0x0;
	v9 =	vand.u32 $0x3FF, v8;
	v8 =	vand.u32 $0x3FF, v12;
	[tilespmem:v14+s15+$0x0] =	vst.idx.add.s32.msk vm7, v1;
	v7 =	vand.u32 $0x3FF, v13  }
.LBB2_38:
0x391: {  	v12 =	vld [tilespmem:s1+$0x30];
	s0 =	sadd.s32 $0x8, s0;
	v13 =	vand.u32 $0x3FF, v6;
	vm4 =	vmmov vm6  }
0x392: {  	v6 =	vld [tilespmem:s1+$0xFFFFFFD0];
	p0 =	slt.u32 s0, $0x7F8  }
0x393: {  	v14 =	vld [tilespmem:s1+$0xFFFFFFE0]  }
0x394: {  	v15 =	vld [tilespmem:s1+$0xFFFFFFF0]  }
0x395: {  	v16 =	vld [tilespmem:s1+$0x0]  }
0x396: {  	v17 =	vld [tilespmem:s1+$0x10];
	v18 =	vshrl.u32 v12, $0xA  }
0x397: {  	v19 =	vshrl.u32 v6, $0xA;
	v20 =	vand.u32 $0x3FF, v6;
	v6 =	vld [tilespmem:s1+$0x20];
	v18 =	vand.u32 $0x1FFFFF, v18  }
0x398: {  	v21 =	vld [tilespmem:s1+$0xFFFFFFC0];
	v19 =	vand.u32 $0x1FFFFF, v19;
	v22 =	vshrl.u32 v14, $0xA;
	vm7 =	veq.s32 v18, v5  }
0x399: {  	v12 =	vand.u32 $0x3FF, v12;
	v18 =	vand.u32 $0x1FFFFF, v22;
	v22 =	vshrl.u32 v15, $0xA;
	[tilespmem:v11+s15+$0x0] =	vst.idx.add.s32.msk vm5, v1  }
0x39a: {  	vm8 =	veq.s32 v19, v5;
	v11 =	vand.u32 $0x1FFFFF, v22;
	v19 =	vshrl.u32 v16, $0xA;
	[tilespmem:v9+s15+$0x0] =	vst.idx.add.s32.msk vm0, v1  }
0x39b: {  	vm0 =	veq.s32 v18, v5;
	v9 =	vand.u32 $0x1FFFFF, v19;
	v18 =	vshrl.u32 v17, $0xA;
	[tilespmem:v10+s15+$0x0] =	vst.idx.add.s32.msk vm1, v1  }
.Ltmp22:
0x39c: {  	vm1 =	veq.s32 v11, v5;
	v10 =	vand.u32 $0x1FFFFF, v18;
	v11 =	vshrl.u32 v6, $0xA;
	[tilespmem:v8+s15+$0x0] =	vst.idx.add.s32.msk vm2, v1;
	(pc) =	sbr.rel @p0 .LBB2_38-.Ltmp22, $4  }
0x39d: {  	vm2 =	veq.s32 v9, v5;
	v8 =	vshrl.u32 v21, $0xA;
	v9 =	vand.u32 $0x1FFFFF, v11;
	[tilespmem:v7+s15+$0x0] =	vst.idx.add.s32.msk vm3, v1  }
0x39e: {  	vm3 =	veq.s32 v10, v5;
	v7 =	vand.u32 $0x1FFFFF, v8;
	vm6 =	veq.s32 v9, v5;
	[tilespmem:v12+s15+$0x0] =	vst.idx.add.s32.msk vm7, v1  }
0x39f: {  	v11 =	vand.u32 $0x3FF, v21;
	v9 =	vand.u32 $0x3FF, v14;
	vm5 =	veq.s32 v7, v5;
	[tilespmem:v13+s15+$0x0] =	vst.idx.add.s32.msk vm4, v1  }
0x3a0: {  	s1 =	sadd.s32 $0x80, s1;
	v10 =	vand.u32 $0x3FF, v15;
	v8 =	vand.u32 $0x3FF, v16;
	v7 =	vand.u32 $0x3FF, v17;
	[tilespmem:v20+s15+$0x0] =	vst.idx.add.s32.msk vm8, v1  }
0x3a1: {  	_ =	sdelay $0x4  }
0x3a2: {  	v5 =	vand.u32 $0x3FF, v6;
	[tilespmem:v11+s15+$0x0] =	vst.idx.add.s32.msk vm5, v1  }
0x3a3: {  	[tilespmem:v9+s15+$0x0] =	vst.idx.add.s32.msk vm0, v1  }
0x3a4: {  	[tilespmem:v10+s15+$0x0] =	vst.idx.add.s32.msk vm1, v1  }
0x3a5: {  	[tilespmem:v8+s15+$0x0] =	vst.idx.add.s32.msk vm2, v1  }
0x3a6: {  	[tilespmem:v7+s15+$0x0] =	vst.idx.add.s32.msk vm3, v1  }
0x3a7: {  	s30 =	simm.s32 $0x103F0;
	[tilespmem:v5+s15+$0x0] =	vst.idx.add.s32.msk vm6, v1  }
0x3a8: {  	v6 =	vld [tilespmem:s30+$0x0];
	_ =	sdelay $0x4  }
0x3a9: {  	s31 =	simm.s32 $0x103D0;
	v7 =	vld [tilespmem:s30+$0xFFFFFFF0];
	(xrf0) =	vadd.scan.msk.s32 $0xffff, v6  }
0x3aa: {  	v8 =	vld [tilespmem:s31+$0x0];
	_ =	sdelay $0x3  }
0x3ab: {  	(xrf0) =	vadd.scan.msk.s32 $0xffff, v7  }
0x3ac: {  	(xrf0) =	vadd.scan.msk.s32 $0xffff, v8;
	v9, _, _ =	vpop (xrf0)  }
0x3ad: {  	(v2sf) =	vpush v9, $0xF  }
0x3ae: {  	v9 =	vld [tilespmem:s31+$0xFFFFFFF0];
	_ =	sdelay $0x1  }
0x3af: {  	s1 =	simm.s32 $0x103B0  }
0x3b0: {  	v10 =	vld [tilespmem:s1+$0x0];
	v11, _, _ =	vpop (xrf0)  }
0x3b1: {  	v6 =	vperm.xlane v6, v2;
	(v2sf) =	vpush v11, $0xF;
	v11, _, _ =	vpop (xrf0)  }
0x3b2: {  	v7 =	vperm.xlane v7, v2;
	(v2sf) =	vpush v11, $0xF;
	(xrf0) =	vadd.scan.msk.s32 $0xffff, v9  }
0x3b3: {  	(xrf0) =	vadd.scan.msk.s32 $0xffff, v6  }
0x3b4: {  	(xrf0) =	vadd.scan.msk.s32 $0xffff, v7  }
0x3b5: {  	v12 =	vld [tilespmem:s1+$0xFFFFFFF0];
	(xrf0) =	vadd.scan.msk.s32 $0xffff, v10;
	_ =	sdelay $0x1  }
0x3b6: {  	s2 =	simm.s32 $0x10390  }
0x3b7: {  	v11 =	vld [tilespmem:s2+$0x0];
	v13, _, _ =	vpop (xrf0)  }
0x3b8: {  	v14 =	vld [tilespmem:s2+$0xFFFFFFF0];
	v8 =	vperm.xlane v8, v2;
	v15, _, _ =	vpop (xrf0)  }
0x3b9: {  	s0 =	ssub.s32 s23, s24;
	s23 =	simm.s32 $0x0;
	v9 =	vperm.xlane v9, v2;
	(xrf0) =	vadd.scan.msk.s32 $0xffff, v12;
	(v2sf) =	vpush v13, $0xF;
	v13, _, _ =	vpop (xrf0)  }
0x3ba: {  	v5 =	vmov s0;
	(xrf0) =	vadd.scan.msk.s32 $0xffff, v8;
	v15 =	vadd.s32 s23, v15;
	v16, _, _ =	vpop (xrf0);
	s4 =	spop (v2sf)  }
0x3bb: {  	(xrf0) =	vadd.scan.msk.s32 $0xffff, v9;
	v6 =	vsub.s32 v15, v6;
	vm0 =	vge.s32 v15, v5;
	(v2sf) =	vpush v16, $0xF;
	s0 =	sadd.s32 $0x0, s4  }
0x3bc: {  	s1 =	simm.s32 $0x10;
	(xrf0) =	vadd.scan.msk.s32 $0xffff, v11;
	v16 =	vmov s23;
	vm1 =	vlt.s32 v6, v5;
	v13 =	vadd.s32 s0, v13  }
0x3bd: {  	v6 =	vmov s1;
	(xrf0) =	vadd.scan.msk.s32 $0xffff, v14;
	v16 =	vsub.s32 v3, v16;
	v7 =	vsub.s32 v13, v7  }
0x3be: {  	vm0 =	vmand vm0, vm1;
	vm1 =	vge.s32 v13, v5;
	vm2 =	vlt.s32 v7, v5  }
0x3bf: {  	v15, _, _ =	vpop (xrf0);
	v6 =	vsub.s32 v3, v6;
	s2 =	spop (v2sf);
	v13 =	vnsel vm0, $0x0, v16;
	vm0 =	vmand vm1, vm2  }
0x3c0: {  	s5 =	simm.s32 $0x10370;
	(v2sf) =	vpush v15, $0xF;
	s0 =	sadd.s32 s0, s2;
	s12 =	spop (v2sf);
	v7, _, _ =	vpop (xrf0);
	v6 =	vnsel vm0, $0x0, v6  }
0x3c1: {  	v10 =	vperm.xlane v10, v2;
	v16 =	vld [tilespmem:s5+$0x0];
	s2 =	sadd.s32 s0, s12;
	v17, _, _ =	vpop (xrf0);
	(xrf0) =	vadd.scan.msk.s32 $0xffff, v13;
	v7 =	vadd.s32 s0, v7  }
0x3c2: {  	v18 =	vperm.xlane v12, v2;
	v15 =	vld [tilespmem:s5+$0xFFFFFFF0];
	v13, _, _ =	vpop (xrf0);
	(xrf0) =	vadd.scan.msk.s32 $0xffff, v6;
	v12 =	vadd.s32 s2, v17;
	v8 =	vsub.s32 v7, v8  }
0x3c3: {  	s13 =	simm.s32 $0x20;
	vm0 =	vge.s32 v7, v5;
	(v2sf) =	vpush v13, $0xF;
	v6, _, _ =	vpop (xrf0);
	(xrf0) =	vadd.scan.msk.s32 $0xffff, v10;
	v7 =	vsub.s32 v12, v9  }
0x3c4: {  	vm1 =	vlt.s32 v8, v5;
	(v2sf) =	vpush v6, $0xF;
	v6 =	vmov s13  }
0x3c5: {  	s18 =	simm.s32 $0x30;
	(xrf0) =	vadd.scan.msk.s32 $0xffff, v18;
	vm2 =	vlt.s32 v7, v5;
	vm0 =	vmand vm0, vm1;
	v6 =	vsub.s32 v3, v6  }
0x3c6: {  	vm1 =	vge.s32 v12, v5;
	v7 =	vmov s18;
	(xrf0) =	vadd.scan.msk.s32 $0xffff, v16;
	v9 =	vnsel vm0, $0x0, v6  }
0x3c7: {  	v7 =	vsub.s32 v3, v7;
	vm0 =	vmand vm1, vm2;
	v8, _, _ =	vpop (xrf0);
	(xrf0) =	vadd.scan.msk.s32 $0xffff, v15  }
0x3c8: {  	v7 =	vnsel vm0, $0x0, v7;
	v13, _, _ =	vpop (xrf0);
	(xrf0) =	vadd.scan.msk.s32 $0xffff, v9;
	(v2sf) =	vpush v8, $0xF  }
0x3c9: {  	s24 =	simm.s32 $0x10350;
	s25 =	spop (v2sf);
	v9, _, _ =	vpop (xrf0);
	(xrf0) =	vadd.scan.msk.s32 $0xffff, v7;
	(v2sf) =	vpush v13, $0xF  }
0x3ca: {  	v6 =	vld [tilespmem:s24+$0x0];
	s1 =	sadd.s32 s2, s25  }
0x3cb: {  	v17 =	vperm.xlane v11, v2;
	s4 =	spop (v2sf);
	v8 =	vadd.s32 s1, v9;
	v9, _, _ =	vpop (xrf0)  }
0x3cc: {  	v12 =	vperm.xlane v14, v2;
	v7 =	vld [tilespmem:s24+$0xFFFFFFF0];
	s1 =	sadd.s32 s1, s4;
	v13, _, _ =	vpop (xrf0);
	v10 =	vsub.s32 v8, v10  }
0x3cd: {  	s26 =	simm.s32 $0x40;
	(xrf0) =	vadd.scan.msk.s32 $0xffff, v17;
	vm0 =	vge.s32 v8, v5;
	v8 =	vadd.s32 s1, v9;
	(v2sf) =	vpush v13, $0xF;
	v9, _, _ =	vpop (xrf0)  }
0x3ce: {  	v11 =	vmov s26;
	(xrf0) =	vadd.scan.msk.s32 $0xffff, v12;
	(v2sf) =	vpush v9, $0xF;
	v9, _, _ =	vpop (xrf0)  }
0x3cf: {  	v11 =	vsub.s32 v3, v11;
	s29 =	spop (v2sf);
	v13 =	vsub.s32 v8, v18;
	(xrf0) =	vadd.scan.msk.s32 $0xffff, v6;
	(v2sf) =	vpush v9, $0xF;
	v9, _, _ =	vpop (xrf0)  }
0x3d0: {  	s28 =	simm.s32 $0x50;
	vm1 =	vlt.s32 v10, v5;
	vm2 =	vlt.s32 v13, v5;
	(v2sf) =	vpush v9, $0xF  }
0x3d1: {  	vm0 =	vmand vm0, vm1;
	vm1 =	vge.s32 v8, v5;
	v8 =	vmov s28;
	(xrf0) =	vadd.scan.msk.s32 $0xffff, v7  }
0x3d2: {  	s24 =	simm.s32 $0x60;
	v10 =	vnsel vm0, $0x0, v11;
	v8 =	vsub.s32 v3, v8;
	vm0 =	vmand vm1, vm2  }
0x3d3: {  	vm4 =	vmmov vm6;
	s0 =	sadd.s32 s1, s29;
	s1 =	simm.s32 $0x10330;
	v13 =	vmov s24;
	(xrf0) =	vadd.scan.msk.s32 $0xffff, v10;
	v9 =	vnsel vm0, $0x0, v8;
	v14, _, _ =	vpop (xrf0);
	s30 =	spop (v2sf)  }
0x3d4: {  	v11 =	vperm.xlane v16, v2;
	v10 =	vperm.xlane v15, v2;
	v8 =	vld [tilespmem:s1+$0x0];
	v14 =	vadd.s32 s0, v14;
	v18, _, _ =	vpop (xrf0);
	(xrf0) =	vadd.scan.msk.s32 $0xffff, v9;
	s0 =	sadd.s32 s0, s30;
	s31 =	spop (v2sf)  }
0x3d5: {  	s12 =	simm.s32 $0xC;
	v9 =	vld [tilespmem:s1+$0xFFFFFFF0];
	v15 =	vsub.s32 v14, v17;
	vm0 =	vge.s32 v14, v5;
	v16, _, _ =	vpop (xrf0);
	v14 =	vadd.s32 s0, v18;
	s0 =	sadd.s32 s0, s31  }
.LBB2_40:
0x3d6: {  	(v2sf) =	vpush v16, $0xF  }
0x3d7: {  	s12 =	sadd.s32 $0x2, s12;
	v16, _, _ =	vpop (xrf0);
	(xrf0) =	vadd.scan.msk.s32 $0xffff, v11;
	s2 =	sadd.s32 $0x10, s24;
	v13 =	vsub.s32 v3, v13;
	v17 =	vsub.s32 v14, v12;
	s4 =	spop (v2sf);
	vm1 =	vlt.s32 v15, v5  }
0x3d8: {  	v15 =	vmovc v6;
	p0 =	slt.u32 s12, $0x3E;
	(v2sf) =	vpush v16, $0xF;
	(xrf0) =	vadd.scan.msk.s32 $0xffff, v10;
	vm2 =	vlt.s32 v17, v5;
	s4 =	sadd.s32 s23, s4;
	s5 =	spop (v2sf);
	v16 =	vmov s2  }
0x3d9: {  	vm0 =	vmand vm0, vm1;
	vm1 =	vge.s32 v14, v5;
	(xrf0) =	vadd.scan.msk.s32 $0xffff, v8;
	v12, _, _ =	vpop (xrf0);
	s23 =	sadd.s32 s5, s4  }
0x3da: {  	v13 =	vnsel vm0, $0x0, v13;
	v17 =	vsub.s32 v3, v16;
	(xrf0) =	vadd.scan.msk.s32 $0xffff, v9;
	(v2sf) =	vpush v12, $0xF;
	v6, _, _ =	vpop (xrf0)  }
.Ltmp23:
0x3db: {  	vm0 =	vmand vm1, vm2;
	(v2sf) =	vpush v6, $0xF;
	v6 =	vmovc v8;
	v16 =	vmovc v7;
	v7 =	vmov v9;
	(pc) =	sbr.rel @p0 .LBB2_40-.Ltmp23, $4  }
0x3dc: {  	s1 =	sadd.s32 $0xFFFFFFE0, s1;
	s24 =	sadd.s32 $0x20, s24;
	v14 =	vmovc v11;
	v12 =	vmov v10;
	v9 =	vnsel vm0, $0x0, v17;
	(xrf0) =	vadd.scan.msk.s32 $0xffff, v13  }
0x3dd: {  	v13 =	vmov s24;
	v8 =	vld [tilespmem:s1+$0x0];
	v17, _, _ =	vpop (xrf0);
	s2 =	spop (v2sf);
	(xrf0) =	vadd.scan.msk.s32 $0xffff, v9  }
0x3de: {  	v11 =	vperm.xlane v15, v2;
	v10 =	vperm.xlane v16, v2;
	v9 =	vld [tilespmem:s1+$0xFFFFFFF0];
	v17 =	vadd.s32 s0, v17;
	s0 =	sadd.s32 s0, s2;
	v18, _, _ =	vpop (xrf0);
	s2 =	spop (v2sf)  }
0x3df: {  	v16, _, _ =	vpop (xrf0);
	v15 =	vsub.s32 v17, v14;
	vm0 =	vge.s32 v17, v5;
	v14 =	vadd.s32 s0, v18;
	s0 =	sadd.s32 s0, s2  }
0x3e0: {  	(xrf0) =	vadd.scan.msk.s32 $0xffff, v11  }
0x3e1: {  	(xrf0) =	vadd.scan.msk.s32 $0xffff, v10  }
0x3e2: {  	(xrf0) =	vadd.scan.msk.s32 $0xffff, v8  }
0x3e3: {  	v17, _, _ =	vpop (xrf0);
	(v2sf) =	vpush v16, $0xF;
	v13 =	vsub.s32 v3, v13;
	v12 =	vsub.s32 v14, v12  }
0x3e4: {  	vm1 =	vlt.s32 v15, v5;
	v6 =	vperm.xlane v6, v2;
	v7 =	vperm.xlane v7, v2;
	v18, _, _ =	vpop (xrf0)  }
0x3e5: {  	s1 =	sadd.s32 $0x10, s24;
	s25 =	spop (v2sf);
	(v2sf) =	vpush v17, $0xF;
	vm2 =	vlt.s32 v12, v5;
	vm0 =	vmand vm0, vm1;
	v58, _, _ =	vpop (xrf0)  }
0x3e6: {  	vm1 =	vge.s32 v14, v5;
	s26 =	spop (v2sf);
	v15 =	vmov s1;
	v13 =	vnsel vm0, $0x0, v13;
	v12, _, _ =	vpop (xrf0)  }
0x3e7: {  	s2 =	sadd.s32 $0x20, s24;
	v15 =	vsub.s32 v3, v15;
	vm0 =	vmand vm1, vm2;
	(v2sf) =	vpush v18, $0xF;
	s29 =	spop (v2sf);
	v14, _, _ =	vpop (xrf0)  }
0x3e8: {  	v60 =	vmov s2;
	v15 =	vnsel vm0, $0x0, v15;
	(v2sf) =	vpush v58, $0xF;
	s4 =	sadd.s32 s0, s29;
	v59, _, _ =	vpop (xrf0)  }
0x3e9: {  	v12 =	vadd.s32 s0, v12;
	v14 =	vadd.s32 s4, v14;
	(v2sf) =	vpush v59, $0xF  }
0x3ea: {  	(xrf0) =	vadd.scan.msk.s32 $0xffff, v9;
	v11 =	vsub.s32 v12, v11;
	vm0 =	vge.s32 v12, v5;
	v10 =	vsub.s32 v14, v10  }
0x3eb: {  	s30 =	sadd.s32 $0x10, s2;
	(xrf0) =	vadd.scan.msk.s32 $0xffff, v13;
	v12 =	vsub.s32 v3, v60;
	vm1 =	vlt.s32 v11, v5;
	vm2 =	vlt.s32 v10, v5  }
0x3ec: {  	(xrf0) =	vadd.scan.msk.s32 $0xffff, v15;
	vm0 =	vmand vm0, vm1;
	vm1 =	vge.s32 v14, v5;
	v10 =	vmov s30  }
0x3ed: {  	(xrf0) =	vadd.scan.msk.s32 $0xffff, v6;
	v11 =	vnsel vm0, $0x0, v12;
	v10 =	vsub.s32 v3, v10;
	vm0 =	vmand vm1, vm2  }
0x3ee: {  	(xrf0) =	vadd.scan.msk.s32 $0xffff, v7;
	v10 =	vnsel vm0, $0x0, v10  }
0x3ef: {  	v8 =	vperm.xlane v8, v2;
	(xrf0) =	vadd.scan.msk.s32 $0xffff, v11  }
0x3f0: {  	s5 =	spop (v2sf);
	v11, _, _ =	vpop (xrf0);
	(xrf0) =	vadd.scan.msk.s32 $0xffff, v10  }
0x3f1: {  	s2 =	sadd.s32 $0x20, s2;
	v9 =	vperm.xlane v9, v2;
	s0 =	spop (v2sf);
	v10, _, _ =	vpop (xrf0);
	(xrf0) =	vadd.scan.msk.s32 $0xffff, v8  }
0x3f2: {  	s29 =	sadd.s32 $0x10, s2;
	s1 =	spop (v2sf);
	v12, _, _ =	vpop (xrf0)  }
0x3f3: {  	v19 =	vmov s2;
	s2 =	sadd.s32 $0x20, s2;
	s4 =	sadd.s32 s4, s5;
	s13 =	spop (v2sf);
	(xrf0) =	vadd.scan.msk.s32 $0xffff, v9;
	v13, _, _ =	vpop (xrf0)  }
0x3f4: {  	v63 =	vmov s29;
	v21 =	vmov s2;
	s2 =	sadd.s32 $0x10, s2;
	s5 =	sadd.s32 s4, s13;
	v14, _, _ =	vpop (xrf0);
	v13 =	vadd.s32 s4, v13  }
0x3f5: {  	v22 =	vmov s2;
	s31 =	spop (v2sf);
	v15, _, _ =	vpop (xrf0);
	v14 =	vadd.s32 s5, v14;
	v6 =	vsub.s32 v13, v6  }
0x3f6: {  	s12 =	spop (v2sf);
	vm0 =	vge.s32 v13, v5;
	v61, _, _ =	vpop (xrf0);
	v7 =	vsub.s32 v14, v7;
	vm1 =	vlt.s32 v6, v5  }
0x3f7: {  	s28 =	sadd.s32 s5, s31;
	s18 =	spop (v2sf);
	v6 =	vsub.s32 v3, v19;
	v62, _, _ =	vpop (xrf0);
	vm2 =	vlt.s32 v7, v5;
	vm0 =	vmand vm0, vm1  }
0x3f8: {  	vm1 =	vge.s32 v14, v5;
	v17 =	vadd.s32 s28, v62;
	v6 =	vnsel vm0, $0x0, v6;
	s30 =	spop (v2sf)  }
0x3f9: {  	v20, _, _ =	vpop (xrf0);
	vm1 =	vmand vm1, vm2;
	v7 =	vsub.s32 v17, v8;
	vm0 =	vge.s32 v17, v5;
	s31 =	sadd.s32 s28, s30  }
0x3fa: {  	vm2 =	vlt.s32 v7, v5;
	v7 =	vsub.s32 v3, v63;
	v20 =	vadd.s32 s31, v20  }
0x3fb: {  	v8 =	vsub.s32 v3, v21;
	v7 =	vnsel vm1, $0x0, v7;
	v9 =	vsub.s32 v20, v9  }
0x3fc: {  	(xrf0) =	vadd.scan.msk.s32 $0xffff, v6;
	vm0 =	vmand vm0, vm2;
	vm2 =	vge.s32 v20, v5;
	vm1 =	vlt.s32 v9, v5  }
0x3fd: {  	v6 =	vsub.s32 v3, v22;
	(xrf0) =	vadd.scan.msk.s32 $0xffff, v7;
	v5 =	vnsel vm0, $0x0, v8;
	vm0 =	vmand vm2, vm1  }
0x3fe: {  	(v2sf) =	vpush v11, $0xF;
	(xrf0) =	vadd.scan.msk.s32 $0xffff, v5;
	v6 =	vnsel vm0, $0x0, v6  }
0x3ff: {  	(v2sf) =	vpush v10, $0xF;
	(xrf0) =	vadd.scan.msk.s32 $0xffff, v6  }
0x400: {  	(v2sf) =	vpush v12, $0xF  }
0x401: {  	(v2sf) =	vpush v15, $0xF  }
0x402: {  	(v2sf) =	vpush v61, $0xF;
	v5, _, _ =	vpop (xrf0)  }
0x403: {  	(v2sf) =	vpush v5, $0xF;
	v5, _, _ =	vpop (xrf0)  }
0x404: {  	(v2sf) =	vpush v5, $0xF;
	v5, _, _ =	vpop (xrf0)  }
0x405: {  	(v2sf) =	vpush v5, $0xF;
	v5, _, _ =	vpop (xrf0)  }
0x406: {  	(v2sf) =	vpush v5, $0xF;
	_ =	sdelay $0x2  }
0x407: {  	s5 =	sadd.s32 s23, s25  }
0x408: {  	s2 =	sadd.s32 s26, s5  }
0x409: {  	s0 =	sadd.s32 s2, s0  }
0x40a: {  	s0 =	sadd.s32 s1, s0  }
0x40b: {  	s0 =	sadd.s32 s0, s12;
	s13 =	spop (v2sf)  }
0x40c: {  	s0 =	sadd.s32 s18, s0;
	s1 =	spop (v2sf)  }
0x40d: {  	s0 =	sadd.s32 s0, s1;
	s23 =	spop (v2sf)  }
0x40e: {  	s0 =	sadd.s32 s23, s0;
	s24 =	spop (v2sf)  }
0x40f: {  	s0 =	sadd.s32 s0, s24;
	s25 =	spop (v2sf)  }
0x410: {  	s1 =	sadd.s32 s25, s0;
	s0 =	simm.s32 $0x8040;
	s26 =	spop (v2sf)  }
0x411: {  	v13 =	vld [tilespmem:s0+$0x30];
	s1 =	sadd.s32 s1, s26;
	s28 =	spop (v2sf)  }
0x412: {  	v12 =	vld [tilespmem:s0+$0xFFFFFFD0];
	s1 =	sadd.s32 s28, s1;
	s29 =	spop (v2sf)  }
0x413: {  	v11 =	vld [tilespmem:s0+$0xFFFFFFE0];
	s1 =	sadd.s32 s1, s29;
	s30 =	spop (v2sf)  }
0x414: {  	s31 =	sshll.u32 s22, $0xA;
	v10 =	vld [tilespmem:s0+$0xFFFFFFF0];
	s1 =	sadd.s32 s30, s1  }
0x415: {  	v9 =	vld [tilespmem:s0+$0x0];
	s1 =	sor.u32 s31, s1  }
0x416: {  	v7 =	vld [tilespmem:s0+$0x10];
	v8 =	vand.u32 $0x7FFFFFFF, v13;
	v5 =	vmov s1  }
0x417: {  	v6 =	vld [tilespmem:s0+$0x20];
	v14 =	vand.u32 $0x7FFFFFFF, v12;
	vm1 =	vgt.s32 v5, v8  }
0x418: {  	s12 =	simm.s32 $0x80C0;
	s1 =	simm.s32 $0x0;
	v8 =	vld [tilespmem:s0+$0xFFFFFFC0];
	vm0 =	vgt.s32 v5, v14;
	v14 =	vand.u32 $0x7FFFFFFF, v11;
	v13 =	vsel vm1, $0x0, v13  }
.LBB2_42:
0x419: {  	v15 =	vld [tilespmem:s12+$0x30];
	s1 =	sadd.s32 $0x8, s1;
	v16 =	vsel vm0, $0x0, v12;
	vm0 =	vgt.s32 v5, v14;
	v14 =	vand.u32 $0x7FFFFFFF, v10;
	[tilespmem:s0+$0x30] =	vst v13  }
0x41a: {  	v12 =	vld [tilespmem:s12+$0xFFFFFFD0];
	p0 =	slt.u32 s1, $0x3F8;
	[tilespmem:s0+$0xFFFFFFD0] =	vst v16;
	v13 =	vsel vm0, $0x0, v11;
	vm0 =	vgt.s32 v5, v14;
	v14 =	vand.u32 $0x7FFFFFFF, v9  }
0x41b: {  	v11 =	vld [tilespmem:s12+$0xFFFFFFE0];
	[tilespmem:s0+$0xFFFFFFE0] =	vst v13;
	v13 =	vsel vm0, $0x0, v10;
	vm0 =	vgt.s32 v5, v14;
	v14 =	vand.u32 $0x7FFFFFFF, v7  }
.Ltmp24:
0x41c: {  	v10 =	vld [tilespmem:s12+$0xFFFFFFF0];
	[tilespmem:s0+$0xFFFFFFF0] =	vst v13;
	v13 =	vsel vm0, $0x0, v9;
	vm0 =	vgt.s32 v5, v14;
	v14 =	vand.u32 $0x7FFFFFFF, v6;
	(pc) =	sbr.rel @p0 .LBB2_42-.Ltmp24, $4  }
0x41d: {  	v9 =	vld [tilespmem:s12+$0x0];
	v16 =	vand.u32 $0x7FFFFFFF, v8;
	[tilespmem:s0+$0x0] =	vst v13;
	v13 =	vsel vm0, $0x0, v7;
	vm0 =	vgt.s32 v5, v14  }
0x41e: {  	v7 =	vld [tilespmem:s12+$0x10];
	v14 =	vand.u32 $0x7FFFFFFF, v15;
	vm1 =	vgt.s32 v5, v16;
	[tilespmem:s0+$0x10] =	vst v13;
	v13 =	vsel vm0, $0x0, v6  }
0x41f: {  	v16 =	vand.u32 $0x7FFFFFFF, v12;
	v6 =	vld [tilespmem:s12+$0x20];
	vm2 =	vgt.s32 v5, v14;
	v17 =	vsel vm1, $0x0, v8;
	[tilespmem:s0+$0x20] =	vst v13  }
0x420: {  	v8 =	vld [tilespmem:s12+$0xFFFFFFC0];
	vm0 =	vgt.s32 v5, v16;
	v14 =	vand.u32 $0x7FFFFFFF, v11;
	v13 =	vsel vm2, $0x0, v15;
	[tilespmem:s0+$0xFFFFFFC0] =	vst v17;
	s0 =	smov.u32 s12;
	s12 =	sadd.s32 $0x80, s12  }
0x421: {  	v12 =	vsel vm0, $0x0, v12;
	vm0 =	vgt.s32 v5, v14;
	v14 =	vand.u32 $0x7FFFFFFF, v10;
	[tilespmem:s0+$0x30] =	vst v13  }
0x422: {  	[tilespmem:s0+$0xFFFFFFD0] =	vst v12;
	v11 =	vsel vm0, $0x0, v11;
	vm0 =	vgt.s32 v5, v14;
	v12 =	vand.u32 $0x7FFFFFFF, v9  }
0x423: {  	[tilespmem:s0+$0xFFFFFFE0] =	vst v11;
	v10 =	vsel vm0, $0x0, v10;
	vm0 =	vgt.s32 v5, v12;
	v11 =	vand.u32 $0x7FFFFFFF, v7  }
0x424: {  	[tilespmem:s0+$0xFFFFFFF0] =	vst v10;
	v9 =	vsel vm0, $0x0, v9;
	vm0 =	vgt.s32 v5, v11;
	v10 =	vand.u32 $0x7FFFFFFF, v6  }
0x425: {  	v11 =	vand.u32 $0x7FFFFFFF, v8;
	[tilespmem:s0+$0x0] =	vst v9;
	v7 =	vsel vm0, $0x0, v7;
	vm0 =	vgt.s32 v5, v10  }
0x426: {  	vm1 =	vgt.s32 v5, v11;
	[tilespmem:s0+$0x10] =	vst v7;
	v6 =	vsel vm0, $0x0, v6  }
0x427: {  	v7 =	vsel vm1, $0x0, v8;
	[tilespmem:s0+$0x20] =	vst v6  }
0x428: {  	s2 =	simm.s32 $0x8000;
	[tilespmem:s0+$0xFFFFFFC0] =	vst v7;
	s0 =	simm.s32 $0xC070  }
0x429: {  	[hbm4b:s6+s10] =	stream.strided.scatter [tilespmem:s2], [sflag:$0x5], $0x4000, s11, s10, $0x38;
	[tilespmem:$0x10800] =	vst v63  }
0x42a: {  	v13 =	vld [tilespmem:s0+$0x0]  }
0x42b: {  	v12 =	vld [tilespmem:s0+$0xFFFFFFA0]  }
0x42c: {  	v11 =	vld [tilespmem:s0+$0xFFFFFFB0]  }
0x42d: {  	v10 =	vld [tilespmem:s0+$0xFFFFFFC0]  }
0x42e: {  	v9 =	vld [tilespmem:s0+$0xFFFFFFD0]  }
0x42f: {  	v7 =	vld [tilespmem:s0+$0xFFFFFFE0];
	v8 =	vand.u32 $0x7FFFFFFF, v13  }
0x430: {  	v6 =	vld [tilespmem:s0+$0xFFFFFFF0];
	v14 =	vand.u32 $0x7FFFFFFF, v12;
	vm1 =	vgt.s32 v5, v8  }
0x431: {  	s1 =	simm.s32 $0x400;
	s12 =	simm.s32 $0xC0F0;
	v8 =	vld [tilespmem:s0+$0xFFFFFF90];
	vm0 =	vgt.s32 v5, v14;
	v14 =	vand.u32 $0x7FFFFFFF, v11;
	v13 =	vsel vm1, $0x0, v13  }
.LBB2_44:
0x432: {  	v15 =	vld [tilespmem:s12+$0x0];
	s1 =	sadd.s32 $0x8, s1;
	v16 =	vsel vm0, $0x0, v12;
	vm0 =	vgt.s32 v5, v14;
	v14 =	vand.u32 $0x7FFFFFFF, v10;
	[tilespmem:s0+$0x0] =	vst v13  }
0x433: {  	v12 =	vld [tilespmem:s12+$0xFFFFFFA0];
	p0 =	slt.u32 s1, $0x7F8;
	[tilespmem:s0+$0xFFFFFFA0] =	vst v16;
	v13 =	vsel vm0, $0x0, v11;
	vm0 =	vgt.s32 v5, v14;
	v14 =	vand.u32 $0x7FFFFFFF, v9  }
0x434: {  	v11 =	vld [tilespmem:s12+$0xFFFFFFB0];
	[tilespmem:s0+$0xFFFFFFB0] =	vst v13;
	v13 =	vsel vm0, $0x0, v10;
	vm0 =	vgt.s32 v5, v14;
	v14 =	vand.u32 $0x7FFFFFFF, v7  }
.Ltmp25:
0x435: {  	v10 =	vld [tilespmem:s12+$0xFFFFFFC0];
	[tilespmem:s0+$0xFFFFFFC0] =	vst v13;
	v13 =	vsel vm0, $0x0, v9;
	vm0 =	vgt.s32 v5, v14;
	v14 =	vand.u32 $0x7FFFFFFF, v6;
	(pc) =	sbr.rel @p0 .LBB2_44-.Ltmp25, $4  }
0x436: {  	v9 =	vld [tilespmem:s12+$0xFFFFFFD0];
	v16 =	vand.u32 $0x7FFFFFFF, v8;
	[tilespmem:s0+$0xFFFFFFD0] =	vst v13;
	v13 =	vsel vm0, $0x0, v7;
	vm0 =	vgt.s32 v5, v14  }
0x437: {  	v7 =	vld [tilespmem:s12+$0xFFFFFFE0];
	v14 =	vand.u32 $0x7FFFFFFF, v15;
	vm1 =	vgt.s32 v5, v16;
	[tilespmem:s0+$0xFFFFFFE0] =	vst v13;
	v13 =	vsel vm0, $0x0, v6  }
0x438: {  	v16 =	vand.u32 $0x7FFFFFFF, v12;
	v6 =	vld [tilespmem:s12+$0xFFFFFFF0];
	vm2 =	vgt.s32 v5, v14;
	v17 =	vsel vm1, $0x0, v8;
	[tilespmem:s0+$0xFFFFFFF0] =	vst v13  }
0x439: {  	v8 =	vld [tilespmem:s12+$0xFFFFFF90];
	vm0 =	vgt.s32 v5, v16;
	v14 =	vand.u32 $0x7FFFFFFF, v11;
	v13 =	vsel vm2, $0x0, v15;
	[tilespmem:s0+$0xFFFFFF90] =	vst v17;
	s0 =	smov.u32 s12;
	s12 =	sadd.s32 $0x80, s12  }
0x43a: {  	v12 =	vsel vm0, $0x0, v12;
	vm11 =	vgt.s32 v5, v14;
	v57 =	vand.u32 $0x7FFFFFFF, v10;
	[tilespmem:s0+$0x0] =	vst v13  }
0x43b: {  	[tilespmem:s0+$0xFFFFFFA0] =	vst v12;
	v11 =	vsel vm11, $0x0, v11;
	vm12 =	vgt.s32 v5, v57;
	v58 =	vand.u32 $0x7FFFFFFF, v9  }
0x43c: {  	[tilespmem:s0+$0xFFFFFFB0] =	vst v11;
	v59 =	vsel vm12, $0x0, v10;
	vm13 =	vgt.s32 v5, v58;
	v60 =	vand.u32 $0x7FFFFFFF, v7  }
0x43d: {  	[tilespmem:s0+$0xFFFFFFC0] =	vst v59;
	v61 =	vsel vm13, $0x0, v9;
	vm14 =	vgt.s32 v5, v60;
	v62 =	vand.u32 $0x7FFFFFFF, v6  }
0x43e: {  	v63 =	vand.u32 $0x7FFFFFFF, v8;
	[tilespmem:s0+$0xFFFFFFD0] =	vst v61;
	v7 =	vsel vm14, $0x0, v7;
	vm15 =	vgt.s32 v5, v62  }
0x43f: {  	vm1 =	vgt.s32 v5, v63;
	[tilespmem:s0+$0xFFFFFFE0] =	vst v7;
	v5 =	vsel vm15, $0x0, v6  }
0x440: {  	v6 =	vsel vm1, $0x0, v8;
	[tilespmem:s0+$0xFFFFFFF0] =	vst v5  }
0x441: {  	s31 =	simm.s32 $0xC000;
	[tilespmem:s0+$0xFFFFFF90] =	vst v6  }
0x442: {  	[hbm4b:s8+s10] =	stream.strided.scatter [tilespmem:s31], [sflag:$0x1], $0x4000, s11, s10, $0x38;
	[tilespmem:$0x10800] =	vst v63  }
0x443: {  	_ =	swait.ge [sflag:s19], $0x8000  }
0x444: {  	[sflag:s19] =	ssyncset.done $0x0  }
0x445: {  	s21 =	sadd.s32 $0x1, s21;
	[sflag:s19] =	ssyncadd.s32 $0xFFFF8000  }
0x446: {  	p0 =	sne.s32 s21, s9;
	_ =	swait.ge [sflag:s20], $0x4000  }
.Ltmp26:
0x447: {  	[sflag:s20] =	ssyncset.done $0x0;
	(pc) =	sbr.rel @p0 .LBB2_1-.Ltmp26, $4  }
0x448: {  	[sflag:s20] =	ssyncadd.s32 $0xFFFFC000  }
0x449: {  	_ =	swait.ge [sflag:s14], $0x4000  }
0x44a: {  	[sflag:s14] =	ssyncset.done $0x0  }
0x44b: {  	[sflag:s14] =	ssyncadd.s32 $0xFFFFC000  }
0x44c: {  	_ =	sfence.sel $0x180000  }
0x44d: {  	[bflag:$0x0] =	sbarrier.arrive $0xFFFF  }
0x44e: {  	_ =	strace $0x90000047  }
0x44f: {  	s0 =	stileid.u32;
	[bflag:$0x2] =	sbarrier.arrive $0xFFFF  }
0x450: {  	p0 =	sne.s32 s0, $0x0;
	s0 =	rddreg [dreg:$0x2]  }
0x451: {  	s0 =	sadd.s32 @!p0 $0x100000, s0  }
0x452: {  	[sflag:s0] =	ssyncadd.tile.s32 @!p0 $0x1;
	_ =	shalt  }
.Lfunc_end2:
_tile_overlayer_lowered:
.L_overlay_start_2:
0x453: {  	(tag) =	ssettag $0x2  }
0x454: {  	s0 =	rddreg [dreg:$0x0];
	s2 =	stileid.u32  }
0x455: {  	s1 =	rddreg [dreg:$0x1];
	p0 =	sne.s32 s2, $0x0  }
0x456: {  	s3 =	rddreg [dreg:$0x2];
	[bflag:$0x3] =	sbarrier.arrive $0xFFFF;
	s2 =	simm.s32 @!p0 $0x1C06  }
0x457: {  	[timem:s3], [sflag:s2] =	dma.local @!p0 [hbm:s0], s1  }
0x458: {  	s0 =	simm.s32 @!p0 $0x6  }
0x459: {  	_ =	swait.ge @!p0 [sflag:s0], s1  }
0x45a: {  	s1 =	ssub.s32 @!p0 $0x0, s1;
	[sflag:s0] =	ssyncset.done @!p0 $0x0  }
0x45b: {  	[sflag:s0] =	ssyncadd.s32 @!p0 s1  }
0x45c: {  	[bflag:$0x3] =	sbarrier.arrive $0xFFFF  }
0x45d: {  	_ =	shalt  }

</sc_bundles>
